<compile_context>
chip_gen: v7x
topology: tpu7x:2x2x1
jax: 0.10.2.dev20260603
libtpu: 0.0.44.dev20260713+nightly
codegen_flags: <defaults>
</compile_context>

<pallas_src>
import functools

import jax
import jax.numpy as jnp
from jax import lax
from jax.experimental import pallas as pl
from jax.experimental.pallas import tpu as pltpu
from jax.experimental.pallas import tpu_sc as plsc

N = 10000
E = 320000
D = 128
H = 64
G = 64

NC, NS = 2, 16
NW = NC * NS
EPT = E // NW
CH = 125
NCH = EPT // CH
NPAD = 10240
RPT = NPAD // NS

_mesh = plsc.VectorSubcoreMesh(core_axis_name="c", subcore_axis_name="s")
_f32 = jnp.float32
_sc_params = pltpu.CompilerParams(use_tc_tiling_on_sc=False)


def _ids():
    cid = lax.axis_index("c")
    sid = lax.axis_index("s")
    return cid * NS + sid, sid, cid


@functools.partial(
    pl.kernel,
    out_type=jax.ShapeDtypeStruct((NC, NPAD), _f32),
    mesh=_mesh,
    compiler_params=_sc_params,
    scratch_types=[
        pltpu.VMEM((NCH, CH), jnp.int32),
        pltpu.VMEM((CH,), _f32),
        pltpu.VMEM_SHARED((NPAD,), _f32),
        pltpu.SemaphoreType.DMA,
    ],
)
def _deg_kernel(edges4d_hbm, zn_hbm, out_hbm, idxd_v, ones_v, deg_sh, dsem):
    wid, sid, cid = _ids()
    pltpu.sync_copy(zn_hbm, deg_sh.at[pl.ds(sid * RPT, RPT)])
    pltpu.sync_copy(edges4d_hbm.at[1, wid], idxd_v)
    for k in range(0, CH - 15, 16):
        ones_v[pl.ds(k, 16)] = jnp.ones((16,), _f32)
    ones_v[pl.ds(CH - 16, 16)] = jnp.ones((16,), _f32)
    plsc.subcore_barrier()

    def body(j, carry):
        pltpu.async_copy(ones_v, deg_sh.at[idxd_v.at[j]], dsem, add=True)
        return carry

    lax.fori_loop(0, NCH, body, 0)

    def drain(j, carry):
        pltpu.make_async_copy(ones_v, deg_sh.at[idxd_v.at[j]], dsem).wait()
        return carry

    lax.fori_loop(0, NCH, drain, 0)
    plsc.subcore_barrier()
    pltpu.sync_copy(deg_sh.at[pl.ds(sid * RPT, RPT)],
                    out_hbm.at[cid, pl.ds(sid * RPT, RPT)])


@functools.partial(
    pl.kernel,
    out_type=jax.ShapeDtypeStruct((NC, NPAD, H), _f32),
    mesh=_mesh,
    compiler_params=_sc_params,
    scratch_types=[
        pltpu.VMEM((NCH, CH), jnp.int32),
        pltpu.VMEM((NCH, CH), jnp.int32),
        [pltpu.VMEM((CH, H), _f32)] * 8,
        pltpu.VMEM_SHARED((NPAD, H), _f32),
        [pltpu.SemaphoreType.DMA] * 8,
        [pltpu.SemaphoreType.DMA] * 8,
    ],
)
def _agg_kernel(hs_hbm, edges4d_hbm, zrows_hbm, out_hbm,
                idxs_v, idxd_v, bufs, acc_sh, gsems, ssems):
    wid, sid, cid = _ids()
    pltpu.sync_copy(zrows_hbm, acc_sh.at[pl.ds(sid * RPT, RPT)])
    pltpu.sync_copy(edges4d_hbm.at[0, wid], idxs_v)
    pltpu.sync_copy(edges4d_hbm.at[1, wid], idxd_v)
    plsc.subcore_barrier()

    def wait_gather(j, b):
        pltpu.make_async_copy(hs_hbm.at[idxs_v.at[j]], bufs[b],
                              gsems[b]).wait()

    def wait_scatter(j, b):
        pltpu.make_async_copy(bufs[b], acc_sh.at[idxd_v.at[j]],
                              ssems[b]).wait()

    for p in range(4):
        pltpu.async_copy(hs_hbm.at[idxs_v.at[p]], bufs[p], gsems[p])

    def outer(g, carry):
        for b in range(8):
            j = g * 8 + b
            b2 = (b + 4) % 8
            wait_gather(j, b)
            pltpu.async_copy(bufs[b], acc_sh.at[idxd_v.at[j]], ssems[b],
                             add=True)

            @pl.when(j >= 4)
            def _ws():
                wait_scatter(j - 4, b2)

            @pl.when(j + 4 < NCH)
            def _issue():
                pltpu.async_copy(hs_hbm.at[idxs_v.at[j + 4]], bufs[b2],
                                 gsems[b2])
        return carry

    lax.fori_loop(0, NCH // 8, outer, 0)
    for j in range(NCH - 4, NCH):
        wait_scatter(j, j % 8)
    plsc.subcore_barrier()
    pltpu.sync_copy(acc_sh.at[pl.ds(sid * RPT, RPT)],
                    out_hbm.at[cid, pl.ds(sid * RPT, RPT)])


def _mm1_body(degp_ref, x_ref, w1_ref, hs1_ref, dinv_ref):
    deg = degp_ref[0, pl.ds(0, N)] + degp_ref[1, pl.ds(0, N)] + 1.0
    dinv = lax.rsqrt(deg)
    dinv_ref[...] = dinv
    h = jnp.dot(x_ref[...], w1_ref[...], preferred_element_type=_f32)
    hs1_ref[...] = h * dinv[:, None]


def _mm2_body(accp_ref, hs1_ref, dinv_ref, w2_ref, b1_ref, hs2_ref):
    dinv = dinv_ref[...]
    acc = accp_ref[0, pl.ds(0, N), :] + accp_ref[1, pl.ds(0, N), :]
    tot = (acc + hs1_ref[...]) * dinv[:, None]
    h1 = jnp.maximum(tot + b1_ref[...][None, :], 0.0)
    hs2_ref[...] = jnp.dot(h1, w2_ref[...], preferred_element_type=_f32) * dinv[:, None]


def _fin_body(accp_ref, hs2_ref, dinv_ref, b2_ref, batch_ref, wf_ref, bf_ref,
              out_ref):
    dinv = dinv_ref[...]
    acc = accp_ref[0, pl.ds(0, N), :] + accp_ref[1, pl.ds(0, N), :]
    tot = (acc + hs2_ref[...]) * dinv[:, None]
    h2 = jnp.maximum(tot + b2_ref[...][None, :], 0.0)
    b = batch_ref[...]
    onehot_t = (b[None, :] == lax.broadcasted_iota(jnp.int32, (G, N), 0))
    onehot_t = onehot_t.astype(_f32)
    sums = jnp.dot(onehot_t, h2, preferred_element_type=_f32)
    counts = jnp.sum(onehot_t, axis=1)
    pooled = sums / jnp.maximum(counts, 1.0)[:, None]
    z = jnp.dot(pooled, wf_ref[...], preferred_element_type=_f32) + bf_ref[...][None, :]
    out_ref[...] = 1.0 / (1.0 + jnp.exp(-z))


def kernel(x, edge_index, batch, W1, b1, W2, b2, Wf, bf):
    edges4d = edge_index.reshape(2, NW, NCH, CH)
    zn = jnp.zeros((RPT,), _f32)
    zrows = jnp.zeros((RPT, H), _f32)

    degp = _deg_kernel(edges4d, zn)
    hs1, dinv = pl.pallas_call(
        _mm1_body,
        out_shape=[jax.ShapeDtypeStruct((N, H), _f32),
                   jax.ShapeDtypeStruct((N,), _f32)],
    )(degp, x, W1)
    acc1 = _agg_kernel(hs1, edges4d, zrows)
    hs2 = pl.pallas_call(
        _mm2_body,
        out_shape=jax.ShapeDtypeStruct((N, H), _f32),
    )(acc1, hs1, dinv, W2, b1)
    acc2 = _agg_kernel(hs2, edges4d, zrows)
    out = pl.pallas_call(
        _fin_body,
        out_shape=jax.ShapeDtypeStruct((G, 1), _f32),
    )(acc2, hs2, dinv, b2, batch, Wf, bf)
    return out

# --- scband reference (transcript-rebuilt; emitter-appended) ---
"""Pipeline reference for scband-gnndetector-24026047054409 (READ-ONLY COPY).

The authoritative reference and input builder live on the scoring server;
editing this copy changes nothing except your own understanding.
"""

import jax, jax.numpy as jnp
import numpy as np

N = 10000   # nodes
E = 320000  # edges
D = 128     # node_feature_dim
H = 64      # hidden
G = 64      # graphs in batch


def setup_inputs(seed: int = 0) -> dict:
    key = jax.random.key(seed)
    ks = jax.random.split(key, 9)
    x = jax.random.normal(ks[0], (N, D), dtype=jnp.float32)
    edge_index = jax.random.randint(ks[1], (2, E), 0, N, dtype=jnp.int32)
    batch = jnp.sort(jax.random.randint(ks[2], (N,), 0, G, dtype=jnp.int32))
    W1 = jax.random.normal(ks[3], (D, H), dtype=jnp.float32) * 0.05
    b1 = jnp.zeros((H,), dtype=jnp.float32)
    W2 = jax.random.normal(ks[4], (H, H), dtype=jnp.float32) * 0.05
    b2 = jnp.zeros((H,), dtype=jnp.float32)
    Wf = jax.random.normal(ks[5], (H, 1), dtype=jnp.float32) * 0.05
    bf = jnp.zeros((1,), dtype=jnp.float32)
    return {"x": x, "edge_index": edge_index, "batch": batch,
            "W1": W1, "b1": b1, "W2": W2, "b2": b2, "Wf": Wf, "bf": bf}


def _gcn_conv(x, edge_index, W, b):
    # PyG GCNConv semantics: add self-loops, symmetric normalization,
    # linear transform then scatter-add aggregation.
    loop = jnp.arange(N, dtype=edge_index.dtype)
    src = jnp.concatenate([edge_index[0], loop])
    dst = jnp.concatenate([edge_index[1], loop])
    deg = jnp.zeros((N,), x.dtype).at[dst].add(1.0)
    dinv = jnp.where(deg > 0, deg ** -0.5, 0.0)
    norm = dinv[src] * dinv[dst]
    h = x @ W
    msgs = h[src] * norm[:, None]
    out = jnp.zeros((N, W.shape[1]), x.dtype).at[dst].add(msgs)
    return out + b


def reference(x, edge_index, batch, W1, b1, W2, b2, Wf, bf):
    h = jax.nn.relu(_gcn_conv(x, edge_index, W1, b1))
    h = jax.nn.relu(_gcn_conv(h, edge_index, W2, b2))
    sums = jax.ops.segment_sum(h, batch, num_segments=G)
    counts = jax.ops.segment_sum(jnp.ones((N, 1), h.dtype), batch, num_segments=G)
    pooled = sums / jnp.maximum(counts, 1.0)
    return jax.nn.sigmoid(pooled @ Wf + bf)

if __name__ == "__main__":
    import jax
    _d = setup_inputs()
    print(jax.jit(kernel)(*tuple(_d.values())))

</pallas_src>

<mosaic_0001>
#map = affine_map<(d0, d1) -> (0, 0, 0, 0)>
#map1 = affine_map<(d0, d1) -> (0)>
#map2 = affine_map<(d0, d1) -> (0, 0)>
module attributes {stable_mosaic.version = 14 : i64} {
  func.func @_deg_kernel(%arg0: i32, %arg1: i32, %arg2: memref<2x32x80x125xi32, #tpu.memory_space<hbm>>, %arg3: memref<640xf32, #tpu.memory_space<hbm>>, %arg4: memref<2x10240xf32, #tpu.memory_space<hbm>>, %arg5: memref<80x125xi32, #tpu.memory_space<vmem>>, %arg6: memref<125xf32, #tpu.memory_space<vmem>>, %arg7: memref<10240xf32, #tpu.memory_space<vmem_shared>>, %arg8: memref<!tpu.dma_semaphore, #tpu.memory_space<semaphore_mem>>) attributes {dimension_semantics = [#tpu.dimension_semantics<core_parallel>, #tpu.dimension_semantics<subcore_parallel>], iteration_bounds = array<i64: 2, 16>, scalar_prefetch = 0 : i64, scratch_operands = 4 : i64, tpu.core_type = #tpu.core_type<sc_vector_subcore>, window_params = [{transform_indices = #map}, {transform_indices = #map1}, {transform_indices = #map2}]} {
    %mul3A = arith.constant 16 : i32
    %mul3A_0 = arith.muli %arg0, %mul3A : i32
    %add3A = arith.addi %mul3A_0, %arg1 : i32
    %mul3A_1 = arith.constant 640 : i32
    %mul3A_2 = arith.muli %arg1, %mul3A_1 : i32
    "tpu.region"() ({
      %run_scoped3A_65 = tpu.sem_alloc : memref<!tpu.dma_semaphore, #tpu.memory_space<semaphore_mem>>
      %dma_start3A = tpu.memref_slice %arg7[%mul3A_2] : memref<10240xf32, #tpu.memory_space<vmem_shared>> -> memref<640xf32, #tpu.memory_space<vmem_shared>>
      tpu.enqueue_dma source(%arg3 : memref<640xf32, #tpu.memory_space<hbm>>) target(%dma_start3A : memref<640xf32, #tpu.memory_space<vmem_shared>>) target_semaphore(%run_scoped3A_65 : memref<!tpu.dma_semaphore, #tpu.memory_space<semaphore_mem>>)
      %dma_wait3A = tpu.memref_slice %arg7[%mul3A_2] : memref<10240xf32, #tpu.memory_space<vmem_shared>> -> memref<640xf32, #tpu.memory_space<vmem_shared>>
      tpu.wait_dma2 semaphore(%run_scoped3A_65 : memref<!tpu.dma_semaphore, #tpu.memory_space<semaphore_mem>>) src(%arg3 : memref<640xf32, #tpu.memory_space<hbm>>) dst(%dma_wait3A : memref<640xf32, #tpu.memory_space<vmem_shared>>)
      tpu.yield
    }) : () -> ()
    %run_scoped3A = arith.constant 1 : i32
    "tpu.region"() ({
      %run_scoped3A_65 = tpu.sem_alloc : memref<!tpu.dma_semaphore, #tpu.memory_space<semaphore_mem>>
      %dma_start3A = arith.constant 0 : i32
      %dma_start3A_66 = arith.constant 0 : i32
      %dma_start3A_67 = tpu.memref_slice %arg2[%run_scoped3A, %add3A, %dma_start3A, %dma_start3A_66] : memref<2x32x80x125xi32, #tpu.memory_space<hbm>> -> memref<1x1x80x125xi32, #tpu.memory_space<hbm>>
      %dma_start3A_68 = tpu.memref_squeeze %dma_start3A_67 : memref<1x1x80x125xi32, #tpu.memory_space<hbm>> -> memref<80x125xi32, #tpu.memory_space<hbm>>
      %dma_start3A_69 = arith.constant 0 : i32
      %dma_start3A_70 = arith.constant 0 : i32
      %dma_start3A_71 = tpu.memref_slice %arg2[%run_scoped3A, %add3A, %dma_start3A_69, %dma_start3A_70] : memref<2x32x80x125xi32, #tpu.memory_space<hbm>> -> memref<1x1x80x125xi32, #tpu.memory_space<hbm>>
      %dma_start3A_72 = tpu.memref_squeeze %dma_start3A_71 : memref<1x1x80x125xi32, #tpu.memory_space<hbm>> -> memref<80x125xi32, #tpu.memory_space<hbm>>
      tpu.enqueue_dma source(%dma_start3A_72 : memref<80x125xi32, #tpu.memory_space<hbm>>) target(%arg5 : memref<80x125xi32, #tpu.memory_space<vmem>>) target_semaphore(%run_scoped3A_65 : memref<!tpu.dma_semaphore, #tpu.memory_space<semaphore_mem>>)
      %dma_wait3A = arith.constant 0 : i32
      %dma_wait3A_73 = arith.constant 0 : i32
      %dma_wait3A_74 = tpu.memref_slice %arg2[%run_scoped3A, %add3A, %dma_wait3A, %dma_wait3A_73] : memref<2x32x80x125xi32, #tpu.memory_space<hbm>> -> memref<1x1x80x125xi32, #tpu.memory_space<hbm>>
      %dma_wait3A_75 = tpu.memref_squeeze %dma_wait3A_74 : memref<1x1x80x125xi32, #tpu.memory_space<hbm>> -> memref<80x125xi32, #tpu.memory_space<hbm>>
      %dma_wait3A_76 = arith.constant 0 : i32
      %dma_wait3A_77 = arith.constant 0 : i32
      %dma_wait3A_78 = tpu.memref_slice %arg2[%run_scoped3A, %add3A, %dma_wait3A_76, %dma_wait3A_77] : memref<2x32x80x125xi32, #tpu.memory_space<hbm>> -> memref<1x1x80x125xi32, #tpu.memory_space<hbm>>
      %dma_wait3A_79 = tpu.memref_squeeze %dma_wait3A_78 : memref<1x1x80x125xi32, #tpu.memory_space<hbm>> -> memref<80x125xi32, #tpu.memory_space<hbm>>
      tpu.wait_dma2 semaphore(%run_scoped3A_65 : memref<!tpu.dma_semaphore, #tpu.memory_space<semaphore_mem>>) src(%dma_wait3A_79 : memref<80x125xi32, #tpu.memory_space<hbm>>) dst(%arg5 : memref<80x125xi32, #tpu.memory_space<vmem>>)
      tpu.yield
    }) : () -> ()
    %broadcast_in_dim3A = arith.constant 1.000000e+00 : f32
    %broadcast_in_dim3A_3 = vector.broadcast %broadcast_in_dim3A : f32 to vector<16xf32>
    %swap3A = arith.constant 0 : index
    %swap3A_4 = tpu.vector_load %arg6[%swap3A] {strides = array<i32>} : memref<125xf32, #tpu.memory_space<vmem>>, vector<16xf32>,
    %swap3A_5 = vector.shape_cast %swap3A_4 : vector<16xf32> to vector<16xf32>
    %swap3A_6 = vector.shape_cast %broadcast_in_dim3A_3 : vector<16xf32> to vector<16xf32>
    tpu.vector_store %arg6[%swap3A], %swap3A_6 {strides = array<i32>} : memref<125xf32, #tpu.memory_space<vmem>>, vector<16xf32>,
    %broadcast_in_dim3A_7 = arith.constant 1.000000e+00 : f32
    %broadcast_in_dim3A_8 = vector.broadcast %broadcast_in_dim3A_7 : f32 to vector<16xf32>
    %swap3A_9 = arith.constant 16 : index
    %swap3A_10 = tpu.vector_load %arg6[%swap3A_9] {strides = array<i32>} : memref<125xf32, #tpu.memory_space<vmem>>, vector<16xf32>,
    %swap3A_11 = vector.shape_cast %swap3A_10 : vector<16xf32> to vector<16xf32>
    %swap3A_12 = vector.shape_cast %broadcast_in_dim3A_8 : vector<16xf32> to vector<16xf32>
    tpu.vector_store %arg6[%swap3A_9], %swap3A_12 {strides = array<i32>} : memref<125xf32, #tpu.memory_space<vmem>>, vector<16xf32>,
    %broadcast_in_dim3A_13 = arith.constant 1.000000e+00 : f32
    %broadcast_in_dim3A_14 = vector.broadcast %broadcast_in_dim3A_13 : f32 to vector<16xf32>
    %swap3A_15 = arith.constant 32 : index
    %swap3A_16 = tpu.vector_load %arg6[%swap3A_15] {strides = array<i32>} : memref<125xf32, #tpu.memory_space<vmem>>, vector<16xf32>,
    %swap3A_17 = vector.shape_cast %swap3A_16 : vector<16xf32> to vector<16xf32>
    %swap3A_18 = vector.shape_cast %broadcast_in_dim3A_14 : vector<16xf32> to vector<16xf32>
    tpu.vector_store %arg6[%swap3A_15], %swap3A_18 {strides = array<i32>} : memref<125xf32, #tpu.memory_space<vmem>>, vector<16xf32>,
    %broadcast_in_dim3A_19 = arith.constant 1.000000e+00 : f32
    %broadcast_in_dim3A_20 = vector.broadcast %broadcast_in_dim3A_19 : f32 to vector<16xf32>
    %swap3A_21 = arith.constant 48 : index
    %swap3A_22 = tpu.vector_load %arg6[%swap3A_21] {strides = array<i32>} : memref<125xf32, #tpu.memory_space<vmem>>, vector<16xf32>,
    %swap3A_23 = vector.shape_cast %swap3A_22 : vector<16xf32> to vector<16xf32>
    %swap3A_24 = vector.shape_cast %broadcast_in_dim3A_20 : vector<16xf32> to vector<16xf32>
    tpu.vector_store %arg6[%swap3A_21], %swap3A_24 {strides = array<i32>} : memref<125xf32, #tpu.memory_space<vmem>>, vector<16xf32>,
    %broadcast_in_dim3A_25 = arith.constant 1.000000e+00 : f32
    %broadcast_in_dim3A_26 = vector.broadcast %broadcast_in_dim3A_25 : f32 to vector<16xf32>
    %swap3A_27 = arith.constant 64 : index
    %swap3A_28 = tpu.vector_load %arg6[%swap3A_27] {strides = array<i32>} : memref<125xf32, #tpu.memory_space<vmem>>, vector<16xf32>,
    %swap3A_29 = vector.shape_cast %swap3A_28 : vector<16xf32> to vector<16xf32>
    %swap3A_30 = vector.shape_cast %broadcast_in_dim3A_26 : vector<16xf32> to vector<16xf32>
    tpu.vector_store %arg6[%swap3A_27], %swap3A_30 {strides = array<i32>} : memref<125xf32, #tpu.memory_space<vmem>>, vector<16xf32>,
    %broadcast_in_dim3A_31 = arith.constant 1.000000e+00 : f32
    %broadcast_in_dim3A_32 = vector.broadcast %broadcast_in_dim3A_31 : f32 to vector<16xf32>
    %swap3A_33 = arith.constant 80 : index
    %swap3A_34 = tpu.vector_load %arg6[%swap3A_33] {strides = array<i32>} : memref<125xf32, #tpu.memory_space<vmem>>, vector<16xf32>,
    %swap3A_35 = vector.shape_cast %swap3A_34 : vector<16xf32> to vector<16xf32>
    %swap3A_36 = vector.shape_cast %broadcast_in_dim3A_32 : vector<16xf32> to vector<16xf32>
    tpu.vector_store %arg6[%swap3A_33], %swap3A_36 {strides = array<i32>} : memref<125xf32, #tpu.memory_space<vmem>>, vector<16xf32>,
    %broadcast_in_dim3A_37 = arith.constant 1.000000e+00 : f32
    %broadcast_in_dim3A_38 = vector.broadcast %broadcast_in_dim3A_37 : f32 to vector<16xf32>
    %swap3A_39 = arith.constant 96 : index
    %swap3A_40 = tpu.vector_load %arg6[%swap3A_39] {strides = array<i32>} : memref<125xf32, #tpu.memory_space<vmem>>, vector<16xf32>,
    %swap3A_41 = vector.shape_cast %swap3A_40 : vector<16xf32> to vector<16xf32>
    %swap3A_42 = vector.shape_cast %broadcast_in_dim3A_38 : vector<16xf32> to vector<16xf32>
    tpu.vector_store %arg6[%swap3A_39], %swap3A_42 {strides = array<i32>} : memref<125xf32, #tpu.memory_space<vmem>>, vector<16xf32>,
    %broadcast_in_dim3A_43 = arith.constant 1.000000e+00 : f32
    %broadcast_in_dim3A_44 = vector.broadcast %broadcast_in_dim3A_43 : f32 to vector<16xf32>
    %swap3A_45 = arith.constant 109 : index
    %swap3A_46 = tpu.vector_load %arg6[%swap3A_45] {strides = array<i32>} : memref<125xf32, #tpu.memory_space<vmem>>, vector<16xf32>,
    %swap3A_47 = vector.shape_cast %swap3A_46 : vector<16xf32> to vector<16xf32>
    %swap3A_48 = vector.shape_cast %broadcast_in_dim3A_44 : vector<16xf32> to vector<16xf32>
    tpu.vector_store %arg6[%swap3A_45], %swap3A_48 {strides = array<i32>} : memref<125xf32, #tpu.memory_space<vmem>>, vector<16xf32>,
    %barrier3A = arith.constant 0 : index
    tpu.barrier barrier_id(%barrier3A)
    %scan3A = arith.constant 0 : i32
    %scan3A_49 = arith.constant 0 : i32
    %scan3A_50 = arith.constant 80 : i32
    %scan3A_51 = arith.addi %scan3A_49, %scan3A_50 : i32
    %scan3A_52 = arith.constant 1 : i32
    scf.for %scan3A_65 = %scan3A_49 to %scan3A_51 step %scan3A_52  : i32 {
      %dma_start3A = arith.constant 0 : i32
      %dma_start3A_66 = tpu.memref_slice %arg5[%scan3A_65, %dma_start3A] : memref<80x125xi32, #tpu.memory_space<vmem>> -> memref<1x125xi32, #tpu.memory_space<vmem>>
      %dma_start3A_67 = tpu.memref_squeeze %dma_start3A_66 : memref<1x125xi32, #tpu.memory_space<vmem>> -> memref<125xi32, #tpu.memory_space<vmem>>
      %dma_start3A_68 = arith.constant 0 : i32
      %dma_start3A_69 = tpu.memref_slice %arg7[%dma_start3A_68] : memref<10240xf32, #tpu.memory_space<vmem_shared>> -> memref<10240xf32, #tpu.memory_space<vmem_shared>>
      tpu.enqueue_indirect_dma source(%arg6 : memref<125xf32, #tpu.memory_space<vmem>>) target(%dma_start3A_69 : memref<10240xf32, #tpu.memory_space<vmem_shared>>) offsets(%dma_start3A_67 : memref<125xi32, #tpu.memory_space<vmem>>) semaphore(%arg8 : memref<!tpu.dma_semaphore, #tpu.memory_space<semaphore_mem>>) {add = true}
    }
    %scan3A_53 = arith.constant 80 : i32
    %scan3A_54 = arith.constant 0 : i32
    %scan3A_55 = arith.constant 0 : i32
    %scan3A_56 = arith.constant 80 : i32
    %scan3A_57 = arith.addi %scan3A_55, %scan3A_56 : i32
    %scan3A_58 = arith.constant 1 : i32
    scf.for %scan3A_65 = %scan3A_55 to %scan3A_57 step %scan3A_58  : i32 {
      %dma_wait3A = arith.constant 0 : i32
      %dma_wait3A_66 = tpu.memref_slice %arg5[%scan3A_65, %dma_wait3A] : memref<80x125xi32, #tpu.memory_space<vmem>> -> memref<1x125xi32, #tpu.memory_space<vmem>>
      %dma_wait3A_67 = tpu.memref_squeeze %dma_wait3A_66 : memref<1x125xi32, #tpu.memory_space<vmem>> -> memref<125xi32, #tpu.memory_space<vmem>>
      %dma_wait3A_68 = arith.constant 0 : i32
      %dma_wait3A_69 = tpu.memref_slice %arg7[%dma_wait3A_68] : memref<10240xf32, #tpu.memory_space<vmem_shared>> -> memref<10240xf32, #tpu.memory_space<vmem_shared>>
      tpu.wait_indirect_dma semaphore(%arg8 : memref<!tpu.dma_semaphore, #tpu.memory_space<semaphore_mem>>) src(%arg6 : memref<125xf32, #tpu.memory_space<vmem>>) dst(%dma_wait3A_69 : memref<10240xf32, #tpu.memory_space<vmem_shared>>)
    }
    %scan3A_59 = arith.constant 80 : i32
    %barrier3A_60 = arith.constant 0 : index
    tpu.barrier barrier_id(%barrier3A_60)
    %mul3A_61 = arith.constant 640 : i32
    %mul3A_62 = arith.muli %arg1, %mul3A_61 : i32
    %mul3A_63 = arith.constant 640 : i32
    %mul3A_64 = arith.muli %arg1, %mul3A_63 : i32
    "tpu.region"() ({
      %run_scoped3A_65 = tpu.sem_alloc : memref<!tpu.dma_semaphore, #tpu.memory_space<semaphore_mem>>
      %dma_start3A = tpu.memref_slice %arg4[%arg0, %mul3A_64] : memref<2x10240xf32, #tpu.memory_space<hbm>> -> memref<1x640xf32, #tpu.memory_space<hbm>>
      %dma_start3A_66 = tpu.memref_squeeze %dma_start3A : memref<1x640xf32, #tpu.memory_space<hbm>> -> memref<640xf32, #tpu.memory_space<hbm>>
      %dma_start3A_67 = tpu.memref_slice %arg7[%mul3A_62] : memref<10240xf32, #tpu.memory_space<vmem_shared>> -> memref<640xf32, #tpu.memory_space<vmem_shared>>
      tpu.enqueue_dma source(%dma_start3A_67 : memref<640xf32, #tpu.memory_space<vmem_shared>>) target(%dma_start3A_66 : memref<640xf32, #tpu.memory_space<hbm>>) target_semaphore(%run_scoped3A_65 : memref<!tpu.dma_semaphore, #tpu.memory_space<semaphore_mem>>)
      %dma_wait3A = tpu.memref_slice %arg4[%arg0, %mul3A_64] : memref<2x10240xf32, #tpu.memory_space<hbm>> -> memref<1x640xf32, #tpu.memory_space<hbm>>
      %dma_wait3A_68 = tpu.memref_squeeze %dma_wait3A : memref<1x640xf32, #tpu.memory_space<hbm>> -> memref<640xf32, #tpu.memory_space<hbm>>
      %dma_wait3A_69 = tpu.memref_slice %arg7[%mul3A_62] : memref<10240xf32, #tpu.memory_space<vmem_shared>> -> memref<640xf32, #tpu.memory_space<vmem_shared>>
      tpu.wait_dma2 semaphore(%run_scoped3A_65 : memref<!tpu.dma_semaphore, #tpu.memory_space<semaphore_mem>>) src(%dma_wait3A_69 : memref<640xf32, #tpu.memory_space<vmem_shared>>) dst(%dma_wait3A_68 : memref<640xf32, #tpu.memory_space<hbm>>)
      tpu.yield
    }) : () -> ()
    return
  }
}

#map = affine_map<(d0, d1) -> (0, 0)>
#map1 = affine_map<(d0, d1) -> (0, 0, 0, 0)>
#map2 = affine_map<(d0, d1) -> (0, 0, 0)>
module attributes {stable_mosaic.version = 14 : i64} {
  func.func @_agg_kernel(%arg0: i32, %arg1: i32, %arg2: memref<10000x64xf32, #tpu.memory_space<hbm>>, %arg3: memref<2x32x80x125xi32, #tpu.memory_space<hbm>>, %arg4: memref<640x64xf32, #tpu.memory_space<hbm>>, %arg5: memref<2x10240x64xf32, #tpu.memory_space<hbm>>, %arg6: memref<80x125xi32, #tpu.memory_space<vmem>>, %arg7: memref<80x125xi32, #tpu.memory_space<vmem>>, %arg8: memref<125x64xf32, #tpu.memory_space<vmem>>, %arg9: memref<125x64xf32, #tpu.memory_space<vmem>>, %arg10: memref<125x64xf32, #tpu.memory_space<vmem>>, %arg11: memref<125x64xf32, #tpu.memory_space<vmem>>, %arg12: memref<125x64xf32, #tpu.memory_space<vmem>>, %arg13: memref<125x64xf32, #tpu.memory_space<vmem>>, %arg14: memref<125x64xf32, #tpu.memory_space<vmem>>, %arg15: memref<125x64xf32, #tpu.memory_space<vmem>>, %arg16: memref<10240x64xf32, #tpu.memory_space<vmem_shared>>, %arg17: memref<!tpu.dma_semaphore, #tpu.memory_space<semaphore_mem>>, %arg18: memref<!tpu.dma_semaphore, #tpu.memory_space<semaphore_mem>>, %arg19: memref<!tpu.dma_semaphore, #tpu.memory_space<semaphore_mem>>, %arg20: memref<!tpu.dma_semaphore, #tpu.memory_space<semaphore_mem>>, %arg21: memref<!tpu.dma_semaphore, #tpu.memory_space<semaphore_mem>>, %arg22: memref<!tpu.dma_semaphore, #tpu.memory_space<semaphore_mem>>, %arg23: memref<!tpu.dma_semaphore, #tpu.memory_space<semaphore_mem>>, %arg24: memref<!tpu.dma_semaphore, #tpu.memory_space<semaphore_mem>>, %arg25: memref<!tpu.dma_semaphore, #tpu.memory_space<semaphore_mem>>, %arg26: memref<!tpu.dma_semaphore, #tpu.memory_space<semaphore_mem>>, %arg27: memref<!tpu.dma_semaphore, #tpu.memory_space<semaphore_mem>>, %arg28: memref<!tpu.dma_semaphore, #tpu.memory_space<semaphore_mem>>, %arg29: memref<!tpu.dma_semaphore, #tpu.memory_space<semaphore_mem>>, %arg30: memref<!tpu.dma_semaphore, #tpu.memory_space<semaphore_mem>>, %arg31: memref<!tpu.dma_semaphore, #tpu.memory_space<semaphore_mem>>, %arg32: memref<!tpu.dma_semaphore, #tpu.memory_space<semaphore_mem>>) attributes {dimension_semantics = [#tpu.dimension_semantics<core_parallel>, #tpu.dimension_semantics<subcore_parallel>], iteration_bounds = array<i64: 2, 16>, scalar_prefetch = 0 : i64, scratch_operands = 27 : i64, tpu.core_type = #tpu.core_type<sc_vector_subcore>, window_params = [{transform_indices = #map}, {transform_indices = #map1}, {transform_indices = #map}, {transform_indices = #map2}]} {
    %mul3A = arith.constant 16 : i32
    %mul3A_0 = arith.muli %arg0, %mul3A : i32
    %add3A = arith.addi %mul3A_0, %arg1 : i32
    %mul3A_1 = arith.constant 640 : i32
    %mul3A_2 = arith.muli %arg1, %mul3A_1 : i32
    "tpu.region"() ({
      %run_scoped3A_68 = tpu.sem_alloc : memref<!tpu.dma_semaphore, #tpu.memory_space<semaphore_mem>>
      %dma_start3A_69 = arith.constant 0 : i32
      %dma_start3A_70 = tpu.memref_slice %arg16[%mul3A_2, %dma_start3A_69] : memref<10240x64xf32, #tpu.memory_space<vmem_shared>> -> memref<640x64xf32, #tpu.memory_space<vmem_shared>>
      tpu.enqueue_dma source(%arg4 : memref<640x64xf32, #tpu.memory_space<hbm>>) target(%dma_start3A_70 : memref<640x64xf32, #tpu.memory_space<vmem_shared>>) target_semaphore(%run_scoped3A_68 : memref<!tpu.dma_semaphore, #tpu.memory_space<semaphore_mem>>)
      %dma_wait3A_71 = arith.constant 0 : i32
      %dma_wait3A_72 = tpu.memref_slice %arg16[%mul3A_2, %dma_wait3A_71] : memref<10240x64xf32, #tpu.memory_space<vmem_shared>> -> memref<640x64xf32, #tpu.memory_space<vmem_shared>>
      tpu.wait_dma2 semaphore(%run_scoped3A_68 : memref<!tpu.dma_semaphore, #tpu.memory_space<semaphore_mem>>) src(%arg4 : memref<640x64xf32, #tpu.memory_space<hbm>>) dst(%dma_wait3A_72 : memref<640x64xf32, #tpu.memory_space<vmem_shared>>)
      tpu.yield
    }) : () -> ()
    %run_scoped3A = arith.constant 0 : i32
    "tpu.region"() ({
      %run_scoped3A_68 = tpu.sem_alloc : memref<!tpu.dma_semaphore, #tpu.memory_space<semaphore_mem>>
      %dma_start3A_69 = arith.constant 0 : i32
      %dma_start3A_70 = arith.constant 0 : i32
      %dma_start3A_71 = tpu.memref_slice %arg3[%run_scoped3A, %add3A, %dma_start3A_69, %dma_start3A_70] : memref<2x32x80x125xi32, #tpu.memory_space<hbm>> -> memref<1x1x80x125xi32, #tpu.memory_space<hbm>>
      %dma_start3A_72 = tpu.memref_squeeze %dma_start3A_71 : memref<1x1x80x125xi32, #tpu.memory_space<hbm>> -> memref<80x125xi32, #tpu.memory_space<hbm>>
      %dma_start3A_73 = arith.constant 0 : i32
      %dma_start3A_74 = arith.constant 0 : i32
      %dma_start3A_75 = tpu.memref_slice %arg3[%run_scoped3A, %add3A, %dma_start3A_73, %dma_start3A_74] : memref<2x32x80x125xi32, #tpu.memory_space<hbm>> -> memref<1x1x80x125xi32, #tpu.memory_space<hbm>>
      %dma_start3A_76 = tpu.memref_squeeze %dma_start3A_75 : memref<1x1x80x125xi32, #tpu.memory_space<hbm>> -> memref<80x125xi32, #tpu.memory_space<hbm>>
      tpu.enqueue_dma source(%dma_start3A_76 : memref<80x125xi32, #tpu.memory_space<hbm>>) target(%arg6 : memref<80x125xi32, #tpu.memory_space<vmem>>) target_semaphore(%run_scoped3A_68 : memref<!tpu.dma_semaphore, #tpu.memory_space<semaphore_mem>>)
      %dma_wait3A_77 = arith.constant 0 : i32
      %dma_wait3A_78 = arith.constant 0 : i32
      %dma_wait3A_79 = tpu.memref_slice %arg3[%run_scoped3A, %add3A, %dma_wait3A_77, %dma_wait3A_78] : memref<2x32x80x125xi32, #tpu.memory_space<hbm>> -> memref<1x1x80x125xi32, #tpu.memory_space<hbm>>
      %dma_wait3A_80 = tpu.memref_squeeze %dma_wait3A_79 : memref<1x1x80x125xi32, #tpu.memory_space<hbm>> -> memref<80x125xi32, #tpu.memory_space<hbm>>
      %dma_wait3A_81 = arith.constant 0 : i32
      %dma_wait3A_82 = arith.constant 0 : i32
      %dma_wait3A_83 = tpu.memref_slice %arg3[%run_scoped3A, %add3A, %dma_wait3A_81, %dma_wait3A_82] : memref<2x32x80x125xi32, #tpu.memory_space<hbm>> -> memref<1x1x80x125xi32, #tpu.memory_space<hbm>>
      %dma_wait3A_84 = tpu.memref_squeeze %dma_wait3A_83 : memref<1x1x80x125xi32, #tpu.memory_space<hbm>> -> memref<80x125xi32, #tpu.memory_space<hbm>>
      tpu.wait_dma2 semaphore(%run_scoped3A_68 : memref<!tpu.dma_semaphore, #tpu.memory_space<semaphore_mem>>) src(%dma_wait3A_84 : memref<80x125xi32, #tpu.memory_space<hbm>>) dst(%arg6 : memref<80x125xi32, #tpu.memory_space<vmem>>)
      tpu.yield
    }) : () -> ()
    %run_scoped3A_3 = arith.constant 1 : i32
    "tpu.region"() ({
      %run_scoped3A_68 = tpu.sem_alloc : memref<!tpu.dma_semaphore, #tpu.memory_space<semaphore_mem>>
      %dma_start3A_69 = arith.constant 0 : i32
      %dma_start3A_70 = arith.constant 0 : i32
      %dma_start3A_71 = tpu.memref_slice %arg3[%run_scoped3A_3, %add3A, %dma_start3A_69, %dma_start3A_70] : memref<2x32x80x125xi32, #tpu.memory_space<hbm>> -> memref<1x1x80x125xi32, #tpu.memory_space<hbm>>
      %dma_start3A_72 = tpu.memref_squeeze %dma_start3A_71 : memref<1x1x80x125xi32, #tpu.memory_space<hbm>> -> memref<80x125xi32, #tpu.memory_space<hbm>>
      %dma_start3A_73 = arith.constant 0 : i32
      %dma_start3A_74 = arith.constant 0 : i32
      %dma_start3A_75 = tpu.memref_slice %arg3[%run_scoped3A_3, %add3A, %dma_start3A_73, %dma_start3A_74] : memref<2x32x80x125xi32, #tpu.memory_space<hbm>> -> memref<1x1x80x125xi32, #tpu.memory_space<hbm>>
      %dma_start3A_76 = tpu.memref_squeeze %dma_start3A_75 : memref<1x1x80x125xi32, #tpu.memory_space<hbm>> -> memref<80x125xi32, #tpu.memory_space<hbm>>
      tpu.enqueue_dma source(%dma_start3A_76 : memref<80x125xi32, #tpu.memory_space<hbm>>) target(%arg7 : memref<80x125xi32, #tpu.memory_space<vmem>>) target_semaphore(%run_scoped3A_68 : memref<!tpu.dma_semaphore, #tpu.memory_space<semaphore_mem>>)
      %dma_wait3A_77 = arith.constant 0 : i32
      %dma_wait3A_78 = arith.constant 0 : i32
      %dma_wait3A_79 = tpu.memref_slice %arg3[%run_scoped3A_3, %add3A, %dma_wait3A_77, %dma_wait3A_78] : memref<2x32x80x125xi32, #tpu.memory_space<hbm>> -> memref<1x1x80x125xi32, #tpu.memory_space<hbm>>
      %dma_wait3A_80 = tpu.memref_squeeze %dma_wait3A_79 : memref<1x1x80x125xi32, #tpu.memory_space<hbm>> -> memref<80x125xi32, #tpu.memory_space<hbm>>
      %dma_wait3A_81 = arith.constant 0 : i32
      %dma_wait3A_82 = arith.constant 0 : i32
      %dma_wait3A_83 = tpu.memref_slice %arg3[%run_scoped3A_3, %add3A, %dma_wait3A_81, %dma_wait3A_82] : memref<2x32x80x125xi32, #tpu.memory_space<hbm>> -> memref<1x1x80x125xi32, #tpu.memory_space<hbm>>
      %dma_wait3A_84 = tpu.memref_squeeze %dma_wait3A_83 : memref<1x1x80x125xi32, #tpu.memory_space<hbm>> -> memref<80x125xi32, #tpu.memory_space<hbm>>
      tpu.wait_dma2 semaphore(%run_scoped3A_68 : memref<!tpu.dma_semaphore, #tpu.memory_space<semaphore_mem>>) src(%dma_wait3A_84 : memref<80x125xi32, #tpu.memory_space<hbm>>) dst(%arg7 : memref<80x125xi32, #tpu.memory_space<vmem>>)
      tpu.yield
    }) : () -> ()
    %barrier3A = arith.constant 0 : index
    tpu.barrier barrier_id(%barrier3A)
    %dma_start3A = arith.constant 0 : i32
    %dma_start3A_4 = arith.constant 0 : i32
    %dma_start3A_5 = tpu.memref_slice %arg6[%dma_start3A, %dma_start3A_4] : memref<80x125xi32, #tpu.memory_space<vmem>> -> memref<1x125xi32, #tpu.memory_space<vmem>>
    %dma_start3A_6 = tpu.memref_squeeze %dma_start3A_5 : memref<1x125xi32, #tpu.memory_space<vmem>> -> memref<125xi32, #tpu.memory_space<vmem>>
    %dma_start3A_7 = arith.constant 0 : i32
    %dma_start3A_8 = arith.constant 0 : i32
    %dma_start3A_9 = tpu.memref_slice %arg2[%dma_start3A_7, %dma_start3A_8] : memref<10000x64xf32, #tpu.memory_space<hbm>> -> memref<10000x64xf32, #tpu.memory_space<hbm>>
    tpu.enqueue_indirect_dma source(%dma_start3A_9 : memref<10000x64xf32, #tpu.memory_space<hbm>>) target(%arg8 : memref<125x64xf32, #tpu.memory_space<vmem>>) offsets(%dma_start3A_6 : memref<125xi32, #tpu.memory_space<vmem>>) semaphore(%arg17 : memref<!tpu.dma_semaphore, #tpu.memory_space<semaphore_mem>>)
    %dma_start3A_10 = arith.constant 1 : i32
    %dma_start3A_11 = arith.constant 0 : i32
    %dma_start3A_12 = tpu.memref_slice %arg6[%dma_start3A_10, %dma_start3A_11] : memref<80x125xi32, #tpu.memory_space<vmem>> -> memref<1x125xi32, #tpu.memory_space<vmem>>
    %dma_start3A_13 = tpu.memref_squeeze %dma_start3A_12 : memref<1x125xi32, #tpu.memory_space<vmem>> -> memref<125xi32, #tpu.memory_space<vmem>>
    %dma_start3A_14 = arith.constant 0 : i32
    %dma_start3A_15 = arith.constant 0 : i32
    %dma_start3A_16 = tpu.memref_slice %arg2[%dma_start3A_14, %dma_start3A_15] : memref<10000x64xf32, #tpu.memory_space<hbm>> -> memref<10000x64xf32, #tpu.memory_space<hbm>>
    tpu.enqueue_indirect_dma source(%dma_start3A_16 : memref<10000x64xf32, #tpu.memory_space<hbm>>) target(%arg9 : memref<125x64xf32, #tpu.memory_space<vmem>>) offsets(%dma_start3A_13 : memref<125xi32, #tpu.memory_space<vmem>>) semaphore(%arg18 : memref<!tpu.dma_semaphore, #tpu.memory_space<semaphore_mem>>)
    %dma_start3A_17 = arith.constant 2 : i32
    %dma_start3A_18 = arith.constant 0 : i32
    %dma_start3A_19 = tpu.memref_slice %arg6[%dma_start3A_17, %dma_start3A_18] : memref<80x125xi32, #tpu.memory_space<vmem>> -> memref<1x125xi32, #tpu.memory_space<vmem>>
    %dma_start3A_20 = tpu.memref_squeeze %dma_start3A_19 : memref<1x125xi32, #tpu.memory_space<vmem>> -> memref<125xi32, #tpu.memory_space<vmem>>
    %dma_start3A_21 = arith.constant 0 : i32
    %dma_start3A_22 = arith.constant 0 : i32
    %dma_start3A_23 = tpu.memref_slice %arg2[%dma_start3A_21, %dma_start3A_22] : memref<10000x64xf32, #tpu.memory_space<hbm>> -> memref<10000x64xf32, #tpu.memory_space<hbm>>
    tpu.enqueue_indirect_dma source(%dma_start3A_23 : memref<10000x64xf32, #tpu.memory_space<hbm>>) target(%arg10 : memref<125x64xf32, #tpu.memory_space<vmem>>) offsets(%dma_start3A_20 : memref<125xi32, #tpu.memory_space<vmem>>) semaphore(%arg19 : memref<!tpu.dma_semaphore, #tpu.memory_space<semaphore_mem>>)
    %dma_start3A_24 = arith.constant 3 : i32
    %dma_start3A_25 = arith.constant 0 : i32
    %dma_start3A_26 = tpu.memref_slice %arg6[%dma_start3A_24, %dma_start3A_25] : memref<80x125xi32, #tpu.memory_space<vmem>> -> memref<1x125xi32, #tpu.memory_space<vmem>>
    %dma_start3A_27 = tpu.memref_squeeze %dma_start3A_26 : memref<1x125xi32, #tpu.memory_space<vmem>> -> memref<125xi32, #tpu.memory_space<vmem>>
    %dma_start3A_28 = arith.constant 0 : i32
    %dma_start3A_29 = arith.constant 0 : i32
    %dma_start3A_30 = tpu.memref_slice %arg2[%dma_start3A_28, %dma_start3A_29] : memref<10000x64xf32, #tpu.memory_space<hbm>> -> memref<10000x64xf32, #tpu.memory_space<hbm>>
    tpu.enqueue_indirect_dma source(%dma_start3A_30 : memref<10000x64xf32, #tpu.memory_space<hbm>>) target(%arg11 : memref<125x64xf32, #tpu.memory_space<vmem>>) offsets(%dma_start3A_27 : memref<125xi32, #tpu.memory_space<vmem>>) semaphore(%arg20 : memref<!tpu.dma_semaphore, #tpu.memory_space<semaphore_mem>>)
    %scan3A = arith.constant 0 : i32
    %scan3A_31 = arith.constant 0 : i32
    %scan3A_32 = arith.constant 10 : i32
    %scan3A_33 = arith.addi %scan3A_31, %scan3A_32 : i32
    %scan3A_34 = arith.constant 1 : i32
    scf.for %scan3A_68 = %scan3A_31 to %scan3A_33 step %scan3A_34  : i32 {
      %mul3A_69 = arith.constant 8 : i32
      %mul3A_70 = arith.muli %scan3A_68, %mul3A_69 : i32
      %add3A_71 = arith.constant 0 : i32
      %add3A_72 = arith.addi %mul3A_70, %add3A_71 : i32
      %dma_wait3A_73 = arith.constant 0 : i32
      %dma_wait3A_74 = tpu.memref_slice %arg6[%add3A_72, %dma_wait3A_73] : memref<80x125xi32, #tpu.memory_space<vmem>> -> memref<1x125xi32, #tpu.memory_space<vmem>>
      %dma_wait3A_75 = tpu.memref_squeeze %dma_wait3A_74 : memref<1x125xi32, #tpu.memory_space<vmem>> -> memref<125xi32, #tpu.memory_space<vmem>>
      %dma_wait3A_76 = arith.constant 0 : i32
      %dma_wait3A_77 = arith.constant 0 : i32
      %dma_wait3A_78 = tpu.memref_slice %arg2[%dma_wait3A_76, %dma_wait3A_77] : memref<10000x64xf32, #tpu.memory_space<hbm>> -> memref<10000x64xf32, #tpu.memory_space<hbm>>
      tpu.wait_indirect_dma semaphore(%arg17 : memref<!tpu.dma_semaphore, #tpu.memory_space<semaphore_mem>>) src(%dma_wait3A_78 : memref<10000x64xf32, #tpu.memory_space<hbm>>) dst(%arg8 : memref<125x64xf32, #tpu.memory_space<vmem>>)
      %dma_start3A_79 = arith.constant 0 : i32
      %dma_start3A_80 = tpu.memref_slice %arg7[%add3A_72, %dma_start3A_79] : memref<80x125xi32, #tpu.memory_space<vmem>> -> memref<1x125xi32, #tpu.memory_space<vmem>>
      %dma_start3A_81 = tpu.memref_squeeze %dma_start3A_80 : memref<1x125xi32, #tpu.memory_space<vmem>> -> memref<125xi32, #tpu.memory_space<vmem>>
      %dma_start3A_82 = arith.constant 0 : i32
      %dma_start3A_83 = arith.constant 0 : i32
      %dma_start3A_84 = tpu.memref_slice %arg16[%dma_start3A_82, %dma_start3A_83] : memref<10240x64xf32, #tpu.memory_space<vmem_shared>> -> memref<10240x64xf32, #tpu.memory_space<vmem_shared>>
      tpu.enqueue_indirect_dma source(%arg8 : memref<125x64xf32, #tpu.memory_space<vmem>>) target(%dma_start3A_84 : memref<10240x64xf32, #tpu.memory_space<vmem_shared>>) offsets(%dma_start3A_81 : memref<125xi32, #tpu.memory_space<vmem>>) semaphore(%arg25 : memref<!tpu.dma_semaphore, #tpu.memory_space<semaphore_mem>>) {add = true}
      %ge3A = arith.constant 4 : i32
      %ge3A_85 = arith.cmpi sge, %add3A_72, %ge3A : i32
      %convert_element_type3A = arith.extui %ge3A_85 : i1 to i32
      %cond3A = arith.constant 0 : i32
      %cond3A_86 = arith.cmpi ne, %convert_element_type3A, %cond3A : i32
      scf.if %cond3A_86 {
        %sub3A = arith.constant 4 : i32
        %sub3A_289 = arith.subi %add3A_72, %sub3A : i32
        %dma_wait3A_290 = arith.constant 0 : i32
        %dma_wait3A_291 = tpu.memref_slice %arg7[%sub3A_289, %dma_wait3A_290] : memref<80x125xi32, #tpu.memory_space<vmem>> -> memref<1x125xi32, #tpu.memory_space<vmem>>
        %dma_wait3A_292 = tpu.memref_squeeze %dma_wait3A_291 : memref<1x125xi32, #tpu.memory_space<vmem>> -> memref<125xi32, #tpu.memory_space<vmem>>
        %dma_wait3A_293 = arith.constant 0 : i32
        %dma_wait3A_294 = arith.constant 0 : i32
        %dma_wait3A_295 = tpu.memref_slice %arg16[%dma_wait3A_293, %dma_wait3A_294] : memref<10240x64xf32, #tpu.memory_space<vmem_shared>> -> memref<10240x64xf32, #tpu.memory_space<vmem_shared>>
        tpu.wait_indirect_dma semaphore(%arg29 : memref<!tpu.dma_semaphore, #tpu.memory_space<semaphore_mem>>) src(%arg12 : memref<125x64xf32, #tpu.memory_space<vmem>>) dst(%dma_wait3A_295 : memref<10240x64xf32, #tpu.memory_space<vmem_shared>>)
      } else {
      }
      %add3A_87 = arith.constant 4 : i32
      %add3A_88 = arith.addi %add3A_72, %add3A_87 : i32
      %lt3A = arith.constant 80 : i32
      %lt3A_89 = arith.cmpi slt, %add3A_88, %lt3A : i32
      %convert_element_type3A_90 = arith.extui %lt3A_89 : i1 to i32
      %cond3A_91 = arith.constant 0 : i32
      %cond3A_92 = arith.cmpi ne, %convert_element_type3A_90, %cond3A_91 : i32
      scf.if %cond3A_92 {
        %add3A_289 = arith.constant 4 : i32
        %add3A_290 = arith.addi %add3A_72, %add3A_289 : i32
        %dma_start3A_291 = arith.constant 0 : i32
        %dma_start3A_292 = tpu.memref_slice %arg6[%add3A_290, %dma_start3A_291] : memref<80x125xi32, #tpu.memory_space<vmem>> -> memref<1x125xi32, #tpu.memory_space<vmem>>
        %dma_start3A_293 = tpu.memref_squeeze %dma_start3A_292 : memref<1x125xi32, #tpu.memory_space<vmem>> -> memref<125xi32, #tpu.memory_space<vmem>>
        %dma_start3A_294 = arith.constant 0 : i32
        %dma_start3A_295 = arith.constant 0 : i32
        %dma_start3A_296 = tpu.memref_slice %arg2[%dma_start3A_294, %dma_start3A_295] : memref<10000x64xf32, #tpu.memory_space<hbm>> -> memref<10000x64xf32, #tpu.memory_space<hbm>>
        tpu.enqueue_indirect_dma source(%dma_start3A_296 : memref<10000x64xf32, #tpu.memory_space<hbm>>) target(%arg12 : memref<125x64xf32, #tpu.memory_space<vmem>>) offsets(%dma_start3A_293 : memref<125xi32, #tpu.memory_space<vmem>>) semaphore(%arg21 : memref<!tpu.dma_semaphore, #tpu.memory_space<semaphore_mem>>)
      } else {
      }
      %mul3A_93 = arith.constant 8 : i32
      %mul3A_94 = arith.muli %scan3A_68, %mul3A_93 : i32
      %add3A_95 = arith.constant 1 : i32
      %add3A_96 = arith.addi %mul3A_94, %add3A_95 : i32
      %dma_wait3A_97 = arith.constant 0 : i32
      %dma_wait3A_98 = tpu.memref_slice %arg6[%add3A_96, %dma_wait3A_97] : memref<80x125xi32, #tpu.memory_space<vmem>> -> memref<1x125xi32, #tpu.memory_space<vmem>>
      %dma_wait3A_99 = tpu.memref_squeeze %dma_wait3A_98 : memref<1x125xi32, #tpu.memory_space<vmem>> -> memref<125xi32, #tpu.memory_space<vmem>>
      %dma_wait3A_100 = arith.constant 0 : i32
      %dma_wait3A_101 = arith.constant 0 : i32
      %dma_wait3A_102 = tpu.memref_slice %arg2[%dma_wait3A_100, %dma_wait3A_101] : memref<10000x64xf32, #tpu.memory_space<hbm>> -> memref<10000x64xf32, #tpu.memory_space<hbm>>
      tpu.wait_indirect_dma semaphore(%arg18 : memref<!tpu.dma_semaphore, #tpu.memory_space<semaphore_mem>>) src(%dma_wait3A_102 : memref<10000x64xf32, #tpu.memory_space<hbm>>) dst(%arg9 : memref<125x64xf32, #tpu.memory_space<vmem>>)
      %dma_start3A_103 = arith.constant 0 : i32
      %dma_start3A_104 = tpu.memref_slice %arg7[%add3A_96, %dma_start3A_103] : memref<80x125xi32, #tpu.memory_space<vmem>> -> memref<1x125xi32, #tpu.memory_space<vmem>>
      %dma_start3A_105 = tpu.memref_squeeze %dma_start3A_104 : memref<1x125xi32, #tpu.memory_space<vmem>> -> memref<125xi32, #tpu.memory_space<vmem>>
      %dma_start3A_106 = arith.constant 0 : i32
      %dma_start3A_107 = arith.constant 0 : i32
      %dma_start3A_108 = tpu.memref_slice %arg16[%dma_start3A_106, %dma_start3A_107] : memref<10240x64xf32, #tpu.memory_space<vmem_shared>> -> memref<10240x64xf32, #tpu.memory_space<vmem_shared>>
      tpu.enqueue_indirect_dma source(%arg9 : memref<125x64xf32, #tpu.memory_space<vmem>>) target(%dma_start3A_108 : memref<10240x64xf32, #tpu.memory_space<vmem_shared>>) offsets(%dma_start3A_105 : memref<125xi32, #tpu.memory_space<vmem>>) semaphore(%arg26 : memref<!tpu.dma_semaphore, #tpu.memory_space<semaphore_mem>>) {add = true}
      %ge3A_109 = arith.constant 4 : i32
      %ge3A_110 = arith.cmpi sge, %add3A_96, %ge3A_109 : i32
      %convert_element_type3A_111 = arith.extui %ge3A_110 : i1 to i32
      %cond3A_112 = arith.constant 0 : i32
      %cond3A_113 = arith.cmpi ne, %convert_element_type3A_111, %cond3A_112 : i32
      scf.if %cond3A_113 {
        %sub3A = arith.constant 4 : i32
        %sub3A_289 = arith.subi %add3A_96, %sub3A : i32
        %dma_wait3A_290 = arith.constant 0 : i32
        %dma_wait3A_291 = tpu.memref_slice %arg7[%sub3A_289, %dma_wait3A_290] : memref<80x125xi32, #tpu.memory_space<vmem>> -> memref<1x125xi32, #tpu.memory_space<vmem>>
        %dma_wait3A_292 = tpu.memref_squeeze %dma_wait3A_291 : memref<1x125xi32, #tpu.memory_space<vmem>> -> memref<125xi32, #tpu.memory_space<vmem>>
        %dma_wait3A_293 = arith.constant 0 : i32
        %dma_wait3A_294 = arith.constant 0 : i32
        %dma_wait3A_295 = tpu.memref_slice %arg16[%dma_wait3A_293, %dma_wait3A_294] : memref<10240x64xf32, #tpu.memory_space<vmem_shared>> -> memref<10240x64xf32, #tpu.memory_space<vmem_shared>>
        tpu.wait_indirect_dma semaphore(%arg30 : memref<!tpu.dma_semaphore, #tpu.memory_space<semaphore_mem>>) src(%arg13 : memref<125x64xf32, #tpu.memory_space<vmem>>) dst(%dma_wait3A_295 : memref<10240x64xf32, #tpu.memory_space<vmem_shared>>)
      } else {
      }
      %add3A_114 = arith.constant 4 : i32
      %add3A_115 = arith.addi %add3A_96, %add3A_114 : i32
      %lt3A_116 = arith.constant 80 : i32
      %lt3A_117 = arith.cmpi slt, %add3A_115, %lt3A_116 : i32
      %convert_element_type3A_118 = arith.extui %lt3A_117 : i1 to i32
      %cond3A_119 = arith.constant 0 : i32
      %cond3A_120 = arith.cmpi ne, %convert_element_type3A_118, %cond3A_119 : i32
      scf.if %cond3A_120 {
        %add3A_289 = arith.constant 4 : i32
        %add3A_290 = arith.addi %add3A_96, %add3A_289 : i32
        %dma_start3A_291 = arith.constant 0 : i32
        %dma_start3A_292 = tpu.memref_slice %arg6[%add3A_290, %dma_start3A_291] : memref<80x125xi32, #tpu.memory_space<vmem>> -> memref<1x125xi32, #tpu.memory_space<vmem>>
        %dma_start3A_293 = tpu.memref_squeeze %dma_start3A_292 : memref<1x125xi32, #tpu.memory_space<vmem>> -> memref<125xi32, #tpu.memory_space<vmem>>
        %dma_start3A_294 = arith.constant 0 : i32
        %dma_start3A_295 = arith.constant 0 : i32
        %dma_start3A_296 = tpu.memref_slice %arg2[%dma_start3A_294, %dma_start3A_295] : memref<10000x64xf32, #tpu.memory_space<hbm>> -> memref<10000x64xf32, #tpu.memory_space<hbm>>
        tpu.enqueue_indirect_dma source(%dma_start3A_296 : memref<10000x64xf32, #tpu.memory_space<hbm>>) target(%arg13 : memref<125x64xf32, #tpu.memory_space<vmem>>) offsets(%dma_start3A_293 : memref<125xi32, #tpu.memory_space<vmem>>) semaphore(%arg22 : memref<!tpu.dma_semaphore, #tpu.memory_space<semaphore_mem>>)
      } else {
      }
      %mul3A_121 = arith.constant 8 : i32
      %mul3A_122 = arith.muli %scan3A_68, %mul3A_121 : i32
      %add3A_123 = arith.constant 2 : i32
      %add3A_124 = arith.addi %mul3A_122, %add3A_123 : i32
      %dma_wait3A_125 = arith.constant 0 : i32
      %dma_wait3A_126 = tpu.memref_slice %arg6[%add3A_124, %dma_wait3A_125] : memref<80x125xi32, #tpu.memory_space<vmem>> -> memref<1x125xi32, #tpu.memory_space<vmem>>
      %dma_wait3A_127 = tpu.memref_squeeze %dma_wait3A_126 : memref<1x125xi32, #tpu.memory_space<vmem>> -> memref<125xi32, #tpu.memory_space<vmem>>
      %dma_wait3A_128 = arith.constant 0 : i32
      %dma_wait3A_129 = arith.constant 0 : i32
      %dma_wait3A_130 = tpu.memref_slice %arg2[%dma_wait3A_128, %dma_wait3A_129] : memref<10000x64xf32, #tpu.memory_space<hbm>> -> memref<10000x64xf32, #tpu.memory_space<hbm>>
      tpu.wait_indirect_dma semaphore(%arg19 : memref<!tpu.dma_semaphore, #tpu.memory_space<semaphore_mem>>) src(%dma_wait3A_130 : memref<10000x64xf32, #tpu.memory_space<hbm>>) dst(%arg10 : memref<125x64xf32, #tpu.memory_space<vmem>>)
      %dma_start3A_131 = arith.constant 0 : i32
      %dma_start3A_132 = tpu.memref_slice %arg7[%add3A_124, %dma_start3A_131] : memref<80x125xi32, #tpu.memory_space<vmem>> -> memref<1x125xi32, #tpu.memory_space<vmem>>
      %dma_start3A_133 = tpu.memref_squeeze %dma_start3A_132 : memref<1x125xi32, #tpu.memory_space<vmem>> -> memref<125xi32, #tpu.memory_space<vmem>>
      %dma_start3A_134 = arith.constant 0 : i32
      %dma_start3A_135 = arith.constant 0 : i32
      %dma_start3A_136 = tpu.memref_slice %arg16[%dma_start3A_134, %dma_start3A_135] : memref<10240x64xf32, #tpu.memory_space<vmem_shared>> -> memref<10240x64xf32, #tpu.memory_space<vmem_shared>>
      tpu.enqueue_indirect_dma source(%arg10 : memref<125x64xf32, #tpu.memory_space<vmem>>) target(%dma_start3A_136 : memref<10240x64xf32, #tpu.memory_space<vmem_shared>>) offsets(%dma_start3A_133 : memref<125xi32, #tpu.memory_space<vmem>>) semaphore(%arg27 : memref<!tpu.dma_semaphore, #tpu.memory_space<semaphore_mem>>) {add = true}
      %ge3A_137 = arith.constant 4 : i32
      %ge3A_138 = arith.cmpi sge, %add3A_124, %ge3A_137 : i32
      %convert_element_type3A_139 = arith.extui %ge3A_138 : i1 to i32
      %cond3A_140 = arith.constant 0 : i32
      %cond3A_141 = arith.cmpi ne, %convert_element_type3A_139, %cond3A_140 : i32
      scf.if %cond3A_141 {
        %sub3A = arith.constant 4 : i32
        %sub3A_289 = arith.subi %add3A_124, %sub3A : i32
        %dma_wait3A_290 = arith.constant 0 : i32
        %dma_wait3A_291 = tpu.memref_slice %arg7[%sub3A_289, %dma_wait3A_290] : memref<80x125xi32, #tpu.memory_space<vmem>> -> memref<1x125xi32, #tpu.memory_space<vmem>>
        %dma_wait3A_292 = tpu.memref_squeeze %dma_wait3A_291 : memref<1x125xi32, #tpu.memory_space<vmem>> -> memref<125xi32, #tpu.memory_space<vmem>>
        %dma_wait3A_293 = arith.constant 0 : i32
        %dma_wait3A_294 = arith.constant 0 : i32
        %dma_wait3A_295 = tpu.memref_slice %arg16[%dma_wait3A_293, %dma_wait3A_294] : memref<10240x64xf32, #tpu.memory_space<vmem_shared>> -> memref<10240x64xf32, #tpu.memory_space<vmem_shared>>
        tpu.wait_indirect_dma semaphore(%arg31 : memref<!tpu.dma_semaphore, #tpu.memory_space<semaphore_mem>>) src(%arg14 : memref<125x64xf32, #tpu.memory_space<vmem>>) dst(%dma_wait3A_295 : memref<10240x64xf32, #tpu.memory_space<vmem_shared>>)
      } else {
      }
      %add3A_142 = arith.constant 4 : i32
      %add3A_143 = arith.addi %add3A_124, %add3A_142 : i32
      %lt3A_144 = arith.constant 80 : i32
      %lt3A_145 = arith.cmpi slt, %add3A_143, %lt3A_144 : i32
      %convert_element_type3A_146 = arith.extui %lt3A_145 : i1 to i32
      %cond3A_147 = arith.constant 0 : i32
      %cond3A_148 = arith.cmpi ne, %convert_element_type3A_146, %cond3A_147 : i32
      scf.if %cond3A_148 {
        %add3A_289 = arith.constant 4 : i32
        %add3A_290 = arith.addi %add3A_124, %add3A_289 : i32
        %dma_start3A_291 = arith.constant 0 : i32
        %dma_start3A_292 = tpu.memref_slice %arg6[%add3A_290, %dma_start3A_291] : memref<80x125xi32, #tpu.memory_space<vmem>> -> memref<1x125xi32, #tpu.memory_space<vmem>>
        %dma_start3A_293 = tpu.memref_squeeze %dma_start3A_292 : memref<1x125xi32, #tpu.memory_space<vmem>> -> memref<125xi32, #tpu.memory_space<vmem>>
        %dma_start3A_294 = arith.constant 0 : i32
        %dma_start3A_295 = arith.constant 0 : i32
        %dma_start3A_296 = tpu.memref_slice %arg2[%dma_start3A_294, %dma_start3A_295] : memref<10000x64xf32, #tpu.memory_space<hbm>> -> memref<10000x64xf32, #tpu.memory_space<hbm>>
        tpu.enqueue_indirect_dma source(%dma_start3A_296 : memref<10000x64xf32, #tpu.memory_space<hbm>>) target(%arg14 : memref<125x64xf32, #tpu.memory_space<vmem>>) offsets(%dma_start3A_293 : memref<125xi32, #tpu.memory_space<vmem>>) semaphore(%arg23 : memref<!tpu.dma_semaphore, #tpu.memory_space<semaphore_mem>>)
      } else {
      }
      %mul3A_149 = arith.constant 8 : i32
      %mul3A_150 = arith.muli %scan3A_68, %mul3A_149 : i32
      %add3A_151 = arith.constant 3 : i32
      %add3A_152 = arith.addi %mul3A_150, %add3A_151 : i32
      %dma_wait3A_153 = arith.constant 0 : i32
      %dma_wait3A_154 = tpu.memref_slice %arg6[%add3A_152, %dma_wait3A_153] : memref<80x125xi32, #tpu.memory_space<vmem>> -> memref<1x125xi32, #tpu.memory_space<vmem>>
      %dma_wait3A_155 = tpu.memref_squeeze %dma_wait3A_154 : memref<1x125xi32, #tpu.memory_space<vmem>> -> memref<125xi32, #tpu.memory_space<vmem>>
      %dma_wait3A_156 = arith.constant 0 : i32
      %dma_wait3A_157 = arith.constant 0 : i32
      %dma_wait3A_158 = tpu.memref_slice %arg2[%dma_wait3A_156, %dma_wait3A_157] : memref<10000x64xf32, #tpu.memory_space<hbm>> -> memref<10000x64xf32, #tpu.memory_space<hbm>>
      tpu.wait_indirect_dma semaphore(%arg20 : memref<!tpu.dma_semaphore, #tpu.memory_space<semaphore_mem>>) src(%dma_wait3A_158 : memref<10000x64xf32, #tpu.memory_space<hbm>>) dst(%arg11 : memref<125x64xf32, #tpu.memory_space<vmem>>)
      %dma_start3A_159 = arith.constant 0 : i32
      %dma_start3A_160 = tpu.memref_slice %arg7[%add3A_152, %dma_start3A_159] : memref<80x125xi32, #tpu.memory_space<vmem>> -> memref<1x125xi32, #tpu.memory_space<vmem>>
      %dma_start3A_161 = tpu.memref_squeeze %dma_start3A_160 : memref<1x125xi32, #tpu.memory_space<vmem>> -> memref<125xi32, #tpu.memory_space<vmem>>
      %dma_start3A_162 = arith.constant 0 : i32
      %dma_start3A_163 = arith.constant 0 : i32
      %dma_start3A_164 = tpu.memref_slice %arg16[%dma_start3A_162, %dma_start3A_163] : memref<10240x64xf32, #tpu.memory_space<vmem_shared>> -> memref<10240x64xf32, #tpu.memory_space<vmem_shared>>
      tpu.enqueue_indirect_dma source(%arg11 : memref<125x64xf32, #tpu.memory_space<vmem>>) target(%dma_start3A_164 : memref<10240x64xf32, #tpu.memory_space<vmem_shared>>) offsets(%dma_start3A_161 : memref<125xi32, #tpu.memory_space<vmem>>) semaphore(%arg28 : memref<!tpu.dma_semaphore, #tpu.memory_space<semaphore_mem>>) {add = true}
      %ge3A_165 = arith.constant 4 : i32
      %ge3A_166 = arith.cmpi sge, %add3A_152, %ge3A_165 : i32
      %convert_element_type3A_167 = arith.extui %ge3A_166 : i1 to i32
      %cond3A_168 = arith.constant 0 : i32
      %cond3A_169 = arith.cmpi ne, %convert_element_type3A_167, %cond3A_168 : i32
      scf.if %cond3A_169 {
        %sub3A = arith.constant 4 : i32
        %sub3A_289 = arith.subi %add3A_152, %sub3A : i32
        %dma_wait3A_290 = arith.constant 0 : i32
        %dma_wait3A_291 = tpu.memref_slice %arg7[%sub3A_289, %dma_wait3A_290] : memref<80x125xi32, #tpu.memory_space<vmem>> -> memref<1x125xi32, #tpu.memory_space<vmem>>
        %dma_wait3A_292 = tpu.memref_squeeze %dma_wait3A_291 : memref<1x125xi32, #tpu.memory_space<vmem>> -> memref<125xi32, #tpu.memory_space<vmem>>
        %dma_wait3A_293 = arith.constant 0 : i32
        %dma_wait3A_294 = arith.constant 0 : i32
        %dma_wait3A_295 = tpu.memref_slice %arg16[%dma_wait3A_293, %dma_wait3A_294] : memref<10240x64xf32, #tpu.memory_space<vmem_shared>> -> memref<10240x64xf32, #tpu.memory_space<vmem_shared>>
        tpu.wait_indirect_dma semaphore(%arg32 : memref<!tpu.dma_semaphore, #tpu.memory_space<semaphore_mem>>) src(%arg15 : memref<125x64xf32, #tpu.memory_space<vmem>>) dst(%dma_wait3A_295 : memref<10240x64xf32, #tpu.memory_space<vmem_shared>>)
      } else {
      }
      %add3A_170 = arith.constant 4 : i32
      %add3A_171 = arith.addi %add3A_152, %add3A_170 : i32
      %lt3A_172 = arith.constant 80 : i32
      %lt3A_173 = arith.cmpi slt, %add3A_171, %lt3A_172 : i32
      %convert_element_type3A_174 = arith.extui %lt3A_173 : i1 to i32
      %cond3A_175 = arith.constant 0 : i32
      %cond3A_176 = arith.cmpi ne, %convert_element_type3A_174, %cond3A_175 : i32
      scf.if %cond3A_176 {
        %add3A_289 = arith.constant 4 : i32
        %add3A_290 = arith.addi %add3A_152, %add3A_289 : i32
        %dma_start3A_291 = arith.constant 0 : i32
        %dma_start3A_292 = tpu.memref_slice %arg6[%add3A_290, %dma_start3A_291] : memref<80x125xi32, #tpu.memory_space<vmem>> -> memref<1x125xi32, #tpu.memory_space<vmem>>
        %dma_start3A_293 = tpu.memref_squeeze %dma_start3A_292 : memref<1x125xi32, #tpu.memory_space<vmem>> -> memref<125xi32, #tpu.memory_space<vmem>>
        %dma_start3A_294 = arith.constant 0 : i32
        %dma_start3A_295 = arith.constant 0 : i32
        %dma_start3A_296 = tpu.memref_slice %arg2[%dma_start3A_294, %dma_start3A_295] : memref<10000x64xf32, #tpu.memory_space<hbm>> -> memref<10000x64xf32, #tpu.memory_space<hbm>>
        tpu.enqueue_indirect_dma source(%dma_start3A_296 : memref<10000x64xf32, #tpu.memory_space<hbm>>) target(%arg15 : memref<125x64xf32, #tpu.memory_space<vmem>>) offsets(%dma_start3A_293 : memref<125xi32, #tpu.memory_space<vmem>>) semaphore(%arg24 : memref<!tpu.dma_semaphore, #tpu.memory_space<semaphore_mem>>)
      } else {
      }
      %mul3A_177 = arith.constant 8 : i32
      %mul3A_178 = arith.muli %scan3A_68, %mul3A_177 : i32
      %add3A_179 = arith.constant 4 : i32
      %add3A_180 = arith.addi %mul3A_178, %add3A_179 : i32
      %dma_wait3A_181 = arith.constant 0 : i32
      %dma_wait3A_182 = tpu.memref_slice %arg6[%add3A_180, %dma_wait3A_181] : memref<80x125xi32, #tpu.memory_space<vmem>> -> memref<1x125xi32, #tpu.memory_space<vmem>>
      %dma_wait3A_183 = tpu.memref_squeeze %dma_wait3A_182 : memref<1x125xi32, #tpu.memory_space<vmem>> -> memref<125xi32, #tpu.memory_space<vmem>>
      %dma_wait3A_184 = arith.constant 0 : i32
      %dma_wait3A_185 = arith.constant 0 : i32
      %dma_wait3A_186 = tpu.memref_slice %arg2[%dma_wait3A_184, %dma_wait3A_185] : memref<10000x64xf32, #tpu.memory_space<hbm>> -> memref<10000x64xf32, #tpu.memory_space<hbm>>
      tpu.wait_indirect_dma semaphore(%arg21 : memref<!tpu.dma_semaphore, #tpu.memory_space<semaphore_mem>>) src(%dma_wait3A_186 : memref<10000x64xf32, #tpu.memory_space<hbm>>) dst(%arg12 : memref<125x64xf32, #tpu.memory_space<vmem>>)
      %dma_start3A_187 = arith.constant 0 : i32
      %dma_start3A_188 = tpu.memref_slice %arg7[%add3A_180, %dma_start3A_187] : memref<80x125xi32, #tpu.memory_space<vmem>> -> memref<1x125xi32, #tpu.memory_space<vmem>>
      %dma_start3A_189 = tpu.memref_squeeze %dma_start3A_188 : memref<1x125xi32, #tpu.memory_space<vmem>> -> memref<125xi32, #tpu.memory_space<vmem>>
      %dma_start3A_190 = arith.constant 0 : i32
      %dma_start3A_191 = arith.constant 0 : i32
      %dma_start3A_192 = tpu.memref_slice %arg16[%dma_start3A_190, %dma_start3A_191] : memref<10240x64xf32, #tpu.memory_space<vmem_shared>> -> memref<10240x64xf32, #tpu.memory_space<vmem_shared>>
      tpu.enqueue_indirect_dma source(%arg12 : memref<125x64xf32, #tpu.memory_space<vmem>>) target(%dma_start3A_192 : memref<10240x64xf32, #tpu.memory_space<vmem_shared>>) offsets(%dma_start3A_189 : memref<125xi32, #tpu.memory_space<vmem>>) semaphore(%arg29 : memref<!tpu.dma_semaphore, #tpu.memory_space<semaphore_mem>>) {add = true}
      %ge3A_193 = arith.constant 4 : i32
      %ge3A_194 = arith.cmpi sge, %add3A_180, %ge3A_193 : i32
      %convert_element_type3A_195 = arith.extui %ge3A_194 : i1 to i32
      %cond3A_196 = arith.constant 0 : i32
      %cond3A_197 = arith.cmpi ne, %convert_element_type3A_195, %cond3A_196 : i32
      scf.if %cond3A_197 {
        %sub3A = arith.constant 4 : i32
        %sub3A_289 = arith.subi %add3A_180, %sub3A : i32
        %dma_wait3A_290 = arith.constant 0 : i32
        %dma_wait3A_291 = tpu.memref_slice %arg7[%sub3A_289, %dma_wait3A_290] : memref<80x125xi32, #tpu.memory_space<vmem>> -> memref<1x125xi32, #tpu.memory_space<vmem>>
        %dma_wait3A_292 = tpu.memref_squeeze %dma_wait3A_291 : memref<1x125xi32, #tpu.memory_space<vmem>> -> memref<125xi32, #tpu.memory_space<vmem>>
        %dma_wait3A_293 = arith.constant 0 : i32
        %dma_wait3A_294 = arith.constant 0 : i32
        %dma_wait3A_295 = tpu.memref_slice %arg16[%dma_wait3A_293, %dma_wait3A_294] : memref<10240x64xf32, #tpu.memory_space<vmem_shared>> -> memref<10240x64xf32, #tpu.memory_space<vmem_shared>>
        tpu.wait_indirect_dma semaphore(%arg25 : memref<!tpu.dma_semaphore, #tpu.memory_space<semaphore_mem>>) src(%arg8 : memref<125x64xf32, #tpu.memory_space<vmem>>) dst(%dma_wait3A_295 : memref<10240x64xf32, #tpu.memory_space<vmem_shared>>)
      } else {
      }
      %add3A_198 = arith.constant 4 : i32
      %add3A_199 = arith.addi %add3A_180, %add3A_198 : i32
      %lt3A_200 = arith.constant 80 : i32
      %lt3A_201 = arith.cmpi slt, %add3A_199, %lt3A_200 : i32
      %convert_element_type3A_202 = arith.extui %lt3A_201 : i1 to i32
      %cond3A_203 = arith.constant 0 : i32
      %cond3A_204 = arith.cmpi ne, %convert_element_type3A_202, %cond3A_203 : i32
      scf.if %cond3A_204 {
        %add3A_289 = arith.constant 4 : i32
        %add3A_290 = arith.addi %add3A_180, %add3A_289 : i32
        %dma_start3A_291 = arith.constant 0 : i32
        %dma_start3A_292 = tpu.memref_slice %arg6[%add3A_290, %dma_start3A_291] : memref<80x125xi32, #tpu.memory_space<vmem>> -> memref<1x125xi32, #tpu.memory_space<vmem>>
        %dma_start3A_293 = tpu.memref_squeeze %dma_start3A_292 : memref<1x125xi32, #tpu.memory_space<vmem>> -> memref<125xi32, #tpu.memory_space<vmem>>
        %dma_start3A_294 = arith.constant 0 : i32
        %dma_start3A_295 = arith.constant 0 : i32
        %dma_start3A_296 = tpu.memref_slice %arg2[%dma_start3A_294, %dma_start3A_295] : memref<10000x64xf32, #tpu.memory_space<hbm>> -> memref<10000x64xf32, #tpu.memory_space<hbm>>
        tpu.enqueue_indirect_dma source(%dma_start3A_296 : memref<10000x64xf32, #tpu.memory_space<hbm>>) target(%arg8 : memref<125x64xf32, #tpu.memory_space<vmem>>) offsets(%dma_start3A_293 : memref<125xi32, #tpu.memory_space<vmem>>) semaphore(%arg17 : memref<!tpu.dma_semaphore, #tpu.memory_space<semaphore_mem>>)
      } else {
      }
      %mul3A_205 = arith.constant 8 : i32
      %mul3A_206 = arith.muli %scan3A_68, %mul3A_205 : i32
      %add3A_207 = arith.constant 5 : i32
      %add3A_208 = arith.addi %mul3A_206, %add3A_207 : i32
      %dma_wait3A_209 = arith.constant 0 : i32
      %dma_wait3A_210 = tpu.memref_slice %arg6[%add3A_208, %dma_wait3A_209] : memref<80x125xi32, #tpu.memory_space<vmem>> -> memref<1x125xi32, #tpu.memory_space<vmem>>
      %dma_wait3A_211 = tpu.memref_squeeze %dma_wait3A_210 : memref<1x125xi32, #tpu.memory_space<vmem>> -> memref<125xi32, #tpu.memory_space<vmem>>
      %dma_wait3A_212 = arith.constant 0 : i32
      %dma_wait3A_213 = arith.constant 0 : i32
      %dma_wait3A_214 = tpu.memref_slice %arg2[%dma_wait3A_212, %dma_wait3A_213] : memref<10000x64xf32, #tpu.memory_space<hbm>> -> memref<10000x64xf32, #tpu.memory_space<hbm>>
      tpu.wait_indirect_dma semaphore(%arg22 : memref<!tpu.dma_semaphore, #tpu.memory_space<semaphore_mem>>) src(%dma_wait3A_214 : memref<10000x64xf32, #tpu.memory_space<hbm>>) dst(%arg13 : memref<125x64xf32, #tpu.memory_space<vmem>>)
      %dma_start3A_215 = arith.constant 0 : i32
      %dma_start3A_216 = tpu.memref_slice %arg7[%add3A_208, %dma_start3A_215] : memref<80x125xi32, #tpu.memory_space<vmem>> -> memref<1x125xi32, #tpu.memory_space<vmem>>
      %dma_start3A_217 = tpu.memref_squeeze %dma_start3A_216 : memref<1x125xi32, #tpu.memory_space<vmem>> -> memref<125xi32, #tpu.memory_space<vmem>>
      %dma_start3A_218 = arith.constant 0 : i32
      %dma_start3A_219 = arith.constant 0 : i32
      %dma_start3A_220 = tpu.memref_slice %arg16[%dma_start3A_218, %dma_start3A_219] : memref<10240x64xf32, #tpu.memory_space<vmem_shared>> -> memref<10240x64xf32, #tpu.memory_space<vmem_shared>>
      tpu.enqueue_indirect_dma source(%arg13 : memref<125x64xf32, #tpu.memory_space<vmem>>) target(%dma_start3A_220 : memref<10240x64xf32, #tpu.memory_space<vmem_shared>>) offsets(%dma_start3A_217 : memref<125xi32, #tpu.memory_space<vmem>>) semaphore(%arg30 : memref<!tpu.dma_semaphore, #tpu.memory_space<semaphore_mem>>) {add = true}
      %ge3A_221 = arith.constant 4 : i32
      %ge3A_222 = arith.cmpi sge, %add3A_208, %ge3A_221 : i32
      %convert_element_type3A_223 = arith.extui %ge3A_222 : i1 to i32
      %cond3A_224 = arith.constant 0 : i32
      %cond3A_225 = arith.cmpi ne, %convert_element_type3A_223, %cond3A_224 : i32
      scf.if %cond3A_225 {
        %sub3A = arith.constant 4 : i32
        %sub3A_289 = arith.subi %add3A_208, %sub3A : i32
        %dma_wait3A_290 = arith.constant 0 : i32
        %dma_wait3A_291 = tpu.memref_slice %arg7[%sub3A_289, %dma_wait3A_290] : memref<80x125xi32, #tpu.memory_space<vmem>> -> memref<1x125xi32, #tpu.memory_space<vmem>>
        %dma_wait3A_292 = tpu.memref_squeeze %dma_wait3A_291 : memref<1x125xi32, #tpu.memory_space<vmem>> -> memref<125xi32, #tpu.memory_space<vmem>>
        %dma_wait3A_293 = arith.constant 0 : i32
        %dma_wait3A_294 = arith.constant 0 : i32
        %dma_wait3A_295 = tpu.memref_slice %arg16[%dma_wait3A_293, %dma_wait3A_294] : memref<10240x64xf32, #tpu.memory_space<vmem_shared>> -> memref<10240x64xf32, #tpu.memory_space<vmem_shared>>
        tpu.wait_indirect_dma semaphore(%arg26 : memref<!tpu.dma_semaphore, #tpu.memory_space<semaphore_mem>>) src(%arg9 : memref<125x64xf32, #tpu.memory_space<vmem>>) dst(%dma_wait3A_295 : memref<10240x64xf32, #tpu.memory_space<vmem_shared>>)
      } else {
      }
      %add3A_226 = arith.constant 4 : i32
      %add3A_227 = arith.addi %add3A_208, %add3A_226 : i32
      %lt3A_228 = arith.constant 80 : i32
      %lt3A_229 = arith.cmpi slt, %add3A_227, %lt3A_228 : i32
      %convert_element_type3A_230 = arith.extui %lt3A_229 : i1 to i32
      %cond3A_231 = arith.constant 0 : i32
      %cond3A_232 = arith.cmpi ne, %convert_element_type3A_230, %cond3A_231 : i32
      scf.if %cond3A_232 {
        %add3A_289 = arith.constant 4 : i32
        %add3A_290 = arith.addi %add3A_208, %add3A_289 : i32
        %dma_start3A_291 = arith.constant 0 : i32
        %dma_start3A_292 = tpu.memref_slice %arg6[%add3A_290, %dma_start3A_291] : memref<80x125xi32, #tpu.memory_space<vmem>> -> memref<1x125xi32, #tpu.memory_space<vmem>>
        %dma_start3A_293 = tpu.memref_squeeze %dma_start3A_292 : memref<1x125xi32, #tpu.memory_space<vmem>> -> memref<125xi32, #tpu.memory_space<vmem>>
        %dma_start3A_294 = arith.constant 0 : i32
        %dma_start3A_295 = arith.constant 0 : i32
        %dma_start3A_296 = tpu.memref_slice %arg2[%dma_start3A_294, %dma_start3A_295] : memref<10000x64xf32, #tpu.memory_space<hbm>> -> memref<10000x64xf32, #tpu.memory_space<hbm>>
        tpu.enqueue_indirect_dma source(%dma_start3A_296 : memref<10000x64xf32, #tpu.memory_space<hbm>>) target(%arg9 : memref<125x64xf32, #tpu.memory_space<vmem>>) offsets(%dma_start3A_293 : memref<125xi32, #tpu.memory_space<vmem>>) semaphore(%arg18 : memref<!tpu.dma_semaphore, #tpu.memory_space<semaphore_mem>>)
      } else {
      }
      %mul3A_233 = arith.constant 8 : i32
      %mul3A_234 = arith.muli %scan3A_68, %mul3A_233 : i32
      %add3A_235 = arith.constant 6 : i32
      %add3A_236 = arith.addi %mul3A_234, %add3A_235 : i32
      %dma_wait3A_237 = arith.constant 0 : i32
      %dma_wait3A_238 = tpu.memref_slice %arg6[%add3A_236, %dma_wait3A_237] : memref<80x125xi32, #tpu.memory_space<vmem>> -> memref<1x125xi32, #tpu.memory_space<vmem>>
      %dma_wait3A_239 = tpu.memref_squeeze %dma_wait3A_238 : memref<1x125xi32, #tpu.memory_space<vmem>> -> memref<125xi32, #tpu.memory_space<vmem>>
      %dma_wait3A_240 = arith.constant 0 : i32
      %dma_wait3A_241 = arith.constant 0 : i32
      %dma_wait3A_242 = tpu.memref_slice %arg2[%dma_wait3A_240, %dma_wait3A_241] : memref<10000x64xf32, #tpu.memory_space<hbm>> -> memref<10000x64xf32, #tpu.memory_space<hbm>>
      tpu.wait_indirect_dma semaphore(%arg23 : memref<!tpu.dma_semaphore, #tpu.memory_space<semaphore_mem>>) src(%dma_wait3A_242 : memref<10000x64xf32, #tpu.memory_space<hbm>>) dst(%arg14 : memref<125x64xf32, #tpu.memory_space<vmem>>)
      %dma_start3A_243 = arith.constant 0 : i32
      %dma_start3A_244 = tpu.memref_slice %arg7[%add3A_236, %dma_start3A_243] : memref<80x125xi32, #tpu.memory_space<vmem>> -> memref<1x125xi32, #tpu.memory_space<vmem>>
      %dma_start3A_245 = tpu.memref_squeeze %dma_start3A_244 : memref<1x125xi32, #tpu.memory_space<vmem>> -> memref<125xi32, #tpu.memory_space<vmem>>
      %dma_start3A_246 = arith.constant 0 : i32
      %dma_start3A_247 = arith.constant 0 : i32
      %dma_start3A_248 = tpu.memref_slice %arg16[%dma_start3A_246, %dma_start3A_247] : memref<10240x64xf32, #tpu.memory_space<vmem_shared>> -> memref<10240x64xf32, #tpu.memory_space<vmem_shared>>
      tpu.enqueue_indirect_dma source(%arg14 : memref<125x64xf32, #tpu.memory_space<vmem>>) target(%dma_start3A_248 : memref<10240x64xf32, #tpu.memory_space<vmem_shared>>) offsets(%dma_start3A_245 : memref<125xi32, #tpu.memory_space<vmem>>) semaphore(%arg31 : memref<!tpu.dma_semaphore, #tpu.memory_space<semaphore_mem>>) {add = true}
      %ge3A_249 = arith.constant 4 : i32
      %ge3A_250 = arith.cmpi sge, %add3A_236, %ge3A_249 : i32
      %convert_element_type3A_251 = arith.extui %ge3A_250 : i1 to i32
      %cond3A_252 = arith.constant 0 : i32
      %cond3A_253 = arith.cmpi ne, %convert_element_type3A_251, %cond3A_252 : i32
      scf.if %cond3A_253 {
        %sub3A = arith.constant 4 : i32
        %sub3A_289 = arith.subi %add3A_236, %sub3A : i32
        %dma_wait3A_290 = arith.constant 0 : i32
        %dma_wait3A_291 = tpu.memref_slice %arg7[%sub3A_289, %dma_wait3A_290] : memref<80x125xi32, #tpu.memory_space<vmem>> -> memref<1x125xi32, #tpu.memory_space<vmem>>
        %dma_wait3A_292 = tpu.memref_squeeze %dma_wait3A_291 : memref<1x125xi32, #tpu.memory_space<vmem>> -> memref<125xi32, #tpu.memory_space<vmem>>
        %dma_wait3A_293 = arith.constant 0 : i32
        %dma_wait3A_294 = arith.constant 0 : i32
        %dma_wait3A_295 = tpu.memref_slice %arg16[%dma_wait3A_293, %dma_wait3A_294] : memref<10240x64xf32, #tpu.memory_space<vmem_shared>> -> memref<10240x64xf32, #tpu.memory_space<vmem_shared>>
        tpu.wait_indirect_dma semaphore(%arg27 : memref<!tpu.dma_semaphore, #tpu.memory_space<semaphore_mem>>) src(%arg10 : memref<125x64xf32, #tpu.memory_space<vmem>>) dst(%dma_wait3A_295 : memref<10240x64xf32, #tpu.memory_space<vmem_shared>>)
      } else {
      }
      %add3A_254 = arith.constant 4 : i32
      %add3A_255 = arith.addi %add3A_236, %add3A_254 : i32
      %lt3A_256 = arith.constant 80 : i32
      %lt3A_257 = arith.cmpi slt, %add3A_255, %lt3A_256 : i32
      %convert_element_type3A_258 = arith.extui %lt3A_257 : i1 to i32
      %cond3A_259 = arith.constant 0 : i32
      %cond3A_260 = arith.cmpi ne, %convert_element_type3A_258, %cond3A_259 : i32
      scf.if %cond3A_260 {
        %add3A_289 = arith.constant 4 : i32
        %add3A_290 = arith.addi %add3A_236, %add3A_289 : i32
        %dma_start3A_291 = arith.constant 0 : i32
        %dma_start3A_292 = tpu.memref_slice %arg6[%add3A_290, %dma_start3A_291] : memref<80x125xi32, #tpu.memory_space<vmem>> -> memref<1x125xi32, #tpu.memory_space<vmem>>
        %dma_start3A_293 = tpu.memref_squeeze %dma_start3A_292 : memref<1x125xi32, #tpu.memory_space<vmem>> -> memref<125xi32, #tpu.memory_space<vmem>>
        %dma_start3A_294 = arith.constant 0 : i32
        %dma_start3A_295 = arith.constant 0 : i32
        %dma_start3A_296 = tpu.memref_slice %arg2[%dma_start3A_294, %dma_start3A_295] : memref<10000x64xf32, #tpu.memory_space<hbm>> -> memref<10000x64xf32, #tpu.memory_space<hbm>>
        tpu.enqueue_indirect_dma source(%dma_start3A_296 : memref<10000x64xf32, #tpu.memory_space<hbm>>) target(%arg10 : memref<125x64xf32, #tpu.memory_space<vmem>>) offsets(%dma_start3A_293 : memref<125xi32, #tpu.memory_space<vmem>>) semaphore(%arg19 : memref<!tpu.dma_semaphore, #tpu.memory_space<semaphore_mem>>)
      } else {
      }
      %mul3A_261 = arith.constant 8 : i32
      %mul3A_262 = arith.muli %scan3A_68, %mul3A_261 : i32
      %add3A_263 = arith.constant 7 : i32
      %add3A_264 = arith.addi %mul3A_262, %add3A_263 : i32
      %dma_wait3A_265 = arith.constant 0 : i32
      %dma_wait3A_266 = tpu.memref_slice %arg6[%add3A_264, %dma_wait3A_265] : memref<80x125xi32, #tpu.memory_space<vmem>> -> memref<1x125xi32, #tpu.memory_space<vmem>>
      %dma_wait3A_267 = tpu.memref_squeeze %dma_wait3A_266 : memref<1x125xi32, #tpu.memory_space<vmem>> -> memref<125xi32, #tpu.memory_space<vmem>>
      %dma_wait3A_268 = arith.constant 0 : i32
      %dma_wait3A_269 = arith.constant 0 : i32
      %dma_wait3A_270 = tpu.memref_slice %arg2[%dma_wait3A_268, %dma_wait3A_269] : memref<10000x64xf32, #tpu.memory_space<hbm>> -> memref<10000x64xf32, #tpu.memory_space<hbm>>
      tpu.wait_indirect_dma semaphore(%arg24 : memref<!tpu.dma_semaphore, #tpu.memory_space<semaphore_mem>>) src(%dma_wait3A_270 : memref<10000x64xf32, #tpu.memory_space<hbm>>) dst(%arg15 : memref<125x64xf32, #tpu.memory_space<vmem>>)
      %dma_start3A_271 = arith.constant 0 : i32
      %dma_start3A_272 = tpu.memref_slice %arg7[%add3A_264, %dma_start3A_271] : memref<80x125xi32, #tpu.memory_space<vmem>> -> memref<1x125xi32, #tpu.memory_space<vmem>>
      %dma_start3A_273 = tpu.memref_squeeze %dma_start3A_272 : memref<1x125xi32, #tpu.memory_space<vmem>> -> memref<125xi32, #tpu.memory_space<vmem>>
      %dma_start3A_274 = arith.constant 0 : i32
      %dma_start3A_275 = arith.constant 0 : i32
      %dma_start3A_276 = tpu.memref_slice %arg16[%dma_start3A_274, %dma_start3A_275] : memref<10240x64xf32, #tpu.memory_space<vmem_shared>> -> memref<10240x64xf32, #tpu.memory_space<vmem_shared>>
      tpu.enqueue_indirect_dma source(%arg15 : memref<125x64xf32, #tpu.memory_space<vmem>>) target(%dma_start3A_276 : memref<10240x64xf32, #tpu.memory_space<vmem_shared>>) offsets(%dma_start3A_273 : memref<125xi32, #tpu.memory_space<vmem>>) semaphore(%arg32 : memref<!tpu.dma_semaphore, #tpu.memory_space<semaphore_mem>>) {add = true}
      %ge3A_277 = arith.constant 4 : i32
      %ge3A_278 = arith.cmpi sge, %add3A_264, %ge3A_277 : i32
      %convert_element_type3A_279 = arith.extui %ge3A_278 : i1 to i32
      %cond3A_280 = arith.constant 0 : i32
      %cond3A_281 = arith.cmpi ne, %convert_element_type3A_279, %cond3A_280 : i32
      scf.if %cond3A_281 {
        %sub3A = arith.constant 4 : i32
        %sub3A_289 = arith.subi %add3A_264, %sub3A : i32
        %dma_wait3A_290 = arith.constant 0 : i32
        %dma_wait3A_291 = tpu.memref_slice %arg7[%sub3A_289, %dma_wait3A_290] : memref<80x125xi32, #tpu.memory_space<vmem>> -> memref<1x125xi32, #tpu.memory_space<vmem>>
        %dma_wait3A_292 = tpu.memref_squeeze %dma_wait3A_291 : memref<1x125xi32, #tpu.memory_space<vmem>> -> memref<125xi32, #tpu.memory_space<vmem>>
        %dma_wait3A_293 = arith.constant 0 : i32
        %dma_wait3A_294 = arith.constant 0 : i32
        %dma_wait3A_295 = tpu.memref_slice %arg16[%dma_wait3A_293, %dma_wait3A_294] : memref<10240x64xf32, #tpu.memory_space<vmem_shared>> -> memref<10240x64xf32, #tpu.memory_space<vmem_shared>>
        tpu.wait_indirect_dma semaphore(%arg28 : memref<!tpu.dma_semaphore, #tpu.memory_space<semaphore_mem>>) src(%arg11 : memref<125x64xf32, #tpu.memory_space<vmem>>) dst(%dma_wait3A_295 : memref<10240x64xf32, #tpu.memory_space<vmem_shared>>)
      } else {
      }
      %add3A_282 = arith.constant 4 : i32
      %add3A_283 = arith.addi %add3A_264, %add3A_282 : i32
      %lt3A_284 = arith.constant 80 : i32
      %lt3A_285 = arith.cmpi slt, %add3A_283, %lt3A_284 : i32
      %convert_element_type3A_286 = arith.extui %lt3A_285 : i1 to i32
      %cond3A_287 = arith.constant 0 : i32
      %cond3A_288 = arith.cmpi ne, %convert_element_type3A_286, %cond3A_287 : i32
      scf.if %cond3A_288 {
        %add3A_289 = arith.constant 4 : i32
        %add3A_290 = arith.addi %add3A_264, %add3A_289 : i32
        %dma_start3A_291 = arith.constant 0 : i32
        %dma_start3A_292 = tpu.memref_slice %arg6[%add3A_290, %dma_start3A_291] : memref<80x125xi32, #tpu.memory_space<vmem>> -> memref<1x125xi32, #tpu.memory_space<vmem>>
        %dma_start3A_293 = tpu.memref_squeeze %dma_start3A_292 : memref<1x125xi32, #tpu.memory_space<vmem>> -> memref<125xi32, #tpu.memory_space<vmem>>
        %dma_start3A_294 = arith.constant 0 : i32
        %dma_start3A_295 = arith.constant 0 : i32
        %dma_start3A_296 = tpu.memref_slice %arg2[%dma_start3A_294, %dma_start3A_295] : memref<10000x64xf32, #tpu.memory_space<hbm>> -> memref<10000x64xf32, #tpu.memory_space<hbm>>
        tpu.enqueue_indirect_dma source(%dma_start3A_296 : memref<10000x64xf32, #tpu.memory_space<hbm>>) target(%arg11 : memref<125x64xf32, #tpu.memory_space<vmem>>) offsets(%dma_start3A_293 : memref<125xi32, #tpu.memory_space<vmem>>) semaphore(%arg20 : memref<!tpu.dma_semaphore, #tpu.memory_space<semaphore_mem>>)
      } else {
      }
    }
    %scan3A_35 = arith.constant 10 : i32
    %dma_wait3A = arith.constant 76 : i32
    %dma_wait3A_36 = arith.constant 0 : i32
    %dma_wait3A_37 = tpu.memref_slice %arg7[%dma_wait3A, %dma_wait3A_36] : memref<80x125xi32, #tpu.memory_space<vmem>> -> memref<1x125xi32, #tpu.memory_space<vmem>>
    %dma_wait3A_38 = tpu.memref_squeeze %dma_wait3A_37 : memref<1x125xi32, #tpu.memory_space<vmem>> -> memref<125xi32, #tpu.memory_space<vmem>>
    %dma_wait3A_39 = arith.constant 0 : i32
    %dma_wait3A_40 = arith.constant 0 : i32
    %dma_wait3A_41 = tpu.memref_slice %arg16[%dma_wait3A_39, %dma_wait3A_40] : memref<10240x64xf32, #tpu.memory_space<vmem_shared>> -> memref<10240x64xf32, #tpu.memory_space<vmem_shared>>
    tpu.wait_indirect_dma semaphore(%arg29 : memref<!tpu.dma_semaphore, #tpu.memory_space<semaphore_mem>>) src(%arg12 : memref<125x64xf32, #tpu.memory_space<vmem>>) dst(%dma_wait3A_41 : memref<10240x64xf32, #tpu.memory_space<vmem_shared>>)
    %dma_wait3A_42 = arith.constant 77 : i32
    %dma_wait3A_43 = arith.constant 0 : i32
    %dma_wait3A_44 = tpu.memref_slice %arg7[%dma_wait3A_42, %dma_wait3A_43] : memref<80x125xi32, #tpu.memory_space<vmem>> -> memref<1x125xi32, #tpu.memory_space<vmem>>
    %dma_wait3A_45 = tpu.memref_squeeze %dma_wait3A_44 : memref<1x125xi32, #tpu.memory_space<vmem>> -> memref<125xi32, #tpu.memory_space<vmem>>
    %dma_wait3A_46 = arith.constant 0 : i32
    %dma_wait3A_47 = arith.constant 0 : i32
    %dma_wait3A_48 = tpu.memref_slice %arg16[%dma_wait3A_46, %dma_wait3A_47] : memref<10240x64xf32, #tpu.memory_space<vmem_shared>> -> memref<10240x64xf32, #tpu.memory_space<vmem_shared>>
    tpu.wait_indirect_dma semaphore(%arg30 : memref<!tpu.dma_semaphore, #tpu.memory_space<semaphore_mem>>) src(%arg13 : memref<125x64xf32, #tpu.memory_space<vmem>>) dst(%dma_wait3A_48 : memref<10240x64xf32, #tpu.memory_space<vmem_shared>>)
    %dma_wait3A_49 = arith.constant 78 : i32
    %dma_wait3A_50 = arith.constant 0 : i32
    %dma_wait3A_51 = tpu.memref_slice %arg7[%dma_wait3A_49, %dma_wait3A_50] : memref<80x125xi32, #tpu.memory_space<vmem>> -> memref<1x125xi32, #tpu.memory_space<vmem>>
    %dma_wait3A_52 = tpu.memref_squeeze %dma_wait3A_51 : memref<1x125xi32, #tpu.memory_space<vmem>> -> memref<125xi32, #tpu.memory_space<vmem>>
    %dma_wait3A_53 = arith.constant 0 : i32
    %dma_wait3A_54 = arith.constant 0 : i32
    %dma_wait3A_55 = tpu.memref_slice %arg16[%dma_wait3A_53, %dma_wait3A_54] : memref<10240x64xf32, #tpu.memory_space<vmem_shared>> -> memref<10240x64xf32, #tpu.memory_space<vmem_shared>>
    tpu.wait_indirect_dma semaphore(%arg31 : memref<!tpu.dma_semaphore, #tpu.memory_space<semaphore_mem>>) src(%arg14 : memref<125x64xf32, #tpu.memory_space<vmem>>) dst(%dma_wait3A_55 : memref<10240x64xf32, #tpu.memory_space<vmem_shared>>)
    %dma_wait3A_56 = arith.constant 79 : i32
    %dma_wait3A_57 = arith.constant 0 : i32
    %dma_wait3A_58 = tpu.memref_slice %arg7[%dma_wait3A_56, %dma_wait3A_57] : memref<80x125xi32, #tpu.memory_space<vmem>> -> memref<1x125xi32, #tpu.memory_space<vmem>>
    %dma_wait3A_59 = tpu.memref_squeeze %dma_wait3A_58 : memref<1x125xi32, #tpu.memory_space<vmem>> -> memref<125xi32, #tpu.memory_space<vmem>>
    %dma_wait3A_60 = arith.constant 0 : i32
    %dma_wait3A_61 = arith.constant 0 : i32
    %dma_wait3A_62 = tpu.memref_slice %arg16[%dma_wait3A_60, %dma_wait3A_61] : memref<10240x64xf32, #tpu.memory_space<vmem_shared>> -> memref<10240x64xf32, #tpu.memory_space<vmem_shared>>
    tpu.wait_indirect_dma semaphore(%arg32 : memref<!tpu.dma_semaphore, #tpu.memory_space<semaphore_mem>>) src(%arg15 : memref<125x64xf32, #tpu.memory_space<vmem>>) dst(%dma_wait3A_62 : memref<10240x64xf32, #tpu.memory_space<vmem_shared>>)
    %barrier3A_63 = arith.constant 0 : index
    tpu.barrier barrier_id(%barrier3A_63)
    %mul3A_64 = arith.constant 640 : i32
    %mul3A_65 = arith.muli %arg1, %mul3A_64 : i32
    %mul3A_66 = arith.constant 640 : i32
    %mul3A_67 = arith.muli %arg1, %mul3A_66 : i32
    "tpu.region"() ({
      %run_scoped3A_68 = tpu.sem_alloc : memref<!tpu.dma_semaphore, #tpu.memory_space<semaphore_mem>>
      %dma_start3A_69 = arith.constant 0 : i32
      %dma_start3A_70 = tpu.memref_slice %arg5[%arg0, %mul3A_67, %dma_start3A_69] : memref<2x10240x64xf32, #tpu.memory_space<hbm>> -> memref<1x640x64xf32, #tpu.memory_space<hbm>>
      %dma_start3A_71 = tpu.memref_squeeze %dma_start3A_70 : memref<1x640x64xf32, #tpu.memory_space<hbm>> -> memref<640x64xf32, #tpu.memory_space<hbm>>
      %dma_start3A_72 = arith.constant 0 : i32
      %dma_start3A_73 = tpu.memref_slice %arg16[%mul3A_65, %dma_start3A_72] : memref<10240x64xf32, #tpu.memory_space<vmem_shared>> -> memref<640x64xf32, #tpu.memory_space<vmem_shared>>
      tpu.enqueue_dma source(%dma_start3A_73 : memref<640x64xf32, #tpu.memory_space<vmem_shared>>) target(%dma_start3A_71 : memref<640x64xf32, #tpu.memory_space<hbm>>) target_semaphore(%run_scoped3A_68 : memref<!tpu.dma_semaphore, #tpu.memory_space<semaphore_mem>>)
      %dma_wait3A_74 = arith.constant 0 : i32
      %dma_wait3A_75 = tpu.memref_slice %arg5[%arg0, %mul3A_67, %dma_wait3A_74] : memref<2x10240x64xf32, #tpu.memory_space<hbm>> -> memref<1x640x64xf32, #tpu.memory_space<hbm>>
      %dma_wait3A_76 = tpu.memref_squeeze %dma_wait3A_75 : memref<1x640x64xf32, #tpu.memory_space<hbm>> -> memref<640x64xf32, #tpu.memory_space<hbm>>
      %dma_wait3A_77 = arith.constant 0 : i32
      %dma_wait3A_78 = tpu.memref_slice %arg16[%mul3A_65, %dma_wait3A_77] : memref<10240x64xf32, #tpu.memory_space<vmem_shared>> -> memref<640x64xf32, #tpu.memory_space<vmem_shared>>
      tpu.wait_dma2 semaphore(%run_scoped3A_68 : memref<!tpu.dma_semaphore, #tpu.memory_space<semaphore_mem>>) src(%dma_wait3A_78 : memref<640x64xf32, #tpu.memory_space<vmem_shared>>) dst(%dma_wait3A_76 : memref<640x64xf32, #tpu.memory_space<hbm>>)
      tpu.yield
    }) : () -> ()
    return
  }
}

#map = affine_map<(d0, d1) -> (0, 0)>
#map1 = affine_map<(d0, d1) -> (0, 0, 0, 0)>
#map2 = affine_map<(d0, d1) -> (0, 0, 0)>
module attributes {stable_mosaic.version = 14 : i64} {
  func.func @_agg_kernel(%arg0: i32, %arg1: i32, %arg2: memref<10000x64xf32, #tpu.memory_space<hbm>>, %arg3: memref<2x32x80x125xi32, #tpu.memory_space<hbm>>, %arg4: memref<640x64xf32, #tpu.memory_space<hbm>>, %arg5: memref<2x10240x64xf32, #tpu.memory_space<hbm>>, %arg6: memref<80x125xi32, #tpu.memory_space<vmem>>, %arg7: memref<80x125xi32, #tpu.memory_space<vmem>>, %arg8: memref<125x64xf32, #tpu.memory_space<vmem>>, %arg9: memref<125x64xf32, #tpu.memory_space<vmem>>, %arg10: memref<125x64xf32, #tpu.memory_space<vmem>>, %arg11: memref<125x64xf32, #tpu.memory_space<vmem>>, %arg12: memref<125x64xf32, #tpu.memory_space<vmem>>, %arg13: memref<125x64xf32, #tpu.memory_space<vmem>>, %arg14: memref<125x64xf32, #tpu.memory_space<vmem>>, %arg15: memref<125x64xf32, #tpu.memory_space<vmem>>, %arg16: memref<10240x64xf32, #tpu.memory_space<vmem_shared>>, %arg17: memref<!tpu.dma_semaphore, #tpu.memory_space<semaphore_mem>>, %arg18: memref<!tpu.dma_semaphore, #tpu.memory_space<semaphore_mem>>, %arg19: memref<!tpu.dma_semaphore, #tpu.memory_space<semaphore_mem>>, %arg20: memref<!tpu.dma_semaphore, #tpu.memory_space<semaphore_mem>>, %arg21: memref<!tpu.dma_semaphore, #tpu.memory_space<semaphore_mem>>, %arg22: memref<!tpu.dma_semaphore, #tpu.memory_space<semaphore_mem>>, %arg23: memref<!tpu.dma_semaphore, #tpu.memory_space<semaphore_mem>>, %arg24: memref<!tpu.dma_semaphore, #tpu.memory_space<semaphore_mem>>, %arg25: memref<!tpu.dma_semaphore, #tpu.memory_space<semaphore_mem>>, %arg26: memref<!tpu.dma_semaphore, #tpu.memory_space<semaphore_mem>>, %arg27: memref<!tpu.dma_semaphore, #tpu.memory_space<semaphore_mem>>, %arg28: memref<!tpu.dma_semaphore, #tpu.memory_space<semaphore_mem>>, %arg29: memref<!tpu.dma_semaphore, #tpu.memory_space<semaphore_mem>>, %arg30: memref<!tpu.dma_semaphore, #tpu.memory_space<semaphore_mem>>, %arg31: memref<!tpu.dma_semaphore, #tpu.memory_space<semaphore_mem>>, %arg32: memref<!tpu.dma_semaphore, #tpu.memory_space<semaphore_mem>>) attributes {dimension_semantics = [#tpu.dimension_semantics<core_parallel>, #tpu.dimension_semantics<subcore_parallel>], iteration_bounds = array<i64: 2, 16>, scalar_prefetch = 0 : i64, scratch_operands = 27 : i64, tpu.core_type = #tpu.core_type<sc_vector_subcore>, window_params = [{transform_indices = #map}, {transform_indices = #map1}, {transform_indices = #map}, {transform_indices = #map2}]} {
    %mul3A = arith.constant 16 : i32
    %mul3A_0 = arith.muli %arg0, %mul3A : i32
    %add3A = arith.addi %mul3A_0, %arg1 : i32
    %mul3A_1 = arith.constant 640 : i32
    %mul3A_2 = arith.muli %arg1, %mul3A_1 : i32
    "tpu.region"() ({
      %run_scoped3A_68 = tpu.sem_alloc : memref<!tpu.dma_semaphore, #tpu.memory_space<semaphore_mem>>
      %dma_start3A_69 = arith.constant 0 : i32
      %dma_start3A_70 = tpu.memref_slice %arg16[%mul3A_2, %dma_start3A_69] : memref<10240x64xf32, #tpu.memory_space<vmem_shared>> -> memref<640x64xf32, #tpu.memory_space<vmem_shared>>
      tpu.enqueue_dma source(%arg4 : memref<640x64xf32, #tpu.memory_space<hbm>>) target(%dma_start3A_70 : memref<640x64xf32, #tpu.memory_space<vmem_shared>>) target_semaphore(%run_scoped3A_68 : memref<!tpu.dma_semaphore, #tpu.memory_space<semaphore_mem>>)
      %dma_wait3A_71 = arith.constant 0 : i32
      %dma_wait3A_72 = tpu.memref_slice %arg16[%mul3A_2, %dma_wait3A_71] : memref<10240x64xf32, #tpu.memory_space<vmem_shared>> -> memref<640x64xf32, #tpu.memory_space<vmem_shared>>
      tpu.wait_dma2 semaphore(%run_scoped3A_68 : memref<!tpu.dma_semaphore, #tpu.memory_space<semaphore_mem>>) src(%arg4 : memref<640x64xf32, #tpu.memory_space<hbm>>) dst(%dma_wait3A_72 : memref<640x64xf32, #tpu.memory_space<vmem_shared>>)
      tpu.yield
    }) : () -> ()
    %run_scoped3A = arith.constant 0 : i32
    "tpu.region"() ({
      %run_scoped3A_68 = tpu.sem_alloc : memref<!tpu.dma_semaphore, #tpu.memory_space<semaphore_mem>>
      %dma_start3A_69 = arith.constant 0 : i32
      %dma_start3A_70 = arith.constant 0 : i32
      %dma_start3A_71 = tpu.memref_slice %arg3[%run_scoped3A, %add3A, %dma_start3A_69, %dma_start3A_70] : memref<2x32x80x125xi32, #tpu.memory_space<hbm>> -> memref<1x1x80x125xi32, #tpu.memory_space<hbm>>
      %dma_start3A_72 = tpu.memref_squeeze %dma_start3A_71 : memref<1x1x80x125xi32, #tpu.memory_space<hbm>> -> memref<80x125xi32, #tpu.memory_space<hbm>>
      %dma_start3A_73 = arith.constant 0 : i32
      %dma_start3A_74 = arith.constant 0 : i32
      %dma_start3A_75 = tpu.memref_slice %arg3[%run_scoped3A, %add3A, %dma_start3A_73, %dma_start3A_74] : memref<2x32x80x125xi32, #tpu.memory_space<hbm>> -> memref<1x1x80x125xi32, #tpu.memory_space<hbm>>
      %dma_start3A_76 = tpu.memref_squeeze %dma_start3A_75 : memref<1x1x80x125xi32, #tpu.memory_space<hbm>> -> memref<80x125xi32, #tpu.memory_space<hbm>>
      tpu.enqueue_dma source(%dma_start3A_76 : memref<80x125xi32, #tpu.memory_space<hbm>>) target(%arg6 : memref<80x125xi32, #tpu.memory_space<vmem>>) target_semaphore(%run_scoped3A_68 : memref<!tpu.dma_semaphore, #tpu.memory_space<semaphore_mem>>)
      %dma_wait3A_77 = arith.constant 0 : i32
      %dma_wait3A_78 = arith.constant 0 : i32
      %dma_wait3A_79 = tpu.memref_slice %arg3[%run_scoped3A, %add3A, %dma_wait3A_77, %dma_wait3A_78] : memref<2x32x80x125xi32, #tpu.memory_space<hbm>> -> memref<1x1x80x125xi32, #tpu.memory_space<hbm>>
      %dma_wait3A_80 = tpu.memref_squeeze %dma_wait3A_79 : memref<1x1x80x125xi32, #tpu.memory_space<hbm>> -> memref<80x125xi32, #tpu.memory_space<hbm>>
      %dma_wait3A_81 = arith.constant 0 : i32
      %dma_wait3A_82 = arith.constant 0 : i32
      %dma_wait3A_83 = tpu.memref_slice %arg3[%run_scoped3A, %add3A, %dma_wait3A_81, %dma_wait3A_82] : memref<2x32x80x125xi32, #tpu.memory_space<hbm>> -> memref<1x1x80x125xi32, #tpu.memory_space<hbm>>
      %dma_wait3A_84 = tpu.memref_squeeze %dma_wait3A_83 : memref<1x1x80x125xi32, #tpu.memory_space<hbm>> -> memref<80x125xi32, #tpu.memory_space<hbm>>
      tpu.wait_dma2 semaphore(%run_scoped3A_68 : memref<!tpu.dma_semaphore, #tpu.memory_space<semaphore_mem>>) src(%dma_wait3A_84 : memref<80x125xi32, #tpu.memory_space<hbm>>) dst(%arg6 : memref<80x125xi32, #tpu.memory_space<vmem>>)
      tpu.yield
    }) : () -> ()
    %run_scoped3A_3 = arith.constant 1 : i32
    "tpu.region"() ({
      %run_scoped3A_68 = tpu.sem_alloc : memref<!tpu.dma_semaphore, #tpu.memory_space<semaphore_mem>>
      %dma_start3A_69 = arith.constant 0 : i32
      %dma_start3A_70 = arith.constant 0 : i32
      %dma_start3A_71 = tpu.memref_slice %arg3[%run_scoped3A_3, %add3A, %dma_start3A_69, %dma_start3A_70] : memref<2x32x80x125xi32, #tpu.memory_space<hbm>> -> memref<1x1x80x125xi32, #tpu.memory_space<hbm>>
      %dma_start3A_72 = tpu.memref_squeeze %dma_start3A_71 : memref<1x1x80x125xi32, #tpu.memory_space<hbm>> -> memref<80x125xi32, #tpu.memory_space<hbm>>
      %dma_start3A_73 = arith.constant 0 : i32
      %dma_start3A_74 = arith.constant 0 : i32
      %dma_start3A_75 = tpu.memref_slice %arg3[%run_scoped3A_3, %add3A, %dma_start3A_73, %dma_start3A_74] : memref<2x32x80x125xi32, #tpu.memory_space<hbm>> -> memref<1x1x80x125xi32, #tpu.memory_space<hbm>>
      %dma_start3A_76 = tpu.memref_squeeze %dma_start3A_75 : memref<1x1x80x125xi32, #tpu.memory_space<hbm>> -> memref<80x125xi32, #tpu.memory_space<hbm>>
      tpu.enqueue_dma source(%dma_start3A_76 : memref<80x125xi32, #tpu.memory_space<hbm>>) target(%arg7 : memref<80x125xi32, #tpu.memory_space<vmem>>) target_semaphore(%run_scoped3A_68 : memref<!tpu.dma_semaphore, #tpu.memory_space<semaphore_mem>>)
      %dma_wait3A_77 = arith.constant 0 : i32
      %dma_wait3A_78 = arith.constant 0 : i32
      %dma_wait3A_79 = tpu.memref_slice %arg3[%run_scoped3A_3, %add3A, %dma_wait3A_77, %dma_wait3A_78] : memref<2x32x80x125xi32, #tpu.memory_space<hbm>> -> memref<1x1x80x125xi32, #tpu.memory_space<hbm>>
      %dma_wait3A_80 = tpu.memref_squeeze %dma_wait3A_79 : memref<1x1x80x125xi32, #tpu.memory_space<hbm>> -> memref<80x125xi32, #tpu.memory_space<hbm>>
      %dma_wait3A_81 = arith.constant 0 : i32
      %dma_wait3A_82 = arith.constant 0 : i32
      %dma_wait3A_83 = tpu.memref_slice %arg3[%run_scoped3A_3, %add3A, %dma_wait3A_81, %dma_wait3A_82] : memref<2x32x80x125xi32, #tpu.memory_space<hbm>> -> memref<1x1x80x125xi32, #tpu.memory_space<hbm>>
      %dma_wait3A_84 = tpu.memref_squeeze %dma_wait3A_83 : memref<1x1x80x125xi32, #tpu.memory_space<hbm>> -> memref<80x125xi32, #tpu.memory_space<hbm>>
      tpu.wait_dma2 semaphore(%run_scoped3A_68 : memref<!tpu.dma_semaphore, #tpu.memory_space<semaphore_mem>>) src(%dma_wait3A_84 : memref<80x125xi32, #tpu.memory_space<hbm>>) dst(%arg7 : memref<80x125xi32, #tpu.memory_space<vmem>>)
      tpu.yield
    }) : () -> ()
    %barrier3A = arith.constant 0 : index
    tpu.barrier barrier_id(%barrier3A)
    %dma_start3A = arith.constant 0 : i32
    %dma_start3A_4 = arith.constant 0 : i32
    %dma_start3A_5 = tpu.memref_slice %arg6[%dma_start3A, %dma_start3A_4] : memref<80x125xi32, #tpu.memory_space<vmem>> -> memref<1x125xi32, #tpu.memory_space<vmem>>
    %dma_start3A_6 = tpu.memref_squeeze %dma_start3A_5 : memref<1x125xi32, #tpu.memory_space<vmem>> -> memref<125xi32, #tpu.memory_space<vmem>>
    %dma_start3A_7 = arith.constant 0 : i32
    %dma_start3A_8 = arith.constant 0 : i32
    %dma_start3A_9 = tpu.memref_slice %arg2[%dma_start3A_7, %dma_start3A_8] : memref<10000x64xf32, #tpu.memory_space<hbm>> -> memref<10000x64xf32, #tpu.memory_space<hbm>>
    tpu.enqueue_indirect_dma source(%dma_start3A_9 : memref<10000x64xf32, #tpu.memory_space<hbm>>) target(%arg8 : memref<125x64xf32, #tpu.memory_space<vmem>>) offsets(%dma_start3A_6 : memref<125xi32, #tpu.memory_space<vmem>>) semaphore(%arg17 : memref<!tpu.dma_semaphore, #tpu.memory_space<semaphore_mem>>)
    %dma_start3A_10 = arith.constant 1 : i32
    %dma_start3A_11 = arith.constant 0 : i32
    %dma_start3A_12 = tpu.memref_slice %arg6[%dma_start3A_10, %dma_start3A_11] : memref<80x125xi32, #tpu.memory_space<vmem>> -> memref<1x125xi32, #tpu.memory_space<vmem>>
    %dma_start3A_13 = tpu.memref_squeeze %dma_start3A_12 : memref<1x125xi32, #tpu.memory_space<vmem>> -> memref<125xi32, #tpu.memory_space<vmem>>
    %dma_start3A_14 = arith.constant 0 : i32
    %dma_start3A_15 = arith.constant 0 : i32
    %dma_start3A_16 = tpu.memref_slice %arg2[%dma_start3A_14, %dma_start3A_15] : memref<10000x64xf32, #tpu.memory_space<hbm>> -> memref<10000x64xf32, #tpu.memory_space<hbm>>
    tpu.enqueue_indirect_dma source(%dma_start3A_16 : memref<10000x64xf32, #tpu.memory_space<hbm>>) target(%arg9 : memref<125x64xf32, #tpu.memory_space<vmem>>) offsets(%dma_start3A_13 : memref<125xi32, #tpu.memory_space<vmem>>) semaphore(%arg18 : memref<!tpu.dma_semaphore, #tpu.memory_space<semaphore_mem>>)
    %dma_start3A_17 = arith.constant 2 : i32
    %dma_start3A_18 = arith.constant 0 : i32
    %dma_start3A_19 = tpu.memref_slice %arg6[%dma_start3A_17, %dma_start3A_18] : memref<80x125xi32, #tpu.memory_space<vmem>> -> memref<1x125xi32, #tpu.memory_space<vmem>>
    %dma_start3A_20 = tpu.memref_squeeze %dma_start3A_19 : memref<1x125xi32, #tpu.memory_space<vmem>> -> memref<125xi32, #tpu.memory_space<vmem>>
    %dma_start3A_21 = arith.constant 0 : i32
    %dma_start3A_22 = arith.constant 0 : i32
    %dma_start3A_23 = tpu.memref_slice %arg2[%dma_start3A_21, %dma_start3A_22] : memref<10000x64xf32, #tpu.memory_space<hbm>> -> memref<10000x64xf32, #tpu.memory_space<hbm>>
    tpu.enqueue_indirect_dma source(%dma_start3A_23 : memref<10000x64xf32, #tpu.memory_space<hbm>>) target(%arg10 : memref<125x64xf32, #tpu.memory_space<vmem>>) offsets(%dma_start3A_20 : memref<125xi32, #tpu.memory_space<vmem>>) semaphore(%arg19 : memref<!tpu.dma_semaphore, #tpu.memory_space<semaphore_mem>>)
    %dma_start3A_24 = arith.constant 3 : i32
    %dma_start3A_25 = arith.constant 0 : i32
    %dma_start3A_26 = tpu.memref_slice %arg6[%dma_start3A_24, %dma_start3A_25] : memref<80x125xi32, #tpu.memory_space<vmem>> -> memref<1x125xi32, #tpu.memory_space<vmem>>
    %dma_start3A_27 = tpu.memref_squeeze %dma_start3A_26 : memref<1x125xi32, #tpu.memory_space<vmem>> -> memref<125xi32, #tpu.memory_space<vmem>>
    %dma_start3A_28 = arith.constant 0 : i32
    %dma_start3A_29 = arith.constant 0 : i32
    %dma_start3A_30 = tpu.memref_slice %arg2[%dma_start3A_28, %dma_start3A_29] : memref<10000x64xf32, #tpu.memory_space<hbm>> -> memref<10000x64xf32, #tpu.memory_space<hbm>>
    tpu.enqueue_indirect_dma source(%dma_start3A_30 : memref<10000x64xf32, #tpu.memory_space<hbm>>) target(%arg11 : memref<125x64xf32, #tpu.memory_space<vmem>>) offsets(%dma_start3A_27 : memref<125xi32, #tpu.memory_space<vmem>>) semaphore(%arg20 : memref<!tpu.dma_semaphore, #tpu.memory_space<semaphore_mem>>)
    %scan3A = arith.constant 0 : i32
    %scan3A_31 = arith.constant 0 : i32
    %scan3A_32 = arith.constant 10 : i32
    %scan3A_33 = arith.addi %scan3A_31, %scan3A_32 : i32
    %scan3A_34 = arith.constant 1 : i32
    scf.for %scan3A_68 = %scan3A_31 to %scan3A_33 step %scan3A_34  : i32 {
      %mul3A_69 = arith.constant 8 : i32
      %mul3A_70 = arith.muli %scan3A_68, %mul3A_69 : i32
      %add3A_71 = arith.constant 0 : i32
      %add3A_72 = arith.addi %mul3A_70, %add3A_71 : i32
      %dma_wait3A_73 = arith.constant 0 : i32
      %dma_wait3A_74 = tpu.memref_slice %arg6[%add3A_72, %dma_wait3A_73] : memref<80x125xi32, #tpu.memory_space<vmem>> -> memref<1x125xi32, #tpu.memory_space<vmem>>
      %dma_wait3A_75 = tpu.memref_squeeze %dma_wait3A_74 : memref<1x125xi32, #tpu.memory_space<vmem>> -> memref<125xi32, #tpu.memory_space<vmem>>
      %dma_wait3A_76 = arith.constant 0 : i32
      %dma_wait3A_77 = arith.constant 0 : i32
      %dma_wait3A_78 = tpu.memref_slice %arg2[%dma_wait3A_76, %dma_wait3A_77] : memref<10000x64xf32, #tpu.memory_space<hbm>> -> memref<10000x64xf32, #tpu.memory_space<hbm>>
      tpu.wait_indirect_dma semaphore(%arg17 : memref<!tpu.dma_semaphore, #tpu.memory_space<semaphore_mem>>) src(%dma_wait3A_78 : memref<10000x64xf32, #tpu.memory_space<hbm>>) dst(%arg8 : memref<125x64xf32, #tpu.memory_space<vmem>>)
      %dma_start3A_79 = arith.constant 0 : i32
      %dma_start3A_80 = tpu.memref_slice %arg7[%add3A_72, %dma_start3A_79] : memref<80x125xi32, #tpu.memory_space<vmem>> -> memref<1x125xi32, #tpu.memory_space<vmem>>
      %dma_start3A_81 = tpu.memref_squeeze %dma_start3A_80 : memref<1x125xi32, #tpu.memory_space<vmem>> -> memref<125xi32, #tpu.memory_space<vmem>>
      %dma_start3A_82 = arith.constant 0 : i32
      %dma_start3A_83 = arith.constant 0 : i32
      %dma_start3A_84 = tpu.memref_slice %arg16[%dma_start3A_82, %dma_start3A_83] : memref<10240x64xf32, #tpu.memory_space<vmem_shared>> -> memref<10240x64xf32, #tpu.memory_space<vmem_shared>>
      tpu.enqueue_indirect_dma source(%arg8 : memref<125x64xf32, #tpu.memory_space<vmem>>) target(%dma_start3A_84 : memref<10240x64xf32, #tpu.memory_space<vmem_shared>>) offsets(%dma_start3A_81 : memref<125xi32, #tpu.memory_space<vmem>>) semaphore(%arg25 : memref<!tpu.dma_semaphore, #tpu.memory_space<semaphore_mem>>) {add = true}
      %ge3A = arith.constant 4 : i32
      %ge3A_85 = arith.cmpi sge, %add3A_72, %ge3A : i32
      %convert_element_type3A = arith.extui %ge3A_85 : i1 to i32
      %cond3A = arith.constant 0 : i32
      %cond3A_86 = arith.cmpi ne, %convert_element_type3A, %cond3A : i32
      scf.if %cond3A_86 {
        %sub3A = arith.constant 4 : i32
        %sub3A_289 = arith.subi %add3A_72, %sub3A : i32
        %dma_wait3A_290 = arith.constant 0 : i32
        %dma_wait3A_291 = tpu.memref_slice %arg7[%sub3A_289, %dma_wait3A_290] : memref<80x125xi32, #tpu.memory_space<vmem>> -> memref<1x125xi32, #tpu.memory_space<vmem>>
        %dma_wait3A_292 = tpu.memref_squeeze %dma_wait3A_291 : memref<1x125xi32, #tpu.memory_space<vmem>> -> memref<125xi32, #tpu.memory_space<vmem>>
        %dma_wait3A_293 = arith.constant 0 : i32
        %dma_wait3A_294 = arith.constant 0 : i32
        %dma_wait3A_295 = tpu.memref_slice %arg16[%dma_wait3A_293, %dma_wait3A_294] : memref<10240x64xf32, #tpu.memory_space<vmem_shared>> -> memref<10240x64xf32, #tpu.memory_space<vmem_shared>>
        tpu.wait_indirect_dma semaphore(%arg29 : memref<!tpu.dma_semaphore, #tpu.memory_space<semaphore_mem>>) src(%arg12 : memref<125x64xf32, #tpu.memory_space<vmem>>) dst(%dma_wait3A_295 : memref<10240x64xf32, #tpu.memory_space<vmem_shared>>)
      } else {
      }
      %add3A_87 = arith.constant 4 : i32
      %add3A_88 = arith.addi %add3A_72, %add3A_87 : i32
      %lt3A = arith.constant 80 : i32
      %lt3A_89 = arith.cmpi slt, %add3A_88, %lt3A : i32
      %convert_element_type3A_90 = arith.extui %lt3A_89 : i1 to i32
      %cond3A_91 = arith.constant 0 : i32
      %cond3A_92 = arith.cmpi ne, %convert_element_type3A_90, %cond3A_91 : i32
      scf.if %cond3A_92 {
        %add3A_289 = arith.constant 4 : i32
        %add3A_290 = arith.addi %add3A_72, %add3A_289 : i32
        %dma_start3A_291 = arith.constant 0 : i32
        %dma_start3A_292 = tpu.memref_slice %arg6[%add3A_290, %dma_start3A_291] : memref<80x125xi32, #tpu.memory_space<vmem>> -> memref<1x125xi32, #tpu.memory_space<vmem>>
        %dma_start3A_293 = tpu.memref_squeeze %dma_start3A_292 : memref<1x125xi32, #tpu.memory_space<vmem>> -> memref<125xi32, #tpu.memory_space<vmem>>
        %dma_start3A_294 = arith.constant 0 : i32
        %dma_start3A_295 = arith.constant 0 : i32
        %dma_start3A_296 = tpu.memref_slice %arg2[%dma_start3A_294, %dma_start3A_295] : memref<10000x64xf32, #tpu.memory_space<hbm>> -> memref<10000x64xf32, #tpu.memory_space<hbm>>
        tpu.enqueue_indirect_dma source(%dma_start3A_296 : memref<10000x64xf32, #tpu.memory_space<hbm>>) target(%arg12 : memref<125x64xf32, #tpu.memory_space<vmem>>) offsets(%dma_start3A_293 : memref<125xi32, #tpu.memory_space<vmem>>) semaphore(%arg21 : memref<!tpu.dma_semaphore, #tpu.memory_space<semaphore_mem>>)
      } else {
      }
      %mul3A_93 = arith.constant 8 : i32
      %mul3A_94 = arith.muli %scan3A_68, %mul3A_93 : i32
      %add3A_95 = arith.constant 1 : i32
      %add3A_96 = arith.addi %mul3A_94, %add3A_95 : i32
      %dma_wait3A_97 = arith.constant 0 : i32
      %dma_wait3A_98 = tpu.memref_slice %arg6[%add3A_96, %dma_wait3A_97] : memref<80x125xi32, #tpu.memory_space<vmem>> -> memref<1x125xi32, #tpu.memory_space<vmem>>
      %dma_wait3A_99 = tpu.memref_squeeze %dma_wait3A_98 : memref<1x125xi32, #tpu.memory_space<vmem>> -> memref<125xi32, #tpu.memory_space<vmem>>
      %dma_wait3A_100 = arith.constant 0 : i32
      %dma_wait3A_101 = arith.constant 0 : i32
      %dma_wait3A_102 = tpu.memref_slice %arg2[%dma_wait3A_100, %dma_wait3A_101] : memref<10000x64xf32, #tpu.memory_space<hbm>> -> memref<10000x64xf32, #tpu.memory_space<hbm>>
      tpu.wait_indirect_dma semaphore(%arg18 : memref<!tpu.dma_semaphore, #tpu.memory_space<semaphore_mem>>) src(%dma_wait3A_102 : memref<10000x64xf32, #tpu.memory_space<hbm>>) dst(%arg9 : memref<125x64xf32, #tpu.memory_space<vmem>>)
      %dma_start3A_103 = arith.constant 0 : i32
      %dma_start3A_104 = tpu.memref_slice %arg7[%add3A_96, %dma_start3A_103] : memref<80x125xi32, #tpu.memory_space<vmem>> -> memref<1x125xi32, #tpu.memory_space<vmem>>
      %dma_start3A_105 = tpu.memref_squeeze %dma_start3A_104 : memref<1x125xi32, #tpu.memory_space<vmem>> -> memref<125xi32, #tpu.memory_space<vmem>>
      %dma_start3A_106 = arith.constant 0 : i32
      %dma_start3A_107 = arith.constant 0 : i32
      %dma_start3A_108 = tpu.memref_slice %arg16[%dma_start3A_106, %dma_start3A_107] : memref<10240x64xf32, #tpu.memory_space<vmem_shared>> -> memref<10240x64xf32, #tpu.memory_space<vmem_shared>>
      tpu.enqueue_indirect_dma source(%arg9 : memref<125x64xf32, #tpu.memory_space<vmem>>) target(%dma_start3A_108 : memref<10240x64xf32, #tpu.memory_space<vmem_shared>>) offsets(%dma_start3A_105 : memref<125xi32, #tpu.memory_space<vmem>>) semaphore(%arg26 : memref<!tpu.dma_semaphore, #tpu.memory_space<semaphore_mem>>) {add = true}
      %ge3A_109 = arith.constant 4 : i32
      %ge3A_110 = arith.cmpi sge, %add3A_96, %ge3A_109 : i32
      %convert_element_type3A_111 = arith.extui %ge3A_110 : i1 to i32
      %cond3A_112 = arith.constant 0 : i32
      %cond3A_113 = arith.cmpi ne, %convert_element_type3A_111, %cond3A_112 : i32
      scf.if %cond3A_113 {
        %sub3A = arith.constant 4 : i32
        %sub3A_289 = arith.subi %add3A_96, %sub3A : i32
        %dma_wait3A_290 = arith.constant 0 : i32
        %dma_wait3A_291 = tpu.memref_slice %arg7[%sub3A_289, %dma_wait3A_290] : memref<80x125xi32, #tpu.memory_space<vmem>> -> memref<1x125xi32, #tpu.memory_space<vmem>>
        %dma_wait3A_292 = tpu.memref_squeeze %dma_wait3A_291 : memref<1x125xi32, #tpu.memory_space<vmem>> -> memref<125xi32, #tpu.memory_space<vmem>>
        %dma_wait3A_293 = arith.constant 0 : i32
        %dma_wait3A_294 = arith.constant 0 : i32
        %dma_wait3A_295 = tpu.memref_slice %arg16[%dma_wait3A_293, %dma_wait3A_294] : memref<10240x64xf32, #tpu.memory_space<vmem_shared>> -> memref<10240x64xf32, #tpu.memory_space<vmem_shared>>
        tpu.wait_indirect_dma semaphore(%arg30 : memref<!tpu.dma_semaphore, #tpu.memory_space<semaphore_mem>>) src(%arg13 : memref<125x64xf32, #tpu.memory_space<vmem>>) dst(%dma_wait3A_295 : memref<10240x64xf32, #tpu.memory_space<vmem_shared>>)
      } else {
      }
      %add3A_114 = arith.constant 4 : i32
      %add3A_115 = arith.addi %add3A_96, %add3A_114 : i32
      %lt3A_116 = arith.constant 80 : i32
      %lt3A_117 = arith.cmpi slt, %add3A_115, %lt3A_116 : i32
      %convert_element_type3A_118 = arith.extui %lt3A_117 : i1 to i32
      %cond3A_119 = arith.constant 0 : i32
      %cond3A_120 = arith.cmpi ne, %convert_element_type3A_118, %cond3A_119 : i32
      scf.if %cond3A_120 {
        %add3A_289 = arith.constant 4 : i32
        %add3A_290 = arith.addi %add3A_96, %add3A_289 : i32
        %dma_start3A_291 = arith.constant 0 : i32
        %dma_start3A_292 = tpu.memref_slice %arg6[%add3A_290, %dma_start3A_291] : memref<80x125xi32, #tpu.memory_space<vmem>> -> memref<1x125xi32, #tpu.memory_space<vmem>>
        %dma_start3A_293 = tpu.memref_squeeze %dma_start3A_292 : memref<1x125xi32, #tpu.memory_space<vmem>> -> memref<125xi32, #tpu.memory_space<vmem>>
        %dma_start3A_294 = arith.constant 0 : i32
        %dma_start3A_295 = arith.constant 0 : i32
        %dma_start3A_296 = tpu.memref_slice %arg2[%dma_start3A_294, %dma_start3A_295] : memref<10000x64xf32, #tpu.memory_space<hbm>> -> memref<10000x64xf32, #tpu.memory_space<hbm>>
        tpu.enqueue_indirect_dma source(%dma_start3A_296 : memref<10000x64xf32, #tpu.memory_space<hbm>>) target(%arg13 : memref<125x64xf32, #tpu.memory_space<vmem>>) offsets(%dma_start3A_293 : memref<125xi32, #tpu.memory_space<vmem>>) semaphore(%arg22 : memref<!tpu.dma_semaphore, #tpu.memory_space<semaphore_mem>>)
      } else {
      }
      %mul3A_121 = arith.constant 8 : i32
      %mul3A_122 = arith.muli %scan3A_68, %mul3A_121 : i32
      %add3A_123 = arith.constant 2 : i32
      %add3A_124 = arith.addi %mul3A_122, %add3A_123 : i32
      %dma_wait3A_125 = arith.constant 0 : i32
      %dma_wait3A_126 = tpu.memref_slice %arg6[%add3A_124, %dma_wait3A_125] : memref<80x125xi32, #tpu.memory_space<vmem>> -> memref<1x125xi32, #tpu.memory_space<vmem>>
      %dma_wait3A_127 = tpu.memref_squeeze %dma_wait3A_126 : memref<1x125xi32, #tpu.memory_space<vmem>> -> memref<125xi32, #tpu.memory_space<vmem>>
      %dma_wait3A_128 = arith.constant 0 : i32
      %dma_wait3A_129 = arith.constant 0 : i32
      %dma_wait3A_130 = tpu.memref_slice %arg2[%dma_wait3A_128, %dma_wait3A_129] : memref<10000x64xf32, #tpu.memory_space<hbm>> -> memref<10000x64xf32, #tpu.memory_space<hbm>>
      tpu.wait_indirect_dma semaphore(%arg19 : memref<!tpu.dma_semaphore, #tpu.memory_space<semaphore_mem>>) src(%dma_wait3A_130 : memref<10000x64xf32, #tpu.memory_space<hbm>>) dst(%arg10 : memref<125x64xf32, #tpu.memory_space<vmem>>)
      %dma_start3A_131 = arith.constant 0 : i32
      %dma_start3A_132 = tpu.memref_slice %arg7[%add3A_124, %dma_start3A_131] : memref<80x125xi32, #tpu.memory_space<vmem>> -> memref<1x125xi32, #tpu.memory_space<vmem>>
      %dma_start3A_133 = tpu.memref_squeeze %dma_start3A_132 : memref<1x125xi32, #tpu.memory_space<vmem>> -> memref<125xi32, #tpu.memory_space<vmem>>
      %dma_start3A_134 = arith.constant 0 : i32
      %dma_start3A_135 = arith.constant 0 : i32
      %dma_start3A_136 = tpu.memref_slice %arg16[%dma_start3A_134, %dma_start3A_135] : memref<10240x64xf32, #tpu.memory_space<vmem_shared>> -> memref<10240x64xf32, #tpu.memory_space<vmem_shared>>
      tpu.enqueue_indirect_dma source(%arg10 : memref<125x64xf32, #tpu.memory_space<vmem>>) target(%dma_start3A_136 : memref<10240x64xf32, #tpu.memory_space<vmem_shared>>) offsets(%dma_start3A_133 : memref<125xi32, #tpu.memory_space<vmem>>) semaphore(%arg27 : memref<!tpu.dma_semaphore, #tpu.memory_space<semaphore_mem>>) {add = true}
      %ge3A_137 = arith.constant 4 : i32
      %ge3A_138 = arith.cmpi sge, %add3A_124, %ge3A_137 : i32
      %convert_element_type3A_139 = arith.extui %ge3A_138 : i1 to i32
      %cond3A_140 = arith.constant 0 : i32
      %cond3A_141 = arith.cmpi ne, %convert_element_type3A_139, %cond3A_140 : i32
      scf.if %cond3A_141 {
        %sub3A = arith.constant 4 : i32
        %sub3A_289 = arith.subi %add3A_124, %sub3A : i32
        %dma_wait3A_290 = arith.constant 0 : i32
        %dma_wait3A_291 = tpu.memref_slice %arg7[%sub3A_289, %dma_wait3A_290] : memref<80x125xi32, #tpu.memory_space<vmem>> -> memref<1x125xi32, #tpu.memory_space<vmem>>
        %dma_wait3A_292 = tpu.memref_squeeze %dma_wait3A_291 : memref<1x125xi32, #tpu.memory_space<vmem>> -> memref<125xi32, #tpu.memory_space<vmem>>
        %dma_wait3A_293 = arith.constant 0 : i32
        %dma_wait3A_294 = arith.constant 0 : i32
        %dma_wait3A_295 = tpu.memref_slice %arg16[%dma_wait3A_293, %dma_wait3A_294] : memref<10240x64xf32, #tpu.memory_space<vmem_shared>> -> memref<10240x64xf32, #tpu.memory_space<vmem_shared>>
        tpu.wait_indirect_dma semaphore(%arg31 : memref<!tpu.dma_semaphore, #tpu.memory_space<semaphore_mem>>) src(%arg14 : memref<125x64xf32, #tpu.memory_space<vmem>>) dst(%dma_wait3A_295 : memref<10240x64xf32, #tpu.memory_space<vmem_shared>>)
      } else {
      }
      %add3A_142 = arith.constant 4 : i32
      %add3A_143 = arith.addi %add3A_124, %add3A_142 : i32
      %lt3A_144 = arith.constant 80 : i32
      %lt3A_145 = arith.cmpi slt, %add3A_143, %lt3A_144 : i32
      %convert_element_type3A_146 = arith.extui %lt3A_145 : i1 to i32
      %cond3A_147 = arith.constant 0 : i32
      %cond3A_148 = arith.cmpi ne, %convert_element_type3A_146, %cond3A_147 : i32
      scf.if %cond3A_148 {
        %add3A_289 = arith.constant 4 : i32
        %add3A_290 = arith.addi %add3A_124, %add3A_289 : i32
        %dma_start3A_291 = arith.constant 0 : i32
        %dma_start3A_292 = tpu.memref_slice %arg6[%add3A_290, %dma_start3A_291] : memref<80x125xi32, #tpu.memory_space<vmem>> -> memref<1x125xi32, #tpu.memory_space<vmem>>
        %dma_start3A_293 = tpu.memref_squeeze %dma_start3A_292 : memref<1x125xi32, #tpu.memory_space<vmem>> -> memref<125xi32, #tpu.memory_space<vmem>>
        %dma_start3A_294 = arith.constant 0 : i32
        %dma_start3A_295 = arith.constant 0 : i32
        %dma_start3A_296 = tpu.memref_slice %arg2[%dma_start3A_294, %dma_start3A_295] : memref<10000x64xf32, #tpu.memory_space<hbm>> -> memref<10000x64xf32, #tpu.memory_space<hbm>>
        tpu.enqueue_indirect_dma source(%dma_start3A_296 : memref<10000x64xf32, #tpu.memory_space<hbm>>) target(%arg14 : memref<125x64xf32, #tpu.memory_space<vmem>>) offsets(%dma_start3A_293 : memref<125xi32, #tpu.memory_space<vmem>>) semaphore(%arg23 : memref<!tpu.dma_semaphore, #tpu.memory_space<semaphore_mem>>)
      } else {
      }
      %mul3A_149 = arith.constant 8 : i32
      %mul3A_150 = arith.muli %scan3A_68, %mul3A_149 : i32
      %add3A_151 = arith.constant 3 : i32
      %add3A_152 = arith.addi %mul3A_150, %add3A_151 : i32
      %dma_wait3A_153 = arith.constant 0 : i32
      %dma_wait3A_154 = tpu.memref_slice %arg6[%add3A_152, %dma_wait3A_153] : memref<80x125xi32, #tpu.memory_space<vmem>> -> memref<1x125xi32, #tpu.memory_space<vmem>>
      %dma_wait3A_155 = tpu.memref_squeeze %dma_wait3A_154 : memref<1x125xi32, #tpu.memory_space<vmem>> -> memref<125xi32, #tpu.memory_space<vmem>>
      %dma_wait3A_156 = arith.constant 0 : i32
      %dma_wait3A_157 = arith.constant 0 : i32
      %dma_wait3A_158 = tpu.memref_slice %arg2[%dma_wait3A_156, %dma_wait3A_157] : memref<10000x64xf32, #tpu.memory_space<hbm>> -> memref<10000x64xf32, #tpu.memory_space<hbm>>
      tpu.wait_indirect_dma semaphore(%arg20 : memref<!tpu.dma_semaphore, #tpu.memory_space<semaphore_mem>>) src(%dma_wait3A_158 : memref<10000x64xf32, #tpu.memory_space<hbm>>) dst(%arg11 : memref<125x64xf32, #tpu.memory_space<vmem>>)
      %dma_start3A_159 = arith.constant 0 : i32
      %dma_start3A_160 = tpu.memref_slice %arg7[%add3A_152, %dma_start3A_159] : memref<80x125xi32, #tpu.memory_space<vmem>> -> memref<1x125xi32, #tpu.memory_space<vmem>>
      %dma_start3A_161 = tpu.memref_squeeze %dma_start3A_160 : memref<1x125xi32, #tpu.memory_space<vmem>> -> memref<125xi32, #tpu.memory_space<vmem>>
      %dma_start3A_162 = arith.constant 0 : i32
      %dma_start3A_163 = arith.constant 0 : i32
      %dma_start3A_164 = tpu.memref_slice %arg16[%dma_start3A_162, %dma_start3A_163] : memref<10240x64xf32, #tpu.memory_space<vmem_shared>> -> memref<10240x64xf32, #tpu.memory_space<vmem_shared>>
      tpu.enqueue_indirect_dma source(%arg11 : memref<125x64xf32, #tpu.memory_space<vmem>>) target(%dma_start3A_164 : memref<10240x64xf32, #tpu.memory_space<vmem_shared>>) offsets(%dma_start3A_161 : memref<125xi32, #tpu.memory_space<vmem>>) semaphore(%arg28 : memref<!tpu.dma_semaphore, #tpu.memory_space<semaphore_mem>>) {add = true}
      %ge3A_165 = arith.constant 4 : i32
      %ge3A_166 = arith.cmpi sge, %add3A_152, %ge3A_165 : i32
      %convert_element_type3A_167 = arith.extui %ge3A_166 : i1 to i32
      %cond3A_168 = arith.constant 0 : i32
      %cond3A_169 = arith.cmpi ne, %convert_element_type3A_167, %cond3A_168 : i32
      scf.if %cond3A_169 {
        %sub3A = arith.constant 4 : i32
        %sub3A_289 = arith.subi %add3A_152, %sub3A : i32
        %dma_wait3A_290 = arith.constant 0 : i32
        %dma_wait3A_291 = tpu.memref_slice %arg7[%sub3A_289, %dma_wait3A_290] : memref<80x125xi32, #tpu.memory_space<vmem>> -> memref<1x125xi32, #tpu.memory_space<vmem>>
        %dma_wait3A_292 = tpu.memref_squeeze %dma_wait3A_291 : memref<1x125xi32, #tpu.memory_space<vmem>> -> memref<125xi32, #tpu.memory_space<vmem>>
        %dma_wait3A_293 = arith.constant 0 : i32
        %dma_wait3A_294 = arith.constant 0 : i32
        %dma_wait3A_295 = tpu.memref_slice %arg16[%dma_wait3A_293, %dma_wait3A_294] : memref<10240x64xf32, #tpu.memory_space<vmem_shared>> -> memref<10240x64xf32, #tpu.memory_space<vmem_shared>>
        tpu.wait_indirect_dma semaphore(%arg32 : memref<!tpu.dma_semaphore, #tpu.memory_space<semaphore_mem>>) src(%arg15 : memref<125x64xf32, #tpu.memory_space<vmem>>) dst(%dma_wait3A_295 : memref<10240x64xf32, #tpu.memory_space<vmem_shared>>)
      } else {
      }
      %add3A_170 = arith.constant 4 : i32
      %add3A_171 = arith.addi %add3A_152, %add3A_170 : i32
      %lt3A_172 = arith.constant 80 : i32
      %lt3A_173 = arith.cmpi slt, %add3A_171, %lt3A_172 : i32
      %convert_element_type3A_174 = arith.extui %lt3A_173 : i1 to i32
      %cond3A_175 = arith.constant 0 : i32
      %cond3A_176 = arith.cmpi ne, %convert_element_type3A_174, %cond3A_175 : i32
      scf.if %cond3A_176 {
        %add3A_289 = arith.constant 4 : i32
        %add3A_290 = arith.addi %add3A_152, %add3A_289 : i32
        %dma_start3A_291 = arith.constant 0 : i32
        %dma_start3A_292 = tpu.memref_slice %arg6[%add3A_290, %dma_start3A_291] : memref<80x125xi32, #tpu.memory_space<vmem>> -> memref<1x125xi32, #tpu.memory_space<vmem>>
        %dma_start3A_293 = tpu.memref_squeeze %dma_start3A_292 : memref<1x125xi32, #tpu.memory_space<vmem>> -> memref<125xi32, #tpu.memory_space<vmem>>
        %dma_start3A_294 = arith.constant 0 : i32
        %dma_start3A_295 = arith.constant 0 : i32
        %dma_start3A_296 = tpu.memref_slice %arg2[%dma_start3A_294, %dma_start3A_295] : memref<10000x64xf32, #tpu.memory_space<hbm>> -> memref<10000x64xf32, #tpu.memory_space<hbm>>
        tpu.enqueue_indirect_dma source(%dma_start3A_296 : memref<10000x64xf32, #tpu.memory_space<hbm>>) target(%arg15 : memref<125x64xf32, #tpu.memory_space<vmem>>) offsets(%dma_start3A_293 : memref<125xi32, #tpu.memory_space<vmem>>) semaphore(%arg24 : memref<!tpu.dma_semaphore, #tpu.memory_space<semaphore_mem>>)
      } else {
      }
      %mul3A_177 = arith.constant 8 : i32
      %mul3A_178 = arith.muli %scan3A_68, %mul3A_177 : i32
      %add3A_179 = arith.constant 4 : i32
      %add3A_180 = arith.addi %mul3A_178, %add3A_179 : i32
      %dma_wait3A_181 = arith.constant 0 : i32
      %dma_wait3A_182 = tpu.memref_slice %arg6[%add3A_180, %dma_wait3A_181] : memref<80x125xi32, #tpu.memory_space<vmem>> -> memref<1x125xi32, #tpu.memory_space<vmem>>
      %dma_wait3A_183 = tpu.memref_squeeze %dma_wait3A_182 : memref<1x125xi32, #tpu.memory_space<vmem>> -> memref<125xi32, #tpu.memory_space<vmem>>
      %dma_wait3A_184 = arith.constant 0 : i32
      %dma_wait3A_185 = arith.constant 0 : i32
      %dma_wait3A_186 = tpu.memref_slice %arg2[%dma_wait3A_184, %dma_wait3A_185] : memref<10000x64xf32, #tpu.memory_space<hbm>> -> memref<10000x64xf32, #tpu.memory_space<hbm>>
      tpu.wait_indirect_dma semaphore(%arg21 : memref<!tpu.dma_semaphore, #tpu.memory_space<semaphore_mem>>) src(%dma_wait3A_186 : memref<10000x64xf32, #tpu.memory_space<hbm>>) dst(%arg12 : memref<125x64xf32, #tpu.memory_space<vmem>>)
      %dma_start3A_187 = arith.constant 0 : i32
      %dma_start3A_188 = tpu.memref_slice %arg7[%add3A_180, %dma_start3A_187] : memref<80x125xi32, #tpu.memory_space<vmem>> -> memref<1x125xi32, #tpu.memory_space<vmem>>
      %dma_start3A_189 = tpu.memref_squeeze %dma_start3A_188 : memref<1x125xi32, #tpu.memory_space<vmem>> -> memref<125xi32, #tpu.memory_space<vmem>>
      %dma_start3A_190 = arith.constant 0 : i32
      %dma_start3A_191 = arith.constant 0 : i32
      %dma_start3A_192 = tpu.memref_slice %arg16[%dma_start3A_190, %dma_start3A_191] : memref<10240x64xf32, #tpu.memory_space<vmem_shared>> -> memref<10240x64xf32, #tpu.memory_space<vmem_shared>>
      tpu.enqueue_indirect_dma source(%arg12 : memref<125x64xf32, #tpu.memory_space<vmem>>) target(%dma_start3A_192 : memref<10240x64xf32, #tpu.memory_space<vmem_shared>>) offsets(%dma_start3A_189 : memref<125xi32, #tpu.memory_space<vmem>>) semaphore(%arg29 : memref<!tpu.dma_semaphore, #tpu.memory_space<semaphore_mem>>) {add = true}
      %ge3A_193 = arith.constant 4 : i32
      %ge3A_194 = arith.cmpi sge, %add3A_180, %ge3A_193 : i32
      %convert_element_type3A_195 = arith.extui %ge3A_194 : i1 to i32
      %cond3A_196 = arith.constant 0 : i32
      %cond3A_197 = arith.cmpi ne, %convert_element_type3A_195, %cond3A_196 : i32
      scf.if %cond3A_197 {
        %sub3A = arith.constant 4 : i32
        %sub3A_289 = arith.subi %add3A_180, %sub3A : i32
        %dma_wait3A_290 = arith.constant 0 : i32
        %dma_wait3A_291 = tpu.memref_slice %arg7[%sub3A_289, %dma_wait3A_290] : memref<80x125xi32, #tpu.memory_space<vmem>> -> memref<1x125xi32, #tpu.memory_space<vmem>>
        %dma_wait3A_292 = tpu.memref_squeeze %dma_wait3A_291 : memref<1x125xi32, #tpu.memory_space<vmem>> -> memref<125xi32, #tpu.memory_space<vmem>>
        %dma_wait3A_293 = arith.constant 0 : i32
        %dma_wait3A_294 = arith.constant 0 : i32
        %dma_wait3A_295 = tpu.memref_slice %arg16[%dma_wait3A_293, %dma_wait3A_294] : memref<10240x64xf32, #tpu.memory_space<vmem_shared>> -> memref<10240x64xf32, #tpu.memory_space<vmem_shared>>
        tpu.wait_indirect_dma semaphore(%arg25 : memref<!tpu.dma_semaphore, #tpu.memory_space<semaphore_mem>>) src(%arg8 : memref<125x64xf32, #tpu.memory_space<vmem>>) dst(%dma_wait3A_295 : memref<10240x64xf32, #tpu.memory_space<vmem_shared>>)
      } else {
      }
      %add3A_198 = arith.constant 4 : i32
      %add3A_199 = arith.addi %add3A_180, %add3A_198 : i32
      %lt3A_200 = arith.constant 80 : i32
      %lt3A_201 = arith.cmpi slt, %add3A_199, %lt3A_200 : i32
      %convert_element_type3A_202 = arith.extui %lt3A_201 : i1 to i32
      %cond3A_203 = arith.constant 0 : i32
      %cond3A_204 = arith.cmpi ne, %convert_element_type3A_202, %cond3A_203 : i32
      scf.if %cond3A_204 {
        %add3A_289 = arith.constant 4 : i32
        %add3A_290 = arith.addi %add3A_180, %add3A_289 : i32
        %dma_start3A_291 = arith.constant 0 : i32
        %dma_start3A_292 = tpu.memref_slice %arg6[%add3A_290, %dma_start3A_291] : memref<80x125xi32, #tpu.memory_space<vmem>> -> memref<1x125xi32, #tpu.memory_space<vmem>>
        %dma_start3A_293 = tpu.memref_squeeze %dma_start3A_292 : memref<1x125xi32, #tpu.memory_space<vmem>> -> memref<125xi32, #tpu.memory_space<vmem>>
        %dma_start3A_294 = arith.constant 0 : i32
        %dma_start3A_295 = arith.constant 0 : i32
        %dma_start3A_296 = tpu.memref_slice %arg2[%dma_start3A_294, %dma_start3A_295] : memref<10000x64xf32, #tpu.memory_space<hbm>> -> memref<10000x64xf32, #tpu.memory_space<hbm>>
        tpu.enqueue_indirect_dma source(%dma_start3A_296 : memref<10000x64xf32, #tpu.memory_space<hbm>>) target(%arg8 : memref<125x64xf32, #tpu.memory_space<vmem>>) offsets(%dma_start3A_293 : memref<125xi32, #tpu.memory_space<vmem>>) semaphore(%arg17 : memref<!tpu.dma_semaphore, #tpu.memory_space<semaphore_mem>>)
      } else {
      }
      %mul3A_205 = arith.constant 8 : i32
      %mul3A_206 = arith.muli %scan3A_68, %mul3A_205 : i32
      %add3A_207 = arith.constant 5 : i32
      %add3A_208 = arith.addi %mul3A_206, %add3A_207 : i32
      %dma_wait3A_209 = arith.constant 0 : i32
      %dma_wait3A_210 = tpu.memref_slice %arg6[%add3A_208, %dma_wait3A_209] : memref<80x125xi32, #tpu.memory_space<vmem>> -> memref<1x125xi32, #tpu.memory_space<vmem>>
      %dma_wait3A_211 = tpu.memref_squeeze %dma_wait3A_210 : memref<1x125xi32, #tpu.memory_space<vmem>> -> memref<125xi32, #tpu.memory_space<vmem>>
      %dma_wait3A_212 = arith.constant 0 : i32
      %dma_wait3A_213 = arith.constant 0 : i32
      %dma_wait3A_214 = tpu.memref_slice %arg2[%dma_wait3A_212, %dma_wait3A_213] : memref<10000x64xf32, #tpu.memory_space<hbm>> -> memref<10000x64xf32, #tpu.memory_space<hbm>>
      tpu.wait_indirect_dma semaphore(%arg22 : memref<!tpu.dma_semaphore, #tpu.memory_space<semaphore_mem>>) src(%dma_wait3A_214 : memref<10000x64xf32, #tpu.memory_space<hbm>>) dst(%arg13 : memref<125x64xf32, #tpu.memory_space<vmem>>)
      %dma_start3A_215 = arith.constant 0 : i32
      %dma_start3A_216 = tpu.memref_slice %arg7[%add3A_208, %dma_start3A_215] : memref<80x125xi32, #tpu.memory_space<vmem>> -> memref<1x125xi32, #tpu.memory_space<vmem>>
      %dma_start3A_217 = tpu.memref_squeeze %dma_start3A_216 : memref<1x125xi32, #tpu.memory_space<vmem>> -> memref<125xi32, #tpu.memory_space<vmem>>
      %dma_start3A_218 = arith.constant 0 : i32
      %dma_start3A_219 = arith.constant 0 : i32
      %dma_start3A_220 = tpu.memref_slice %arg16[%dma_start3A_218, %dma_start3A_219] : memref<10240x64xf32, #tpu.memory_space<vmem_shared>> -> memref<10240x64xf32, #tpu.memory_space<vmem_shared>>
      tpu.enqueue_indirect_dma source(%arg13 : memref<125x64xf32, #tpu.memory_space<vmem>>) target(%dma_start3A_220 : memref<10240x64xf32, #tpu.memory_space<vmem_shared>>) offsets(%dma_start3A_217 : memref<125xi32, #tpu.memory_space<vmem>>) semaphore(%arg30 : memref<!tpu.dma_semaphore, #tpu.memory_space<semaphore_mem>>) {add = true}
      %ge3A_221 = arith.constant 4 : i32
      %ge3A_222 = arith.cmpi sge, %add3A_208, %ge3A_221 : i32
      %convert_element_type3A_223 = arith.extui %ge3A_222 : i1 to i32
      %cond3A_224 = arith.constant 0 : i32
      %cond3A_225 = arith.cmpi ne, %convert_element_type3A_223, %cond3A_224 : i32
      scf.if %cond3A_225 {
        %sub3A = arith.constant 4 : i32
        %sub3A_289 = arith.subi %add3A_208, %sub3A : i32
        %dma_wait3A_290 = arith.constant 0 : i32
        %dma_wait3A_291 = tpu.memref_slice %arg7[%sub3A_289, %dma_wait3A_290] : memref<80x125xi32, #tpu.memory_space<vmem>> -> memref<1x125xi32, #tpu.memory_space<vmem>>
        %dma_wait3A_292 = tpu.memref_squeeze %dma_wait3A_291 : memref<1x125xi32, #tpu.memory_space<vmem>> -> memref<125xi32, #tpu.memory_space<vmem>>
        %dma_wait3A_293 = arith.constant 0 : i32
        %dma_wait3A_294 = arith.constant 0 : i32
        %dma_wait3A_295 = tpu.memref_slice %arg16[%dma_wait3A_293, %dma_wait3A_294] : memref<10240x64xf32, #tpu.memory_space<vmem_shared>> -> memref<10240x64xf32, #tpu.memory_space<vmem_shared>>
        tpu.wait_indirect_dma semaphore(%arg26 : memref<!tpu.dma_semaphore, #tpu.memory_space<semaphore_mem>>) src(%arg9 : memref<125x64xf32, #tpu.memory_space<vmem>>) dst(%dma_wait3A_295 : memref<10240x64xf32, #tpu.memory_space<vmem_shared>>)
      } else {
      }
      %add3A_226 = arith.constant 4 : i32
      %add3A_227 = arith.addi %add3A_208, %add3A_226 : i32
      %lt3A_228 = arith.constant 80 : i32
      %lt3A_229 = arith.cmpi slt, %add3A_227, %lt3A_228 : i32
      %convert_element_type3A_230 = arith.extui %lt3A_229 : i1 to i32
      %cond3A_231 = arith.constant 0 : i32
      %cond3A_232 = arith.cmpi ne, %convert_element_type3A_230, %cond3A_231 : i32
      scf.if %cond3A_232 {
        %add3A_289 = arith.constant 4 : i32
        %add3A_290 = arith.addi %add3A_208, %add3A_289 : i32
        %dma_start3A_291 = arith.constant 0 : i32
        %dma_start3A_292 = tpu.memref_slice %arg6[%add3A_290, %dma_start3A_291] : memref<80x125xi32, #tpu.memory_space<vmem>> -> memref<1x125xi32, #tpu.memory_space<vmem>>
        %dma_start3A_293 = tpu.memref_squeeze %dma_start3A_292 : memref<1x125xi32, #tpu.memory_space<vmem>> -> memref<125xi32, #tpu.memory_space<vmem>>
        %dma_start3A_294 = arith.constant 0 : i32
        %dma_start3A_295 = arith.constant 0 : i32
        %dma_start3A_296 = tpu.memref_slice %arg2[%dma_start3A_294, %dma_start3A_295] : memref<10000x64xf32, #tpu.memory_space<hbm>> -> memref<10000x64xf32, #tpu.memory_space<hbm>>
        tpu.enqueue_indirect_dma source(%dma_start3A_296 : memref<10000x64xf32, #tpu.memory_space<hbm>>) target(%arg9 : memref<125x64xf32, #tpu.memory_space<vmem>>) offsets(%dma_start3A_293 : memref<125xi32, #tpu.memory_space<vmem>>) semaphore(%arg18 : memref<!tpu.dma_semaphore, #tpu.memory_space<semaphore_mem>>)
      } else {
      }
      %mul3A_233 = arith.constant 8 : i32
      %mul3A_234 = arith.muli %scan3A_68, %mul3A_233 : i32
      %add3A_235 = arith.constant 6 : i32
      %add3A_236 = arith.addi %mul3A_234, %add3A_235 : i32
      %dma_wait3A_237 = arith.constant 0 : i32
      %dma_wait3A_238 = tpu.memref_slice %arg6[%add3A_236, %dma_wait3A_237] : memref<80x125xi32, #tpu.memory_space<vmem>> -> memref<1x125xi32, #tpu.memory_space<vmem>>
      %dma_wait3A_239 = tpu.memref_squeeze %dma_wait3A_238 : memref<1x125xi32, #tpu.memory_space<vmem>> -> memref<125xi32, #tpu.memory_space<vmem>>
      %dma_wait3A_240 = arith.constant 0 : i32
      %dma_wait3A_241 = arith.constant 0 : i32
      %dma_wait3A_242 = tpu.memref_slice %arg2[%dma_wait3A_240, %dma_wait3A_241] : memref<10000x64xf32, #tpu.memory_space<hbm>> -> memref<10000x64xf32, #tpu.memory_space<hbm>>
      tpu.wait_indirect_dma semaphore(%arg23 : memref<!tpu.dma_semaphore, #tpu.memory_space<semaphore_mem>>) src(%dma_wait3A_242 : memref<10000x64xf32, #tpu.memory_space<hbm>>) dst(%arg14 : memref<125x64xf32, #tpu.memory_space<vmem>>)
      %dma_start3A_243 = arith.constant 0 : i32
      %dma_start3A_244 = tpu.memref_slice %arg7[%add3A_236, %dma_start3A_243] : memref<80x125xi32, #tpu.memory_space<vmem>> -> memref<1x125xi32, #tpu.memory_space<vmem>>
      %dma_start3A_245 = tpu.memref_squeeze %dma_start3A_244 : memref<1x125xi32, #tpu.memory_space<vmem>> -> memref<125xi32, #tpu.memory_space<vmem>>
      %dma_start3A_246 = arith.constant 0 : i32
      %dma_start3A_247 = arith.constant 0 : i32
      %dma_start3A_248 = tpu.memref_slice %arg16[%dma_start3A_246, %dma_start3A_247] : memref<10240x64xf32, #tpu.memory_space<vmem_shared>> -> memref<10240x64xf32, #tpu.memory_space<vmem_shared>>
      tpu.enqueue_indirect_dma source(%arg14 : memref<125x64xf32, #tpu.memory_space<vmem>>) target(%dma_start3A_248 : memref<10240x64xf32, #tpu.memory_space<vmem_shared>>) offsets(%dma_start3A_245 : memref<125xi32, #tpu.memory_space<vmem>>) semaphore(%arg31 : memref<!tpu.dma_semaphore, #tpu.memory_space<semaphore_mem>>) {add = true}
      %ge3A_249 = arith.constant 4 : i32
      %ge3A_250 = arith.cmpi sge, %add3A_236, %ge3A_249 : i32
      %convert_element_type3A_251 = arith.extui %ge3A_250 : i1 to i32
      %cond3A_252 = arith.constant 0 : i32
      %cond3A_253 = arith.cmpi ne, %convert_element_type3A_251, %cond3A_252 : i32
      scf.if %cond3A_253 {
        %sub3A = arith.constant 4 : i32
        %sub3A_289 = arith.subi %add3A_236, %sub3A : i32
        %dma_wait3A_290 = arith.constant 0 : i32
        %dma_wait3A_291 = tpu.memref_slice %arg7[%sub3A_289, %dma_wait3A_290] : memref<80x125xi32, #tpu.memory_space<vmem>> -> memref<1x125xi32, #tpu.memory_space<vmem>>
        %dma_wait3A_292 = tpu.memref_squeeze %dma_wait3A_291 : memref<1x125xi32, #tpu.memory_space<vmem>> -> memref<125xi32, #tpu.memory_space<vmem>>
        %dma_wait3A_293 = arith.constant 0 : i32
        %dma_wait3A_294 = arith.constant 0 : i32
        %dma_wait3A_295 = tpu.memref_slice %arg16[%dma_wait3A_293, %dma_wait3A_294] : memref<10240x64xf32, #tpu.memory_space<vmem_shared>> -> memref<10240x64xf32, #tpu.memory_space<vmem_shared>>
        tpu.wait_indirect_dma semaphore(%arg27 : memref<!tpu.dma_semaphore, #tpu.memory_space<semaphore_mem>>) src(%arg10 : memref<125x64xf32, #tpu.memory_space<vmem>>) dst(%dma_wait3A_295 : memref<10240x64xf32, #tpu.memory_space<vmem_shared>>)
      } else {
      }
      %add3A_254 = arith.constant 4 : i32
      %add3A_255 = arith.addi %add3A_236, %add3A_254 : i32
      %lt3A_256 = arith.constant 80 : i32
      %lt3A_257 = arith.cmpi slt, %add3A_255, %lt3A_256 : i32
      %convert_element_type3A_258 = arith.extui %lt3A_257 : i1 to i32
      %cond3A_259 = arith.constant 0 : i32
      %cond3A_260 = arith.cmpi ne, %convert_element_type3A_258, %cond3A_259 : i32
      scf.if %cond3A_260 {
        %add3A_289 = arith.constant 4 : i32
        %add3A_290 = arith.addi %add3A_236, %add3A_289 : i32
        %dma_start3A_291 = arith.constant 0 : i32
        %dma_start3A_292 = tpu.memref_slice %arg6[%add3A_290, %dma_start3A_291] : memref<80x125xi32, #tpu.memory_space<vmem>> -> memref<1x125xi32, #tpu.memory_space<vmem>>
        %dma_start3A_293 = tpu.memref_squeeze %dma_start3A_292 : memref<1x125xi32, #tpu.memory_space<vmem>> -> memref<125xi32, #tpu.memory_space<vmem>>
        %dma_start3A_294 = arith.constant 0 : i32
        %dma_start3A_295 = arith.constant 0 : i32
        %dma_start3A_296 = tpu.memref_slice %arg2[%dma_start3A_294, %dma_start3A_295] : memref<10000x64xf32, #tpu.memory_space<hbm>> -> memref<10000x64xf32, #tpu.memory_space<hbm>>
        tpu.enqueue_indirect_dma source(%dma_start3A_296 : memref<10000x64xf32, #tpu.memory_space<hbm>>) target(%arg10 : memref<125x64xf32, #tpu.memory_space<vmem>>) offsets(%dma_start3A_293 : memref<125xi32, #tpu.memory_space<vmem>>) semaphore(%arg19 : memref<!tpu.dma_semaphore, #tpu.memory_space<semaphore_mem>>)
      } else {
      }
      %mul3A_261 = arith.constant 8 : i32
      %mul3A_262 = arith.muli %scan3A_68, %mul3A_261 : i32
      %add3A_263 = arith.constant 7 : i32
      %add3A_264 = arith.addi %mul3A_262, %add3A_263 : i32
      %dma_wait3A_265 = arith.constant 0 : i32
      %dma_wait3A_266 = tpu.memref_slice %arg6[%add3A_264, %dma_wait3A_265] : memref<80x125xi32, #tpu.memory_space<vmem>> -> memref<1x125xi32, #tpu.memory_space<vmem>>
      %dma_wait3A_267 = tpu.memref_squeeze %dma_wait3A_266 : memref<1x125xi32, #tpu.memory_space<vmem>> -> memref<125xi32, #tpu.memory_space<vmem>>
      %dma_wait3A_268 = arith.constant 0 : i32
      %dma_wait3A_269 = arith.constant 0 : i32
      %dma_wait3A_270 = tpu.memref_slice %arg2[%dma_wait3A_268, %dma_wait3A_269] : memref<10000x64xf32, #tpu.memory_space<hbm>> -> memref<10000x64xf32, #tpu.memory_space<hbm>>
      tpu.wait_indirect_dma semaphore(%arg24 : memref<!tpu.dma_semaphore, #tpu.memory_space<semaphore_mem>>) src(%dma_wait3A_270 : memref<10000x64xf32, #tpu.memory_space<hbm>>) dst(%arg15 : memref<125x64xf32, #tpu.memory_space<vmem>>)
      %dma_start3A_271 = arith.constant 0 : i32
      %dma_start3A_272 = tpu.memref_slice %arg7[%add3A_264, %dma_start3A_271] : memref<80x125xi32, #tpu.memory_space<vmem>> -> memref<1x125xi32, #tpu.memory_space<vmem>>
      %dma_start3A_273 = tpu.memref_squeeze %dma_start3A_272 : memref<1x125xi32, #tpu.memory_space<vmem>> -> memref<125xi32, #tpu.memory_space<vmem>>
      %dma_start3A_274 = arith.constant 0 : i32
      %dma_start3A_275 = arith.constant 0 : i32
      %dma_start3A_276 = tpu.memref_slice %arg16[%dma_start3A_274, %dma_start3A_275] : memref<10240x64xf32, #tpu.memory_space<vmem_shared>> -> memref<10240x64xf32, #tpu.memory_space<vmem_shared>>
      tpu.enqueue_indirect_dma source(%arg15 : memref<125x64xf32, #tpu.memory_space<vmem>>) target(%dma_start3A_276 : memref<10240x64xf32, #tpu.memory_space<vmem_shared>>) offsets(%dma_start3A_273 : memref<125xi32, #tpu.memory_space<vmem>>) semaphore(%arg32 : memref<!tpu.dma_semaphore, #tpu.memory_space<semaphore_mem>>) {add = true}
      %ge3A_277 = arith.constant 4 : i32
      %ge3A_278 = arith.cmpi sge, %add3A_264, %ge3A_277 : i32
      %convert_element_type3A_279 = arith.extui %ge3A_278 : i1 to i32
      %cond3A_280 = arith.constant 0 : i32
      %cond3A_281 = arith.cmpi ne, %convert_element_type3A_279, %cond3A_280 : i32
      scf.if %cond3A_281 {
        %sub3A = arith.constant 4 : i32
        %sub3A_289 = arith.subi %add3A_264, %sub3A : i32
        %dma_wait3A_290 = arith.constant 0 : i32
        %dma_wait3A_291 = tpu.memref_slice %arg7[%sub3A_289, %dma_wait3A_290] : memref<80x125xi32, #tpu.memory_space<vmem>> -> memref<1x125xi32, #tpu.memory_space<vmem>>
        %dma_wait3A_292 = tpu.memref_squeeze %dma_wait3A_291 : memref<1x125xi32, #tpu.memory_space<vmem>> -> memref<125xi32, #tpu.memory_space<vmem>>
        %dma_wait3A_293 = arith.constant 0 : i32
        %dma_wait3A_294 = arith.constant 0 : i32
        %dma_wait3A_295 = tpu.memref_slice %arg16[%dma_wait3A_293, %dma_wait3A_294] : memref<10240x64xf32, #tpu.memory_space<vmem_shared>> -> memref<10240x64xf32, #tpu.memory_space<vmem_shared>>
        tpu.wait_indirect_dma semaphore(%arg28 : memref<!tpu.dma_semaphore, #tpu.memory_space<semaphore_mem>>) src(%arg11 : memref<125x64xf32, #tpu.memory_space<vmem>>) dst(%dma_wait3A_295 : memref<10240x64xf32, #tpu.memory_space<vmem_shared>>)
      } else {
      }
      %add3A_282 = arith.constant 4 : i32
      %add3A_283 = arith.addi %add3A_264, %add3A_282 : i32
      %lt3A_284 = arith.constant 80 : i32
      %lt3A_285 = arith.cmpi slt, %add3A_283, %lt3A_284 : i32
      %convert_element_type3A_286 = arith.extui %lt3A_285 : i1 to i32
      %cond3A_287 = arith.constant 0 : i32
      %cond3A_288 = arith.cmpi ne, %convert_element_type3A_286, %cond3A_287 : i32
      scf.if %cond3A_288 {
        %add3A_289 = arith.constant 4 : i32
        %add3A_290 = arith.addi %add3A_264, %add3A_289 : i32
        %dma_start3A_291 = arith.constant 0 : i32
        %dma_start3A_292 = tpu.memref_slice %arg6[%add3A_290, %dma_start3A_291] : memref<80x125xi32, #tpu.memory_space<vmem>> -> memref<1x125xi32, #tpu.memory_space<vmem>>
        %dma_start3A_293 = tpu.memref_squeeze %dma_start3A_292 : memref<1x125xi32, #tpu.memory_space<vmem>> -> memref<125xi32, #tpu.memory_space<vmem>>
        %dma_start3A_294 = arith.constant 0 : i32
        %dma_start3A_295 = arith.constant 0 : i32
        %dma_start3A_296 = tpu.memref_slice %arg2[%dma_start3A_294, %dma_start3A_295] : memref<10000x64xf32, #tpu.memory_space<hbm>> -> memref<10000x64xf32, #tpu.memory_space<hbm>>
        tpu.enqueue_indirect_dma source(%dma_start3A_296 : memref<10000x64xf32, #tpu.memory_space<hbm>>) target(%arg11 : memref<125x64xf32, #tpu.memory_space<vmem>>) offsets(%dma_start3A_293 : memref<125xi32, #tpu.memory_space<vmem>>) semaphore(%arg20 : memref<!tpu.dma_semaphore, #tpu.memory_space<semaphore_mem>>)
      } else {
      }
    }
    %scan3A_35 = arith.constant 10 : i32
    %dma_wait3A = arith.constant 76 : i32
    %dma_wait3A_36 = arith.constant 0 : i32
    %dma_wait3A_37 = tpu.memref_slice %arg7[%dma_wait3A, %dma_wait3A_36] : memref<80x125xi32, #tpu.memory_space<vmem>> -> memref<1x125xi32, #tpu.memory_space<vmem>>
    %dma_wait3A_38 = tpu.memref_squeeze %dma_wait3A_37 : memref<1x125xi32, #tpu.memory_space<vmem>> -> memref<125xi32, #tpu.memory_space<vmem>>
    %dma_wait3A_39 = arith.constant 0 : i32
    %dma_wait3A_40 = arith.constant 0 : i32
    %dma_wait3A_41 = tpu.memref_slice %arg16[%dma_wait3A_39, %dma_wait3A_40] : memref<10240x64xf32, #tpu.memory_space<vmem_shared>> -> memref<10240x64xf32, #tpu.memory_space<vmem_shared>>
    tpu.wait_indirect_dma semaphore(%arg29 : memref<!tpu.dma_semaphore, #tpu.memory_space<semaphore_mem>>) src(%arg12 : memref<125x64xf32, #tpu.memory_space<vmem>>) dst(%dma_wait3A_41 : memref<10240x64xf32, #tpu.memory_space<vmem_shared>>)
    %dma_wait3A_42 = arith.constant 77 : i32
    %dma_wait3A_43 = arith.constant 0 : i32
    %dma_wait3A_44 = tpu.memref_slice %arg7[%dma_wait3A_42, %dma_wait3A_43] : memref<80x125xi32, #tpu.memory_space<vmem>> -> memref<1x125xi32, #tpu.memory_space<vmem>>
    %dma_wait3A_45 = tpu.memref_squeeze %dma_wait3A_44 : memref<1x125xi32, #tpu.memory_space<vmem>> -> memref<125xi32, #tpu.memory_space<vmem>>
    %dma_wait3A_46 = arith.constant 0 : i32
    %dma_wait3A_47 = arith.constant 0 : i32
    %dma_wait3A_48 = tpu.memref_slice %arg16[%dma_wait3A_46, %dma_wait3A_47] : memref<10240x64xf32, #tpu.memory_space<vmem_shared>> -> memref<10240x64xf32, #tpu.memory_space<vmem_shared>>
    tpu.wait_indirect_dma semaphore(%arg30 : memref<!tpu.dma_semaphore, #tpu.memory_space<semaphore_mem>>) src(%arg13 : memref<125x64xf32, #tpu.memory_space<vmem>>) dst(%dma_wait3A_48 : memref<10240x64xf32, #tpu.memory_space<vmem_shared>>)
    %dma_wait3A_49 = arith.constant 78 : i32
    %dma_wait3A_50 = arith.constant 0 : i32
    %dma_wait3A_51 = tpu.memref_slice %arg7[%dma_wait3A_49, %dma_wait3A_50] : memref<80x125xi32, #tpu.memory_space<vmem>> -> memref<1x125xi32, #tpu.memory_space<vmem>>
    %dma_wait3A_52 = tpu.memref_squeeze %dma_wait3A_51 : memref<1x125xi32, #tpu.memory_space<vmem>> -> memref<125xi32, #tpu.memory_space<vmem>>
    %dma_wait3A_53 = arith.constant 0 : i32
    %dma_wait3A_54 = arith.constant 0 : i32
    %dma_wait3A_55 = tpu.memref_slice %arg16[%dma_wait3A_53, %dma_wait3A_54] : memref<10240x64xf32, #tpu.memory_space<vmem_shared>> -> memref<10240x64xf32, #tpu.memory_space<vmem_shared>>
    tpu.wait_indirect_dma semaphore(%arg31 : memref<!tpu.dma_semaphore, #tpu.memory_space<semaphore_mem>>) src(%arg14 : memref<125x64xf32, #tpu.memory_space<vmem>>) dst(%dma_wait3A_55 : memref<10240x64xf32, #tpu.memory_space<vmem_shared>>)
    %dma_wait3A_56 = arith.constant 79 : i32
    %dma_wait3A_57 = arith.constant 0 : i32
    %dma_wait3A_58 = tpu.memref_slice %arg7[%dma_wait3A_56, %dma_wait3A_57] : memref<80x125xi32, #tpu.memory_space<vmem>> -> memref<1x125xi32, #tpu.memory_space<vmem>>
    %dma_wait3A_59 = tpu.memref_squeeze %dma_wait3A_58 : memref<1x125xi32, #tpu.memory_space<vmem>> -> memref<125xi32, #tpu.memory_space<vmem>>
    %dma_wait3A_60 = arith.constant 0 : i32
    %dma_wait3A_61 = arith.constant 0 : i32
    %dma_wait3A_62 = tpu.memref_slice %arg16[%dma_wait3A_60, %dma_wait3A_61] : memref<10240x64xf32, #tpu.memory_space<vmem_shared>> -> memref<10240x64xf32, #tpu.memory_space<vmem_shared>>
    tpu.wait_indirect_dma semaphore(%arg32 : memref<!tpu.dma_semaphore, #tpu.memory_space<semaphore_mem>>) src(%arg15 : memref<125x64xf32, #tpu.memory_space<vmem>>) dst(%dma_wait3A_62 : memref<10240x64xf32, #tpu.memory_space<vmem_shared>>)
    %barrier3A_63 = arith.constant 0 : index
    tpu.barrier barrier_id(%barrier3A_63)
    %mul3A_64 = arith.constant 640 : i32
    %mul3A_65 = arith.muli %arg1, %mul3A_64 : i32
    %mul3A_66 = arith.constant 640 : i32
    %mul3A_67 = arith.muli %arg1, %mul3A_66 : i32
    "tpu.region"() ({
      %run_scoped3A_68 = tpu.sem_alloc : memref<!tpu.dma_semaphore, #tpu.memory_space<semaphore_mem>>
      %dma_start3A_69 = arith.constant 0 : i32
      %dma_start3A_70 = tpu.memref_slice %arg5[%arg0, %mul3A_67, %dma_start3A_69] : memref<2x10240x64xf32, #tpu.memory_space<hbm>> -> memref<1x640x64xf32, #tpu.memory_space<hbm>>
      %dma_start3A_71 = tpu.memref_squeeze %dma_start3A_70 : memref<1x640x64xf32, #tpu.memory_space<hbm>> -> memref<640x64xf32, #tpu.memory_space<hbm>>
      %dma_start3A_72 = arith.constant 0 : i32
      %dma_start3A_73 = tpu.memref_slice %arg16[%mul3A_65, %dma_start3A_72] : memref<10240x64xf32, #tpu.memory_space<vmem_shared>> -> memref<640x64xf32, #tpu.memory_space<vmem_shared>>
      tpu.enqueue_dma source(%dma_start3A_73 : memref<640x64xf32, #tpu.memory_space<vmem_shared>>) target(%dma_start3A_71 : memref<640x64xf32, #tpu.memory_space<hbm>>) target_semaphore(%run_scoped3A_68 : memref<!tpu.dma_semaphore, #tpu.memory_space<semaphore_mem>>)
      %dma_wait3A_74 = arith.constant 0 : i32
      %dma_wait3A_75 = tpu.memref_slice %arg5[%arg0, %mul3A_67, %dma_wait3A_74] : memref<2x10240x64xf32, #tpu.memory_space<hbm>> -> memref<1x640x64xf32, #tpu.memory_space<hbm>>
      %dma_wait3A_76 = tpu.memref_squeeze %dma_wait3A_75 : memref<1x640x64xf32, #tpu.memory_space<hbm>> -> memref<640x64xf32, #tpu.memory_space<hbm>>
      %dma_wait3A_77 = arith.constant 0 : i32
      %dma_wait3A_78 = tpu.memref_slice %arg16[%mul3A_65, %dma_wait3A_77] : memref<10240x64xf32, #tpu.memory_space<vmem_shared>> -> memref<640x64xf32, #tpu.memory_space<vmem_shared>>
      tpu.wait_dma2 semaphore(%run_scoped3A_68 : memref<!tpu.dma_semaphore, #tpu.memory_space<semaphore_mem>>) src(%dma_wait3A_78 : memref<640x64xf32, #tpu.memory_space<vmem_shared>>) dst(%dma_wait3A_76 : memref<640x64xf32, #tpu.memory_space<hbm>>)
      tpu.yield
    }) : () -> ()
    return
  }
}

module attributes {stable_mosaic.version = 14 : i64} {
  func.func @_mm1_body(%arg0: memref<2x10240xf32, #tpu.memory_space<vmem>>, %arg1: memref<10000x128xf32, #tpu.memory_space<vmem>>, %arg2: memref<128x64xf32, #tpu.memory_space<vmem>>, %arg3: memref<10000x64xf32, #tpu.memory_space<vmem>>, %arg4: memref<10000xf32, #tpu.memory_space<vmem>>) attributes {dimension_semantics = [], scalar_prefetch = 0 : i64, scratch_operands = 0 : i64, tpu.core_type = #tpu.core_type<tc>} {
    %get3A = arith.constant 0 : index
    %get3A_0 = arith.constant 0 : index
    %get3A_1 = vector.load %arg0[%get3A, %get3A_0] : memref<2x10240xf32, #tpu.memory_space<vmem>>, vector<1x10000xf32>
    %get3A_2 = vector.shape_cast %get3A_1 : vector<1x10000xf32> to vector<10000xf32>
    %get3A_3 = arith.constant 1 : index
    %get3A_4 = arith.constant 0 : index
    %get3A_5 = vector.load %arg0[%get3A_3, %get3A_4] : memref<2x10240xf32, #tpu.memory_space<vmem>>, vector<1x10000xf32>
    %get3A_6 = vector.shape_cast %get3A_5 : vector<1x10000xf32> to vector<10000xf32>
    %add3A = arith.addf %get3A_2, %get3A_6 : vector<10000xf32>
    %add3A_7 = arith.constant 1.000000e+00 : f32
    %add3A_8 = vector.broadcast %add3A_7 : f32 to vector<10000xf32>
    %add3A_9 = arith.addf %add3A, %add3A_8 : vector<10000xf32>
    %rsqrt3A = math.rsqrt %add3A_9 : vector<10000xf32>
    %swap3A = arith.constant 0 : index
    %swap3A_10 = vector.load %arg4[%swap3A] : memref<10000xf32, #tpu.memory_space<vmem>>, vector<10000xf32>
    tpu.vector_store %arg4[%swap3A], %rsqrt3A {strides = array<i32>} : memref<10000xf32, #tpu.memory_space<vmem>>, vector<10000xf32>,
    %get3A_11 = arith.constant 0 : index
    %get3A_12 = arith.constant 0 : index
    %get3A_13 = vector.load %arg1[%get3A_11, %get3A_12] : memref<10000x128xf32, #tpu.memory_space<vmem>>, vector<10000x128xf32>
    %get3A_14 = arith.constant 0 : index
    %get3A_15 = arith.constant 0 : index
    %get3A_16 = vector.load %arg2[%get3A_14, %get3A_15] : memref<128x64xf32, #tpu.memory_space<vmem>>, vector<128x64xf32>
    %dot_general3A = arith.constant dense<0.000000e+00> : vector<10000x64xf32>
    %dot_general3A_17 = tpu.matmul %get3A_13, %get3A_16, %dot_general3A {dimension_numbers = #tpu.dot_dimension_numbers<[1], [0], [0], [1], [0, 0, 1, 1], [], []>, transpose_lhs_hint = false} : vector<10000x128xf32>, vector<128x64xf32>, vector<10000x64xf32> -> vector<10000x64xf32>
    %broadcast_in_dim3A = vector.shape_cast %rsqrt3A : vector<10000xf32> to vector<10000x1xf32>
    %mul3A = vector.broadcast %broadcast_in_dim3A : vector<10000x1xf32> to vector<10000x64xf32>
    %mul3A_18 = arith.mulf %dot_general3A_17, %mul3A : vector<10000x64xf32>
    %swap3A_19 = arith.constant 0 : index
    %swap3A_20 = arith.constant 0 : index
    %swap3A_21 = vector.load %arg3[%swap3A_19, %swap3A_20] : memref<10000x64xf32, #tpu.memory_space<vmem>>, vector<10000x64xf32>
    tpu.vector_store %arg3[%swap3A_19, %swap3A_20], %mul3A_18 {strides = array<i32>} : memref<10000x64xf32, #tpu.memory_space<vmem>>, vector<10000x64xf32>,
    return
  }
}

module attributes {stable_mosaic.version = 14 : i64} {
  func.func @_mm2_body(%arg0: memref<2x10240x64xf32, #tpu.memory_space<vmem>>, %arg1: memref<10000x64xf32, #tpu.memory_space<vmem>>, %arg2: memref<10000xf32, #tpu.memory_space<vmem>>, %arg3: memref<64x64xf32, #tpu.memory_space<vmem>>, %arg4: memref<64xf32, #tpu.memory_space<vmem>>, %arg5: memref<10000x64xf32, #tpu.memory_space<vmem>>) attributes {dimension_semantics = [], scalar_prefetch = 0 : i64, scratch_operands = 0 : i64, tpu.core_type = #tpu.core_type<tc>} {
    %get3A = arith.constant 0 : index
    %get3A_0 = vector.load %arg2[%get3A] : memref<10000xf32, #tpu.memory_space<vmem>>, vector<10000xf32>
    %get3A_1 = arith.constant 0 : index
    %get3A_2 = arith.constant 0 : index
    %get3A_3 = arith.constant 0 : index
    %get3A_4 = vector.load %arg0[%get3A_1, %get3A_2, %get3A_3] : memref<2x10240x64xf32, #tpu.memory_space<vmem>>, vector<1x10000x64xf32>
    %get3A_5 = vector.shape_cast %get3A_4 : vector<1x10000x64xf32> to vector<10000x64xf32>
    %get3A_6 = arith.constant 1 : index
    %get3A_7 = arith.constant 0 : index
    %get3A_8 = arith.constant 0 : index
    %get3A_9 = vector.load %arg0[%get3A_6, %get3A_7, %get3A_8] : memref<2x10240x64xf32, #tpu.memory_space<vmem>>, vector<1x10000x64xf32>
    %get3A_10 = vector.shape_cast %get3A_9 : vector<1x10000x64xf32> to vector<10000x64xf32>
    %add3A = arith.addf %get3A_5, %get3A_10 : vector<10000x64xf32>
    %get3A_11 = arith.constant 0 : index
    %get3A_12 = arith.constant 0 : index
    %get3A_13 = vector.load %arg1[%get3A_11, %get3A_12] : memref<10000x64xf32, #tpu.memory_space<vmem>>, vector<10000x64xf32>
    %add3A_14 = arith.addf %add3A, %get3A_13 : vector<10000x64xf32>
    %broadcast_in_dim3A = vector.shape_cast %get3A_0 : vector<10000xf32> to vector<10000x1xf32>
    %mul3A = vector.broadcast %broadcast_in_dim3A : vector<10000x1xf32> to vector<10000x64xf32>
    %mul3A_15 = arith.mulf %add3A_14, %mul3A : vector<10000x64xf32>
    %get3A_16 = arith.constant 0 : index
    %get3A_17 = vector.load %arg4[%get3A_16] : memref<64xf32, #tpu.memory_space<vmem>>, vector<64xf32>
    %broadcast_in_dim3A_18 = vector.shape_cast %get3A_17 : vector<64xf32> to vector<1x64xf32>
    %add3A_19 = vector.broadcast %broadcast_in_dim3A_18 : vector<1x64xf32> to vector<10000x64xf32>
    %add3A_20 = arith.addf %mul3A_15, %add3A_19 : vector<10000x64xf32>
    %max3A = arith.constant 0.000000e+00 : f32
    %max3A_21 = vector.broadcast %max3A : f32 to vector<10000x64xf32>
    %max3A_22 = arith.maximumf %add3A_20, %max3A_21 : vector<10000x64xf32>
    %get3A_23 = arith.constant 0 : index
    %get3A_24 = arith.constant 0 : index
    %get3A_25 = vector.load %arg3[%get3A_23, %get3A_24] : memref<64x64xf32, #tpu.memory_space<vmem>>, vector<64x64xf32>
    %dot_general3A = arith.constant dense<0.000000e+00> : vector<10000x64xf32>
    %dot_general3A_26 = tpu.matmul %max3A_22, %get3A_25, %dot_general3A {dimension_numbers = #tpu.dot_dimension_numbers<[1], [0], [0], [1], [0, 0, 1, 1], [], []>, transpose_lhs_hint = false} : vector<10000x64xf32>, vector<64x64xf32>, vector<10000x64xf32> -> vector<10000x64xf32>
    %broadcast_in_dim3A_27 = vector.shape_cast %get3A_0 : vector<10000xf32> to vector<10000x1xf32>
    %mul3A_28 = vector.broadcast %broadcast_in_dim3A_27 : vector<10000x1xf32> to vector<10000x64xf32>
    %mul3A_29 = arith.mulf %dot_general3A_26, %mul3A_28 : vector<10000x64xf32>
    %swap3A = arith.constant 0 : index
    %swap3A_30 = arith.constant 0 : index
    %swap3A_31 = vector.load %arg5[%swap3A, %swap3A_30] : memref<10000x64xf32, #tpu.memory_space<vmem>>, vector<10000x64xf32>
    tpu.vector_store %arg5[%swap3A, %swap3A_30], %mul3A_29 {strides = array<i32>} : memref<10000x64xf32, #tpu.memory_space<vmem>>, vector<10000x64xf32>,
    return
  }
}

module attributes {stable_mosaic.version = 14 : i64} {
  func.func @_fin_body(%arg0: memref<2x10240x64xf32, #tpu.memory_space<vmem>>, %arg1: memref<10000x64xf32, #tpu.memory_space<vmem>>, %arg2: memref<10000xf32, #tpu.memory_space<vmem>>, %arg3: memref<64xf32, #tpu.memory_space<vmem>>, %arg4: memref<10000xi32, #tpu.memory_space<vmem>>, %arg5: memref<64x1xf32, #tpu.memory_space<vmem>>, %arg6: memref<1xf32, #tpu.memory_space<vmem>>, %arg7: memref<64x1xf32, #tpu.memory_space<vmem>>) attributes {dimension_semantics = [], scalar_prefetch = 0 : i64, scratch_operands = 0 : i64, tpu.core_type = #tpu.core_type<tc>} {
    %get3A = arith.constant 0 : index
    %get3A_0 = vector.load %arg2[%get3A] : memref<10000xf32, #tpu.memory_space<vmem>>, vector<10000xf32>
    %get3A_1 = arith.constant 0 : index
    %get3A_2 = arith.constant 0 : index
    %get3A_3 = arith.constant 0 : index
    %get3A_4 = vector.load %arg0[%get3A_1, %get3A_2, %get3A_3] : memref<2x10240x64xf32, #tpu.memory_space<vmem>>, vector<1x10000x64xf32>
    %get3A_5 = vector.shape_cast %get3A_4 : vector<1x10000x64xf32> to vector<10000x64xf32>
    %get3A_6 = arith.constant 1 : index
    %get3A_7 = arith.constant 0 : index
    %get3A_8 = arith.constant 0 : index
    %get3A_9 = vector.load %arg0[%get3A_6, %get3A_7, %get3A_8] : memref<2x10240x64xf32, #tpu.memory_space<vmem>>, vector<1x10000x64xf32>
    %get3A_10 = vector.shape_cast %get3A_9 : vector<1x10000x64xf32> to vector<10000x64xf32>
    %add3A = arith.addf %get3A_5, %get3A_10 : vector<10000x64xf32>
    %get3A_11 = arith.constant 0 : index
    %get3A_12 = arith.constant 0 : index
    %get3A_13 = vector.load %arg1[%get3A_11, %get3A_12] : memref<10000x64xf32, #tpu.memory_space<vmem>>, vector<10000x64xf32>
    %add3A_14 = arith.addf %add3A, %get3A_13 : vector<10000x64xf32>
    %broadcast_in_dim3A = vector.shape_cast %get3A_0 : vector<10000xf32> to vector<10000x1xf32>
    %mul3A = vector.broadcast %broadcast_in_dim3A : vector<10000x1xf32> to vector<10000x64xf32>
    %mul3A_15 = arith.mulf %add3A_14, %mul3A : vector<10000x64xf32>
    %get3A_16 = arith.constant 0 : index
    %get3A_17 = vector.load %arg3[%get3A_16] : memref<64xf32, #tpu.memory_space<vmem>>, vector<64xf32>
    %broadcast_in_dim3A_18 = vector.shape_cast %get3A_17 : vector<64xf32> to vector<1x64xf32>
    %add3A_19 = vector.broadcast %broadcast_in_dim3A_18 : vector<1x64xf32> to vector<10000x64xf32>
    %add3A_20 = arith.addf %mul3A_15, %add3A_19 : vector<10000x64xf32>
    %max3A = arith.constant 0.000000e+00 : f32
    %max3A_21 = vector.broadcast %max3A : f32 to vector<10000x64xf32>
    %max3A_22 = arith.maximumf %add3A_20, %max3A_21 : vector<10000x64xf32>
    %get3A_23 = arith.constant 0 : index
    %get3A_24 = vector.load %arg4[%get3A_23] : memref<10000xi32, #tpu.memory_space<vmem>>, vector<10000xi32>
    %broadcast_in_dim3A_25 = vector.shape_cast %get3A_24 : vector<10000xi32> to vector<1x10000xi32>
    %iota3A = tpu.iota {dimensions = array<i32: 0>} : vector<64x10000xi32>
    %eq3A = vector.broadcast %broadcast_in_dim3A_25 : vector<1x10000xi32> to vector<64x10000xi32>
    %eq3A_26 = arith.cmpi eq, %eq3A, %iota3A : vector<64x10000xi32>
    %convert_element_type3A = arith.extui %eq3A_26 : vector<64x10000xi1> to vector<64x10000xi32>
    %convert_element_type3A_27 = arith.sitofp %convert_element_type3A : vector<64x10000xi32> to vector<64x10000xf32>
    %dot_general3A = arith.constant dense<0.000000e+00> : vector<64x64xf32>
    %dot_general3A_28 = tpu.matmul %convert_element_type3A_27, %max3A_22, %dot_general3A {dimension_numbers = #tpu.dot_dimension_numbers<[1], [0], [0], [1], [0, 0, 1, 1], [], []>, transpose_lhs_hint = false} : vector<64x10000xf32>, vector<10000x64xf32>, vector<64x64xf32> -> vector<64x64xf32>
    %reduce_sum3A = arith.constant dense<0.000000e+00> : vector<64xf32>
    %reduce_sum3A_29 = vector.multi_reduction <add>, %convert_element_type3A_27, %reduce_sum3A [1] : vector<64x10000xf32> to vector<64xf32>
    %max3A_30 = arith.constant 1.000000e+00 : f32
    %max3A_31 = vector.broadcast %max3A_30 : f32 to vector<64xf32>
    %max3A_32 = arith.maximumf %reduce_sum3A_29, %max3A_31 : vector<64xf32>
    %broadcast_in_dim3A_33 = vector.shape_cast %max3A_32 : vector<64xf32> to vector<64x1xf32>
    %div3A = vector.broadcast %broadcast_in_dim3A_33 : vector<64x1xf32> to vector<64x64xf32>
    %div3A_34 = arith.divf %dot_general3A_28, %div3A : vector<64x64xf32>
    %get3A_35 = arith.constant 0 : index
    %get3A_36 = arith.constant 0 : index
    %get3A_37 = vector.load %arg5[%get3A_35, %get3A_36] : memref<64x1xf32, #tpu.memory_space<vmem>>, vector<64x1xf32>
    %dot_general3A_38 = arith.constant dense<0.000000e+00> : vector<64x1xf32>
    %dot_general3A_39 = tpu.matmul %div3A_34, %get3A_37, %dot_general3A_38 {dimension_numbers = #tpu.dot_dimension_numbers<[1], [0], [0], [1], [0, 0, 1, 1], [], []>, transpose_lhs_hint = false} : vector<64x64xf32>, vector<64x1xf32>, vector<64x1xf32> -> vector<64x1xf32>
    %get3A_40 = arith.constant 0 : index
    %get3A_41 = vector.load %arg6[%get3A_40] : memref<1xf32, #tpu.memory_space<vmem>>, vector<1xf32>
    %broadcast_in_dim3A_42 = vector.shape_cast %get3A_41 : vector<1xf32> to vector<1x1xf32>
    %add3A_43 = vector.broadcast %broadcast_in_dim3A_42 : vector<1x1xf32> to vector<64x1xf32>
    %add3A_44 = arith.addf %dot_general3A_39, %add3A_43 : vector<64x1xf32>
    %neg3A = arith.constant 0.000000e+00 : f32
    %neg3A_45 = vector.broadcast %neg3A : f32 to vector<64x1xf32>
    %neg3A_46 = arith.subf %neg3A_45, %add3A_44 : vector<64x1xf32>
    %exp3A = math.exp %neg3A_46 : vector<64x1xf32>
    %add3A_47 = arith.constant 1.000000e+00 : f32
    %add3A_48 = vector.broadcast %add3A_47 : f32 to vector<64x1xf32>
    %add3A_49 = arith.addf %add3A_48, %exp3A : vector<64x1xf32>
    %div3A_50 = arith.constant 1.000000e+00 : f32
    %div3A_51 = vector.broadcast %div3A_50 : f32 to vector<64x1xf32>
    %div3A_52 = arith.divf %div3A_51, %add3A_49 : vector<64x1xf32>
    %swap3A = arith.constant 0 : index
    %swap3A_53 = arith.constant 0 : index
    %swap3A_54 = vector.load %arg7[%swap3A, %swap3A_53] : memref<64x1xf32, #tpu.memory_space<vmem>>, vector<64x1xf32>
    tpu.vector_store %arg7[%swap3A, %swap3A_53], %div3A_52 {strides = array<i32>} : memref<64x1xf32, #tpu.memory_space<vmem>>, vector<64x1xf32>,
    return
  }
}

</mosaic_0001>

<sc_bundles>
// kernel: kernel.11.cloned.1.call-start
scs
__scs_entry_jumppad:
0x0: {  	(pc) =	sbr.rel $0x88, $3  }
0x1: {  	(tag) =	ssettag $0x0;
	lr =	simm.s32 $0x1  }
0x2: {  	[smem:$0x3F98] =	sst lr;
	_ =	strace $0xD0000000  }
0x3: {  	_ = 	snop  }
0x4: {  	_ = 	snop  }
0x5: {  	_ = 	snop  }
0x6: {  	_ = 	snop  }
0x7: {  	_ = 	snop  }
__scs_overlays_trampoline_lowered:
0x8: {  	[smem:$0x3FA7] =	sst s0  }
0x9: {  	[smem:$0x3FA8] =	sst s1  }
0xa: {  	[smem:$0x3FA9] =	sst s2  }
0xb: {  	[smem:$0x3FAA] =	sst s3  }
0xc: {  	[smem:$0x3FAB] =	sst s4  }
0xd: {  	[smem:$0x3FAC] =	sst s5  }
0xe: {  	[smem:$0x3FAD] =	sst s6  }
0xf: {  	[smem:$0x3FAE] =	sst s7  }
0x10: {  	[smem:$0x3FAF] =	sst s8  }
0x11: {  	[smem:$0x3FB0] =	sst s9;
	s0 =	simm.s32 @!p0 $0x0  }
0x12: {  	s1 =	sld [smem:$0x3F96];
	s0 =	simm.s32 @p0 $0x1  }
0x13: {  	[smem:$0x3FB1] =	sst s0;
	s0 =	simm.s32 @!p1 $0x0  }
0x14: {  	s2 =	sld [smem:$0x3F95];
	s0 =	simm.s32 @p1 $0x1  }
0x15: {  	[smem:$0x3FB2] =	sst s0;
	s0 =	simm.s32 @!p2 $0x0  }
0x16: {  	s3 =	sld [smem:$0x3FDB];
	s0 =	simm.s32 @p2 $0x1  }
0x17: {  	s4 =	simm.s32 $0x1BF5;
	[smem:$0x3FB4] =	sst s0  }
0x18: {  	s0 =	sld [smem:$0x3F97];
	_ =	swait.ge [sflag:s4], $0x0  }
0x19: {  	s7 =	sld [smem:$0x3F98]  }
0x1a: {  	s8 =	sadd.s32 $0xFFFFE003, lr  }
0x1b: {  	s9 =	sadd.s32 $0xFFFFFEF7, lr;
	s5 =	simm.s32 $0xFFFFFFFF;
	p2 =	slt.u32 s8, $0xFFFFF086  }
0x1c: {  	p1 =	slt.u32 s9, $0xF7A;
	s5 =	simm.s32 @!p2 $0x0  }
0x1d: {  	s5 =	simm.s32 @p1 $0x1;
	p0 =	seq.s32 s7, s2  }
0x1e: {  	s7 =	smul.u32 @!p0 $0xF7A, s2;
	p2 =	seq.s32 @!p0 s5, $0x0  }
0x1f: {  	s9 =	smul.u32 $0xF7A, s1;
	s8 =	simm.s32 @!p0 $0x1BF5;
	p2 =	por !p2, p0  }
0x20: {  	[sflag:s8] =	ssyncset.s32 @!p0 $0xFFFFF086;
	s6 =	sadd.s32 @!p0 s3, s7;
	s7 =	simm.s32 @!p0 $0x108  }
0x21: {  	s3 =	sadd.s32 s3, s9;
	s6 =	sadd.s32 @!p0 $0x88, s6;
	s7 =	simm.s32 @p2 $0x1082  }
0x22: {  	[simem:s7], [sflag:s8] =	dma.local @!p0 [hbm:s6], $0xF7A  }
0x23: {  	s9 =	sor.u32 $0xD0000000, s2;
	s6 =	simm.s32 $0x108;
	_ =	swait.ge @!p0 [sflag:s8], $0x0  }
0x24: {  	s3 =	sadd.s32 $0x88, s3;
	s6 =	simm.s32 @!p1 $0x1082;
	[sflag:s4] =	ssyncset.s32 $0xFFFFF086  }
0x25: {  	[simem:s6], [sflag:s4] =	dma.local [hbm:s3], $0xF7A  }
0x26: {  	[smem:$0x3F98] =	sst s1;
	(tag) =	ssettag s2;
	_ =	strace s9  }
0x27: {  	s1 =	sld [smem:$0x3FA8]  }
0x28: {  	s2 =	sld [smem:$0x3FA9]  }
0x29: {  	s4 =	sld [smem:$0x3FAB]  }
0x2a: {  	p0 =	seq.s32 s5, $0x0;
	s5 =	sld [smem:$0x3FAC]  }
0x2b: {  	s6 =	sld [smem:$0x3FAD]  }
0x2c: {  	s7 =	sld [smem:$0x3FAE]  }
0x2d: {  	s3 =	simm.s32 $0x108;
	s8 =	sld [smem:$0x3FAF]  }
0x2e: {  	s3 =	simm.s32 @!p0 $0x1082;
	s9 =	sld [smem:$0x3FB0]  }
0x2f: {  	lr =	sadd.s32 s0, s3;
	s0 =	sld [smem:$0x3FA7]  }
0x30: {  	s3 =	sld [smem:$0x3FAA]  }
0x31: {  	[smem:$0x3FB3] =	sst s10  }
0x32: {  	s10 =	sld [smem:$0x3FB1];
	_ =	sdelay $0x3  }
0x33: {  	p0 =	seq.s32 s10, $0x1;
	s10 =	sld [smem:$0x3FB3];
	_ =	sdelay $0x3  }
0x34: {  	[smem:$0x3FB3] =	sst s10  }
0x35: {  	s10 =	sld [smem:$0x3FB2];
	_ =	sdelay $0x3  }
0x36: {  	p1 =	seq.s32 s10, $0x1;
	s10 =	sld [smem:$0x3FB3];
	_ =	sdelay $0x3  }
0x37: {  	[smem:$0x3FB3] =	sst s10  }
0x38: {  	s10 =	sld [smem:$0x3FB4]  }
0x39: {  	_ = 	snop;
	(pc) =	sbr.ind lr, $3  }
0x3a: {  	_ = 	snop  }
0x3b: {  	_ = 	snop  }
0x3c: {  	p2 =	seq.s32 s10, $0x1;
	s10 =	sld [smem:$0x3FB3]  }
0x3d: {  	_ =	shalt  }
0x3e: {  	_ =	shalt  }
0x3f: {  	_ =	shalt  }
0x40: {  	_ =	shalt  }
0x41: {  	_ =	shalt  }
0x42: {  	_ =	shalt  }
0x43: {  	_ =	shalt  }
0x44: {  	_ =	shalt  }
0x45: {  	_ =	shalt  }
0x46: {  	_ =	shalt  }
0x47: {  	_ =	shalt  }
0x48: {  	_ =	shalt  }
0x49: {  	_ =	shalt  }
0x4a: {  	_ =	shalt  }
0x4b: {  	_ =	shalt  }
0x4c: {  	_ =	shalt  }
0x4d: {  	_ =	shalt  }
0x4e: {  	_ =	shalt  }
0x4f: {  	_ =	shalt  }
0x50: {  	_ =	shalt  }
0x51: {  	_ =	shalt  }
0x52: {  	_ =	shalt  }
0x53: {  	_ =	shalt  }
0x54: {  	_ =	shalt  }
0x55: {  	_ =	shalt  }
0x56: {  	_ =	shalt  }
0x57: {  	_ =	shalt  }
0x58: {  	_ =	shalt  }
0x59: {  	_ =	shalt  }
0x5a: {  	_ =	shalt  }
0x5b: {  	_ =	shalt  }
0x5c: {  	_ =	shalt  }
0x5d: {  	_ =	shalt  }
0x5e: {  	_ =	shalt  }
0x5f: {  	_ =	shalt  }
0x60: {  	_ =	shalt  }
0x61: {  	_ =	shalt  }
0x62: {  	_ =	shalt  }
0x63: {  	_ =	shalt  }
0x64: {  	_ =	shalt  }
0x65: {  	_ =	shalt  }
0x66: {  	_ =	shalt  }
0x67: {  	_ =	shalt  }
0x68: {  	_ =	shalt  }
0x69: {  	_ =	shalt  }
0x6a: {  	_ =	shalt  }
0x6b: {  	_ =	shalt  }
0x6c: {  	_ =	shalt  }
0x6d: {  	_ =	shalt  }
0x6e: {  	_ =	shalt  }
0x6f: {  	_ =	shalt  }
0x70: {  	_ =	shalt  }
0x71: {  	_ =	shalt  }
0x72: {  	_ =	shalt  }
0x73: {  	_ =	shalt  }
0x74: {  	_ =	shalt  }
0x75: {  	_ =	shalt  }
0x76: {  	_ =	shalt  }
0x77: {  	_ =	shalt  }
0x78: {  	_ =	shalt  }
0x79: {  	_ =	shalt  }
0x7a: {  	_ =	shalt  }
0x7b: {  	_ =	shalt  }
0x7c: {  	_ =	shalt  }
0x7d: {  	_ =	shalt  }
0x7e: {  	_ =	shalt  }
0x7f: {  	_ =	shalt  }
0x80: {  	_ =	shalt  }
0x81: {  	_ =	shalt  }
0x82: {  	_ =	shalt  }
0x83: {  	_ =	shalt  }
0x84: {  	_ =	shalt  }
0x85: {  	_ =	shalt  }
0x86: {  	_ =	shalt  }
0x87: {  	_ =	shalt  }
.Lfunc_end0:
.L_simem_size_0:
called_computation.1_lowered:
.L_overlay_start_0:
0x88: {  	s2 =	sld [smem:$0x3FD9]  }
0x89: {  	s3 =	sld [smem:$0x3FFE];
	_ =	sdelay $0x1  }
0x8a: {  	s1 =	srdreg.scid  }
0x8b: {  	s0 =	sand.u32 $0x1, s1  }
0x8c: {  	s16 =	sshll.u32 s0, $0xA;
	s2 =	sadd.s32 s3, s2  }
0x8d: {  	s2 =	sadd.s32 s2, s16  }
0x8e: {  	[smem:$0x3FBF] =	sst s2  }
0x8f: {  	_ = 	snop  }
0x90: {  	(tm) =	ssettm $0x1  }
0x91: {  	s17 =	sld [smem:$0x3FFB];
	_ =	sdelay $0x3  }
0x92: {  	_ =	strace s17  }
0x93: {  	s2 =	sld [smem:$0x3FFC];
	_ =	sdelay $0x3  }
0x94: {  	_ =	strace s2  }
0x95: {  	s2 =	sld [smem:$0x3FFD];
	_ =	sdelay $0x3  }
0x96: {  	_ =	strace s2  }
0x97: {  	_ =	strace $0x8FFFFFFF  }
0x98: {  	s18 =	sld [smem:$0x3FDB];
	_ =	sdelay $0x1  }
0x99: {  	s19 =	simm.s32 $_scs_section_size  }
0x9a: {  	s4 =	simm.s32 $_size__tile_overlayer_lowered;
	s5 =	simm.s32 $_tile_overlayer_lowered  }
0x9b: {  	s22 =	simm.s32 $0x1BFF;
	s21 =	sshll.u32 s5, $0x1;
	s2 =	sadd.s32 s19, s18  }
0x9c: {  	s6 =	simm.s32 $0x0;
	s20 =	sshll.u32 s4, $0x1;
	s4 =	sadd.s32 s21, s2  }
0x9d: {  	[timem:s6], [sflag:s22] =	dma.local [hbm:s4], s20  }
0x9e: {  	_ =	swait.ge [sflag:s22], s20  }
0x9f: {  	s3 =	ssub.s32 $0x0, s20;
	[sflag:s22] =	ssyncset.done $0x0  }
0xa0: {  	[sflag:s22] =	ssyncadd.s32 s3;
	_ =	sdelay $0x1  }
0xa1: {  	s23 =	simm.s32 $0x1B8B  }
0xa2: {  	_ =	swait.ge [sflag:s23], $0x1  }
0xa3: {  	[sflag:s23] =	ssyncset.done $0x0  }
0xa4: {  	s25 =	simm.s32 $0x1B8E;
	s24 =	sld [smem:$0x3FFE];
	[sflag:s23] =	ssyncadd.s32 $0xFFFFFFFF  }
0xa5: {  	s26 =	simm.s32 $execute0_lowered;
	[smem:$0x3FD2] =	sst s25  }
0xa6: {  	s4 =	sshll.u32 s26, $0x1;
	_ =	strace $0x80000049;
	[dreg:$0x1] =	wrdreg $0xFFFFFFFF  }
0xa7: {  	s28 =	simm.s32 $_size_execute0_lowered;
	s2 =	sadd.s32 s2, s4;
	[dreg:$0x0] =	wrdreg $0x0  }
0xa8: {  	s4 =	sshll.u32 s28, $0x1;
	[dreg:$0x2] =	wrdreg s2  }
0xa9: {  	[dreg:$0x3] =	wrdreg s4  }
0xaa: {  	[dreg:$0x4] =	wrdreg $0xC0  }
0xab: {  	_ =	task [dreg:s6], $0x5FFFF  }
0xac: {  	[dreg:$0x1] =	wrdreg $0xFFFFFFFF  }
0xad: {  	[dreg:$0x0] =	wrdreg $0x60  }
0xae: {  	[dreg:$0x2] =	wrdreg s24  }
0xaf: {  	[dreg:$0x3] =	wrdreg $0x14A000  }
0xb0: {  	[dreg:$0x4] =	wrdreg $0x9  }
0xb1: {  	_ =	task.clear_ibuf [dreg:s6], $0x5FFFF;
	_ =	strace $0x90000049  }
0xb2: {  	s29 =	simm.s32 $0x9;
	_ =	strace $0x8000004B  }
0xb3: {  	_ =	swait.ge [sflag:s29], $0x1  }
0xb4: {  	[sflag:s29] =	ssyncadd.s32 $0xFFFFFFFF  }
0xb5: {  	_ =	strace $0x9000004B  }
0xb6: {  	_ =	sfence  }
0xb7: {  	s30 =	sld [smem:$0x0];
	_ =	sdelay $0x2  }
0xb8: {  	s31 =	sshll.u32 s1, $0xD;
	s1 =	sshrl.u32 s1, $0x2  }
0xb9: {  	s3 =	sand.u32 $0x4000, s31;
	s1 =	sadd.s32 s1, s30  }
0xba: {  	s0 =	sor.u32 s3, s0;
	s1 =	sshll.u32 s1, $0x11  }
0xbb: {  	s0 =	sor.u32 s1, s0  }
0xbc: {  	s0 =	sadd.s32 $0x8F2B, s0  }
0xbd: {  	[sflag:s0] =	ssyncadd.remote.s32 $0x1  }
0xbe: {  	_ =	sfence.sel $0xFFFF  }
0xbf: {  	[dreg:$0x0] =	wrdreg $0xFFFFFFFF;
	(pc) =	sbr.abs _section_cstart, $3  }
0xc0: {  	[dreg:$0x1] =	wrdreg $0xFFFFFFFF  }
0xc1: {  	_ =	task.clear_ibuf [dreg:s6], $0x2FFFF;
	_ =	strace $0x9FFFFFFF  }
0xc2: {  	(tm) =	ssettm $0x7FFFFFFF  }
0xc3: {  	_ =	shalt  }
tec
execute0_lowered:
.L_overlay_start_1:
0x0: {  	(tag) =	ssettag $0x1  }
0x1: {  	s0 =	srdreg.scid;
	s3 =	rddreg [dreg:$0x0]  }
0x2: {  	s8 =	stileid.u32;
	s2 =	rddreg [dreg:$0x1]  }
0x3: {  	s4 =	simm.s32 $0x0;
	s12 =	simm.s32 $0x11;
	s14 =	simm.s32 $0x7D  }
0x4: {  	s15 =	simm.s32 $0x5000;
	s17 =	simm.s32 $0x6F40;
	s19 =	simm.s32 $0x8E80  }
0x5: {  	s21 =	simm.s32 $0xADC0;
	s22 =	simm.s32 $0x1;
	s28 =	simm.s32 $0x10B80  }
0x6: {  	s29 =	simm.s32 $0x4;
	s30 =	simm.s32 $0x12AC0;
	s31 =	simm.s32 $0x5  }
0x7: {  	s13 =	simm.s32 $0xB;
	s16 =	simm.s32 $0x8;
	s18 =	simm.s32 $0xC  }
0x8: {  	s9 =	simm.s32 $0x0;
	s0 =	sand.u32 $0x1, s0;
	s5 =	smul.u32 $0xA000, s8  }
0x9: {  	[smem:$0x7FF] =	sst s4;
	s4 =	sadd.s32 $0x16200, s3;
	s7 =	sadd.s32 $0x29C00, s3  }
0xa: {  	s24 =	sshll.u32 s8, $0x6;
	s1 =	sshll.u32 s0, $0x4;
	s6 =	smul.u32 $0xA0000, s0  }
0xb: {  	_ =	strace $0x8000004A;
	s0 =	ssub.s32 $0x2, s0;
	s1 =	sor.u32 s8, s1  }
0xc: {  	[dreg:$0x3] =	wrdreg s7;
	s23 =	sshrl.u32 s0, $0x1;
	s1 =	smul.u32 $0x2800, s1  }
0xd: {  	s6 =	sadd.s32 s5, s6;
	s0 =	ssub.s32 s0, s23;
	s5 =	sadd.s32 s5, s2  }
0xe: {  	s23 =	simm.s32 $0xCD00;
	s6 =	sshrl.u32 s6, $0x3;
	s1 =	sshrl.u32 s1, $0x3  }
0xf: {  	s0 =	smax.u32 s0, $0x1;
	s11 =	sshrl.u32 s5, $0x3;
	s1 =	sadd.s32 s1, s3  }
.Ltmp0:
0x10: {  	[dreg:$0x7] =	wrdreg s0;
	s25 =	sadd.s32 $0x2200, s1;
	(pc) =	sbr.rel .LBB2_1-.Ltmp0, $4  }
0x11: {  	s3 =	sadd.s32 s6, s3;
	s1 =	sadd.s32 $0xC200, s1;
	[dreg:$0x4] =	wrdreg s25  }
0x12: {  	s0 =	simm.s32 $0x7;
	s26 =	sadd.s32 $0x2B000, s3;
	[dreg:$0x5] =	wrdreg s1  }
0x13: {  	s6 =	sor.u32 $0x1C11, s24;
	s24 =	simm.s32 $0x2;
	[dreg:$0x6] =	wrdreg s26  }
0x14: {  	s25 =	simm.s32 $0xEC40;
	s26 =	simm.s32 $0x3;
	s1 =	simm.s32 $0x9  }
.LBB2_4:
0x15: {  	_ =	swait.ge [sflag:s16], $0x1F40  }
0x16: {  	[sflag:s16] =	ssyncset.done $0x0  }
0x17: {  	[sflag:s16] =	ssyncadd.s32 $0xFFFFE0C0  }
0x18: {  	[spmem:s2] =	stream.indirect.scatter.add.f32 [tilespmem:s30], [sflag:$0x10], $0x40, s20, s14, $0xb8;
	[tilespmem:$0x1EA00] =	vst v63  }
0x19: {  	_ =	swait.ge [sflag:s18], $0x1F40  }
0x1a: {  	[sflag:s18] =	ssyncset.done $0x0  }
0x1b: {  	s3 =	simm.s32 $0xD;
	[sflag:s18] =	ssyncadd.s32 $0xFFFFE0C0  }
0x1c: {  	_ =	swait.ge [sflag:s3], $0x1F40  }
0x1d: {  	[sflag:s3] =	ssyncset.done $0x0  }
0x1e: {  	s5 =	simm.s32 $0xE;
	[sflag:s3] =	ssyncadd.s32 $0xFFFFE0C0  }
0x1f: {  	_ =	swait.ge [sflag:s5], $0x1F40  }
0x20: {  	[sflag:s5] =	ssyncset.done $0x0  }
0x21: {  	s7 =	simm.s32 $0xF;
	[sflag:s5] =	ssyncadd.s32 $0xFFFFE0C0  }
0x22: {  	_ =	swait.ge [sflag:s7], $0x1F40  }
0x23: {  	[sflag:s7] =	ssyncset.done $0x0  }
0x24: {  	s8 =	simm.s32 $0x10;
	[sflag:s7] =	ssyncadd.s32 $0xFFFFE0C0  }
0x25: {  	_ =	swait.ge [sflag:s8], $0x1F40  }
0x26: {  	[sflag:s8] =	ssyncset.done $0x0  }
0x27: {  	[sflag:s8] =	ssyncadd.s32 $0xFFFFE0C0  }
0x28: {  	[bflag:$0x0] =	sbarrier.arrive $0xFFFF  }
0x29: {  	s10 =	rddreg [dreg:$0x6]  }
0x2a: {  	[hbm:s10], [sflag:s6] =	dma.local [spmem:s11], $0x1400  }
0x2b: {  	_ =	swait.ge [sflag:s12], $0x1400  }
0x2c: {  	s9 =	sadd.s32 $0x1, s9;
	s20 =	rddreg [dreg:$0x7]  }
0x2d: {  	p0 =	sne.s32 s9, s20  }
.Ltmp1:
0x2e: {  	_ = 	snop;
	(pc) =	sbr.rel @!p0 .LBB2_5-.Ltmp1, $3  }
0x2f: {  	_ =	sdelay $0x1  }
0x30: {  	[sflag:s12] =	ssyncset.done $0x0  }
0x31: {  	[sflag:s12] =	ssyncadd.s32 $0xFFFFEC00  }
.LBB2_1:
0x32: {  	s3 =	rddreg [dreg:$0x3]  }
0x33: {  	[spmem:s11], [sflag:s6] =	dma.local [hbm:s3], $0x1400  }
0x34: {  	_ =	swait.ge [sflag:s12], $0x1400  }
0x35: {  	[sflag:s12] =	ssyncset.done $0x0  }
0x36: {  	s10 =	simm.s32 $0x0;
	s5 =	rddreg [dreg:$0x4];
	[sflag:s12] =	ssyncadd.s32 $0xFFFFEC00  }
0x37: {  	[tilespmem:s10], [sflag:$0x11] =	stream.linear.gather [hbm4b:s5+s10], $0x2800, $0x38;
	[tilespmem:$0x1EA00] =	vst v63  }
0x38: {  	_ =	swait.ge [sflag:s12], $0x2800  }
0x39: {  	[sflag:s12] =	ssyncset.done $0x0  }
0x3a: {  	s7 =	simm.s32 $0x2800;
	s20 =	rddreg [dreg:$0x5];
	[sflag:s12] =	ssyncadd.s32 $0xFFFFD800  }
0x3b: {  	[tilespmem:s7], [sflag:$0x11] =	stream.linear.gather [hbm4b:s20+s10], $0x2800, $0x38;
	[tilespmem:$0x1EA00] =	vst v63  }
0x3c: {  	_ =	swait.ge [sflag:s12], $0x2800  }
0x3d: {  	[sflag:s12] =	ssyncset.done $0x0  }
0x3e: {  	[sflag:s12] =	ssyncadd.s32 $0xFFFFD800  }
0x3f: {  	[bflag:$0x0] =	sbarrier.arrive $0xFFFF  }
0x40: {  	[tilespmem:s15], [sflag:$0x1] =	stream.indirect.gather [hbm4b:s4+s14], $0x40, s10, s14, $0xb8;
	[tilespmem:$0x1EA00] =	vst v63  }
0x41: {  	s8 =	simm.s32 $0x80  }
0x42: {  	[tilespmem:s17], [sflag:$0x2] =	stream.indirect.gather [hbm4b:s4+s14], $0x40, s8, s14, $0xb8;
	[tilespmem:$0x1EA00] =	vst v63  }
0x43: {  	s10 =	simm.s32 $0x100  }
0x44: {  	[tilespmem:s19], [sflag:$0x3] =	stream.indirect.gather [hbm4b:s4+s14], $0x40, s10, s14, $0xb8;
	[tilespmem:$0x1EA00] =	vst v63  }
0x45: {  	s20 =	simm.s32 $0x180;
	s10 =	simm.s32 $0x0  }
0x46: {  	[tilespmem:s21], [sflag:$0x4] =	stream.indirect.gather [hbm4b:s4+s14], $0x40, s20, s14, $0xb8;
	[tilespmem:$0x1EA00] =	vst v63  }
.LBB2_2:
0x47: {  	_ =	swait.ge [sflag:s22], $0x1F40  }
0x48: {  	s3 =	sshra.s32 s10, $0x2;
	[sflag:s22] =	ssyncset.done $0x0  }
0x49: {  	p0 =	seq.s32 s10, $0x0;
	s20 =	sadd.s32 $0x2800, s3;
	[sflag:s22] =	ssyncadd.s32 $0xFFFFE0C0  }
0x4a: {  	[spmem:s2] =	stream.indirect.scatter.add.f32 [tilespmem:s15], [sflag:$0x9], $0x40, s20, s14, $0xb8;
	[tilespmem:$0x1EA00] =	vst v63  }
0x4b: {  	s20 =	simm.s32 @!p0 $0xD  }
0x4c: {  	_ =	swait.ge @!p0 [sflag:s20], $0x1F40  }
0x4d: {  	[sflag:s20] =	ssyncset.done @!p0 $0x0  }
0x4e: {  	s7 =	sadd.s32 $0x200, s3;
	[sflag:s20] =	ssyncadd.s32 @!p0 $0xFFFFE0C0  }
0x4f: {  	[tilespmem:s23], [sflag:$0x5] =	stream.indirect.gather [hbm4b:s4+s14], $0x40, s7, s14, $0xb8;
	[tilespmem:$0x1EA00] =	vst v63  }
0x50: {  	_ =	swait.ge [sflag:s24], $0x1F40  }
0x51: {  	[sflag:s24] =	ssyncset.done $0x0  }
0x52: {  	s8 =	sadd.s32 $0x2880, s3;
	s20 =	simm.s32 @!p0 $0xE;
	[sflag:s24] =	ssyncadd.s32 $0xFFFFE0C0  }
0x53: {  	[spmem:s2] =	stream.indirect.scatter.add.f32 [tilespmem:s17], [sflag:$0xA], $0x40, s8, s14, $0xb8;
	[tilespmem:$0x1EA00] =	vst v63  }
0x54: {  	_ =	swait.ge @!p0 [sflag:s20], $0x1F40  }
0x55: {  	[sflag:s20] =	ssyncset.done @!p0 $0x0  }
0x56: {  	s5 =	sadd.s32 $0x280, s3;
	[sflag:s20] =	ssyncadd.s32 @!p0 $0xFFFFE0C0  }
0x57: {  	[tilespmem:s25], [sflag:$0x6] =	stream.indirect.gather [hbm4b:s4+s14], $0x40, s5, s14, $0xb8;
	[tilespmem:$0x1EA00] =	vst v63  }
0x58: {  	_ =	swait.ge [sflag:s26], $0x1F40  }
0x59: {  	[sflag:s26] =	ssyncset.done $0x0  }
0x5a: {  	s7 =	sadd.s32 $0x2900, s3;
	s20 =	simm.s32 @!p0 $0xF;
	[sflag:s26] =	ssyncadd.s32 $0xFFFFE0C0  }
0x5b: {  	[spmem:s2] =	stream.indirect.scatter.add.f32 [tilespmem:s19], [sflag:$0xB], $0x40, s7, s14, $0xb8;
	[tilespmem:$0x1EA00] =	vst v63  }
0x5c: {  	_ =	swait.ge @!p0 [sflag:s20], $0x1F40  }
0x5d: {  	[sflag:s20] =	ssyncset.done @!p0 $0x0  }
0x5e: {  	s8 =	sadd.s32 $0x300, s3;
	[sflag:s20] =	ssyncadd.s32 @!p0 $0xFFFFE0C0  }
0x5f: {  	[tilespmem:s28], [sflag:$0x7] =	stream.indirect.gather [hbm4b:s4+s14], $0x40, s8, s14, $0xb8;
	[tilespmem:$0x1EA00] =	vst v63  }
0x60: {  	_ =	swait.ge [sflag:s29], $0x1F40  }
0x61: {  	[sflag:s29] =	ssyncset.done $0x0  }
0x62: {  	s5 =	sadd.s32 $0x2980, s3;
	s20 =	simm.s32 @!p0 $0x10;
	[sflag:s29] =	ssyncadd.s32 $0xFFFFE0C0  }
0x63: {  	[spmem:s2] =	stream.indirect.scatter.add.f32 [tilespmem:s21], [sflag:$0xC], $0x40, s5, s14, $0xb8;
	[tilespmem:$0x1EA00] =	vst v63  }
0x64: {  	_ =	swait.ge @!p0 [sflag:s20], $0x1F40  }
0x65: {  	[sflag:s20] =	ssyncset.done @!p0 $0x0  }
0x66: {  	s7 =	sadd.s32 $0x380, s3;
	[sflag:s20] =	ssyncadd.s32 @!p0 $0xFFFFE0C0  }
0x67: {  	[tilespmem:s30], [sflag:$0x8] =	stream.indirect.gather [hbm4b:s4+s14], $0x40, s7, s14, $0xb8;
	[tilespmem:$0x1EA00] =	vst v63  }
0x68: {  	_ =	swait.ge [sflag:s31], $0x1F40  }
0x69: {  	[sflag:s31] =	ssyncset.done $0x0  }
0x6a: {  	s8 =	sadd.s32 $0x2A00, s3;
	[sflag:s31] =	ssyncadd.s32 $0xFFFFE0C0  }
0x6b: {  	[spmem:s2] =	stream.indirect.scatter.add.f32 [tilespmem:s23], [sflag:$0xD], $0x40, s8, s14, $0xb8;
	[tilespmem:$0x1EA00] =	vst v63  }
0x6c: {  	_ =	swait.ge [sflag:s1], $0x1F40  }
0x6d: {  	p0 =	seq.s32 s10, $0x9000;
	[sflag:s1] =	ssyncset.done $0x0  }
0x6e: {  	s20 =	simm.s32 @p0 $0x6;
	[sflag:s1] =	ssyncadd.s32 $0xFFFFE0C0  }
0x6f: {  	_ =	swait.ge @p0 [sflag:s20], $0x1F40  }
0x70: {  	[sflag:s20] =	ssyncset.done @p0 $0x0  }
0x71: {  	[sflag:s20] =	ssyncadd.s32 @p0 $0xFFFFE0C0;
	s20 =	sshra.s32 @p0 s10, $0x2  }
0x72: {  	s5 =	simm.s32 @p0 $0x7D;
	s7 =	simm.s32 @p0 $0xEC40;
	s20 =	sadd.s32 @p0 $0x2A80, s20  }
0x73: {  	[spmem:s2] =	stream.indirect.scatter.add.f32 @p0 [tilespmem:s7], [sflag:$0xE], $0x40, s20, s5, $0xb8;
	[tilespmem:$0x1EA00] =	vst v63  }
0x74: {  	s5 =	simm.s32 @p0 $0xA  }
0x75: {  	_ =	swait.ge @p0 [sflag:s5], $0x1F40  }
0x76: {  	[sflag:s5] =	ssyncset.done @p0 $0x0  }
0x77: {  	[sflag:s5] =	ssyncadd.s32 @p0 $0xFFFFE0C0;
	s5 =	sshra.s32 @!p0 s10, $0x2  }
0x78: {  	s8 =	simm.s32 @!p0 $0x5000;
	s20 =	simm.s32 @!p0 $0x7D;
	s7 =	sadd.s32 @!p0 $0x400, s5  }
0x79: {  	[tilespmem:s8], [sflag:$0x1] =	stream.indirect.gather @!p0 [hbm4b:s4+s20], $0x40, s7, s20, $0xb8;
	[tilespmem:$0x1EA00] =	vst v63  }
0x7a: {  	s7 =	simm.s32 @!p0 $0x6  }
0x7b: {  	_ =	swait.ge @!p0 [sflag:s7], $0x1F40  }
0x7c: {  	[sflag:s7] =	ssyncset.done @!p0 $0x0  }
0x7d: {  	s8 =	simm.s32 @!p0 $0xEC40;
	[sflag:s7] =	ssyncadd.s32 @!p0 $0xFFFFE0C0;
	s7 =	sadd.s32 @!p0 $0x2A80, s5  }
0x7e: {  	[spmem:s2] =	stream.indirect.scatter.add.f32 @!p0 [tilespmem:s8], [sflag:$0xE], $0x40, s7, s20, $0xb8;
	[tilespmem:$0x1EA00] =	vst v63  }
0x7f: {  	s7 =	simm.s32 @!p0 $0xA  }
0x80: {  	_ =	swait.ge @!p0 [sflag:s7], $0x1F40  }
0x81: {  	[sflag:s7] =	ssyncset.done @!p0 $0x0  }
0x82: {  	s5 =	sadd.s32 @!p0 $0x480, s5;
	[sflag:s7] =	ssyncadd.s32 @!p0 $0xFFFFE0C0;
	s7 =	simm.s32 @!p0 $0x6F40  }
0x83: {  	[tilespmem:s7], [sflag:$0x2] =	stream.indirect.gather @!p0 [hbm4b:s4+s20], $0x40, s5, s20, $0xb8;
	[tilespmem:$0x1EA00] =	vst v63  }
0x84: {  	_ =	swait.ge [sflag:s0], $0x1F40  }
0x85: {  	[sflag:s0] =	ssyncset.done $0x0  }
.Ltmp2:
0x86: {  	s20 =	sadd.s32 $0x2B00, s3;
	[sflag:s0] =	ssyncadd.s32 $0xFFFFE0C0;
	(pc) =	sbr.rel @p0 .LBB2_4-.Ltmp2, $4  }
0x87: {  	[spmem:s2] =	stream.indirect.scatter.add.f32 [tilespmem:s28], [sflag:$0xF], $0x40, s20, s14, $0xb8;
	[tilespmem:$0x1EA00] =	vst v63  }
0x88: {  	_ =	swait.ge [sflag:s13], $0x1F40  }
0x89: {  	[sflag:s13] =	ssyncset.done $0x0  }
0x8a: {  	s20 =	sadd.s32 $0x2B80, s3;
	[sflag:s13] =	ssyncadd.s32 $0xFFFFE0C0  }
0x8b: {  	s5 =	sadd.s32 $0x500, s3  }
0x8c: {  	[tilespmem:s19], [sflag:$0x3] =	stream.indirect.gather [hbm4b:s4+s14], $0x40, s5, s14, $0xb8;
	[tilespmem:$0x1EA00] =	vst v63  }
0x8d: {  	_ =	swait.ge [sflag:s16], $0x1F40  }
0x8e: {  	[sflag:s16] =	ssyncset.done $0x0  }
0x8f: {  	[sflag:s16] =	ssyncadd.s32 $0xFFFFE0C0  }
0x90: {  	[spmem:s2] =	stream.indirect.scatter.add.f32 [tilespmem:s30], [sflag:$0x10], $0x40, s20, s14, $0xb8;
	[tilespmem:$0x1EA00] =	vst v63  }
.Ltmp3:
0x91: {  	_ = 	snop;
	(pc) =	sbr.rel .LBB2_2-.Ltmp3, $4  }
0x92: {  	_ =	swait.ge [sflag:s18], $0x1F40  }
0x93: {  	[sflag:s18] =	ssyncset.done $0x0  }
0x94: {  	s10 =	sadd.s32 $0x1000, s10;
	s20 =	sadd.s32 $0x580, s3;
	[sflag:s18] =	ssyncadd.s32 $0xFFFFE0C0  }
0x95: {  	[tilespmem:s21], [sflag:$0x4] =	stream.indirect.gather [hbm4b:s4+s14], $0x40, s20, s14, $0xb8;
	[tilespmem:$0x1EA00] =	vst v63  }
.LBB2_5:
0x96: {  	_ =	sfence.sel $0x180000  }
0x97: {  	[bflag:$0x0] =	sbarrier.arrive $0xFFFF  }
0x98: {  	_ =	strace $0x9000004A  }
0x99: {  	s0 =	stileid.u32;
	[bflag:$0x2] =	sbarrier.arrive $0xFFFF  }
0x9a: {  	p0 =	sne.s32 s0, $0x0;
	s0 =	rddreg [dreg:$0x2]  }
0x9b: {  	s0 =	sadd.s32 @!p0 $0x100000, s0  }
0x9c: {  	[sflag:s0] =	ssyncadd.tile.s32 @!p0 $0x1;
	_ =	shalt  }
.Lfunc_end2:
_tile_overlayer_lowered:
.L_overlay_start_2:
0x9d: {  	(tag) =	ssettag $0x2  }
0x9e: {  	s0 =	rddreg [dreg:$0x0];
	s2 =	stileid.u32  }
0x9f: {  	s1 =	rddreg [dreg:$0x1];
	p0 =	sne.s32 s2, $0x0  }
0xa0: {  	s3 =	rddreg [dreg:$0x2];
	[bflag:$0x3] =	sbarrier.arrive $0xFFFF;
	s2 =	simm.s32 @!p0 $0x1C11  }
0xa1: {  	[timem:s3], [sflag:s2] =	dma.local @!p0 [hbm:s0], s1  }
0xa2: {  	s0 =	simm.s32 @!p0 $0x11  }
0xa3: {  	_ =	swait.ge @!p0 [sflag:s0], s1  }
0xa4: {  	s1 =	ssub.s32 @!p0 $0x0, s1;
	[sflag:s0] =	ssyncset.done @!p0 $0x0  }
0xa5: {  	[sflag:s0] =	ssyncadd.s32 @!p0 s1  }
0xa6: {  	[bflag:$0x3] =	sbarrier.arrive $0xFFFF  }
0xa7: {  	_ =	shalt  }

// kernel: kernel.14.cloned.1.call-start
scs
__scs_entry_jumppad:
0x0: {  	(pc) =	sbr.rel $0x88, $3  }
0x1: {  	(tag) =	ssettag $0x0;
	lr =	simm.s32 $0x1  }
0x2: {  	[smem:$0x3F98] =	sst lr;
	_ =	strace $0xD0000000  }
0x3: {  	_ = 	snop  }
0x4: {  	_ = 	snop  }
0x5: {  	_ = 	snop  }
0x6: {  	_ = 	snop  }
0x7: {  	_ = 	snop  }
__scs_overlays_trampoline_lowered:
0x8: {  	[smem:$0x3FA7] =	sst s0  }
0x9: {  	[smem:$0x3FA8] =	sst s1  }
0xa: {  	[smem:$0x3FA9] =	sst s2  }
0xb: {  	[smem:$0x3FAA] =	sst s3  }
0xc: {  	[smem:$0x3FAB] =	sst s4  }
0xd: {  	[smem:$0x3FAC] =	sst s5  }
0xe: {  	[smem:$0x3FAD] =	sst s6  }
0xf: {  	[smem:$0x3FAE] =	sst s7  }
0x10: {  	[smem:$0x3FAF] =	sst s8  }
0x11: {  	[smem:$0x3FB0] =	sst s9;
	s0 =	simm.s32 @!p0 $0x0  }
0x12: {  	s1 =	sld [smem:$0x3F96];
	s0 =	simm.s32 @p0 $0x1  }
0x13: {  	[smem:$0x3FB1] =	sst s0;
	s0 =	simm.s32 @!p1 $0x0  }
0x14: {  	s2 =	sld [smem:$0x3F95];
	s0 =	simm.s32 @p1 $0x1  }
0x15: {  	[smem:$0x3FB2] =	sst s0;
	s0 =	simm.s32 @!p2 $0x0  }
0x16: {  	s3 =	sld [smem:$0x3FDB];
	s0 =	simm.s32 @p2 $0x1  }
0x17: {  	s4 =	simm.s32 $0x1BF5;
	[smem:$0x3FB4] =	sst s0  }
0x18: {  	s0 =	sld [smem:$0x3F97];
	_ =	swait.ge [sflag:s4], $0x0  }
0x19: {  	s7 =	sld [smem:$0x3F98]  }
0x1a: {  	s8 =	sadd.s32 $0xFFFFE003, lr  }
0x1b: {  	s9 =	sadd.s32 $0xFFFFFEF7, lr;
	s5 =	simm.s32 $0xFFFFFFFF;
	p2 =	slt.u32 s8, $0xFFFFF086  }
0x1c: {  	p1 =	slt.u32 s9, $0xF7A;
	s5 =	simm.s32 @!p2 $0x0  }
0x1d: {  	s5 =	simm.s32 @p1 $0x1;
	p0 =	seq.s32 s7, s2  }
0x1e: {  	s7 =	smul.u32 @!p0 $0xF7A, s2;
	p2 =	seq.s32 @!p0 s5, $0x0  }
0x1f: {  	s9 =	smul.u32 $0xF7A, s1;
	s8 =	simm.s32 @!p0 $0x1BF5;
	p2 =	por !p2, p0  }
0x20: {  	[sflag:s8] =	ssyncset.s32 @!p0 $0xFFFFF086;
	s6 =	sadd.s32 @!p0 s3, s7;
	s7 =	simm.s32 @!p0 $0x108  }
0x21: {  	s3 =	sadd.s32 s3, s9;
	s6 =	sadd.s32 @!p0 $0x88, s6;
	s7 =	simm.s32 @p2 $0x1082  }
0x22: {  	[simem:s7], [sflag:s8] =	dma.local @!p0 [hbm:s6], $0xF7A  }
0x23: {  	s9 =	sor.u32 $0xD0000000, s2;
	s6 =	simm.s32 $0x108;
	_ =	swait.ge @!p0 [sflag:s8], $0x0  }
0x24: {  	s3 =	sadd.s32 $0x88, s3;
	s6 =	simm.s32 @!p1 $0x1082;
	[sflag:s4] =	ssyncset.s32 $0xFFFFF086  }
0x25: {  	[simem:s6], [sflag:s4] =	dma.local [hbm:s3], $0xF7A  }
0x26: {  	[smem:$0x3F98] =	sst s1;
	(tag) =	ssettag s2;
	_ =	strace s9  }
0x27: {  	s1 =	sld [smem:$0x3FA8]  }
0x28: {  	s2 =	sld [smem:$0x3FA9]  }
0x29: {  	s4 =	sld [smem:$0x3FAB]  }
0x2a: {  	p0 =	seq.s32 s5, $0x0;
	s5 =	sld [smem:$0x3FAC]  }
0x2b: {  	s6 =	sld [smem:$0x3FAD]  }
0x2c: {  	s7 =	sld [smem:$0x3FAE]  }
0x2d: {  	s3 =	simm.s32 $0x108;
	s8 =	sld [smem:$0x3FAF]  }
0x2e: {  	s3 =	simm.s32 @!p0 $0x1082;
	s9 =	sld [smem:$0x3FB0]  }
0x2f: {  	lr =	sadd.s32 s0, s3;
	s0 =	sld [smem:$0x3FA7]  }
0x30: {  	s3 =	sld [smem:$0x3FAA]  }
0x31: {  	[smem:$0x3FB3] =	sst s10  }
0x32: {  	s10 =	sld [smem:$0x3FB1];
	_ =	sdelay $0x3  }
0x33: {  	p0 =	seq.s32 s10, $0x1;
	s10 =	sld [smem:$0x3FB3];
	_ =	sdelay $0x3  }
0x34: {  	[smem:$0x3FB3] =	sst s10  }
0x35: {  	s10 =	sld [smem:$0x3FB2];
	_ =	sdelay $0x3  }
0x36: {  	p1 =	seq.s32 s10, $0x1;
	s10 =	sld [smem:$0x3FB3];
	_ =	sdelay $0x3  }
0x37: {  	[smem:$0x3FB3] =	sst s10  }
0x38: {  	s10 =	sld [smem:$0x3FB4]  }
0x39: {  	_ = 	snop;
	(pc) =	sbr.ind lr, $3  }
0x3a: {  	_ = 	snop  }
0x3b: {  	_ = 	snop  }
0x3c: {  	p2 =	seq.s32 s10, $0x1;
	s10 =	sld [smem:$0x3FB3]  }
0x3d: {  	_ =	shalt  }
0x3e: {  	_ =	shalt  }
0x3f: {  	_ =	shalt  }
0x40: {  	_ =	shalt  }
0x41: {  	_ =	shalt  }
0x42: {  	_ =	shalt  }
0x43: {  	_ =	shalt  }
0x44: {  	_ =	shalt  }
0x45: {  	_ =	shalt  }
0x46: {  	_ =	shalt  }
0x47: {  	_ =	shalt  }
0x48: {  	_ =	shalt  }
0x49: {  	_ =	shalt  }
0x4a: {  	_ =	shalt  }
0x4b: {  	_ =	shalt  }
0x4c: {  	_ =	shalt  }
0x4d: {  	_ =	shalt  }
0x4e: {  	_ =	shalt  }
0x4f: {  	_ =	shalt  }
0x50: {  	_ =	shalt  }
0x51: {  	_ =	shalt  }
0x52: {  	_ =	shalt  }
0x53: {  	_ =	shalt  }
0x54: {  	_ =	shalt  }
0x55: {  	_ =	shalt  }
0x56: {  	_ =	shalt  }
0x57: {  	_ =	shalt  }
0x58: {  	_ =	shalt  }
0x59: {  	_ =	shalt  }
0x5a: {  	_ =	shalt  }
0x5b: {  	_ =	shalt  }
0x5c: {  	_ =	shalt  }
0x5d: {  	_ =	shalt  }
0x5e: {  	_ =	shalt  }
0x5f: {  	_ =	shalt  }
0x60: {  	_ =	shalt  }
0x61: {  	_ =	shalt  }
0x62: {  	_ =	shalt  }
0x63: {  	_ =	shalt  }
0x64: {  	_ =	shalt  }
0x65: {  	_ =	shalt  }
0x66: {  	_ =	shalt  }
0x67: {  	_ =	shalt  }
0x68: {  	_ =	shalt  }
0x69: {  	_ =	shalt  }
0x6a: {  	_ =	shalt  }
0x6b: {  	_ =	shalt  }
0x6c: {  	_ =	shalt  }
0x6d: {  	_ =	shalt  }
0x6e: {  	_ =	shalt  }
0x6f: {  	_ =	shalt  }
0x70: {  	_ =	shalt  }
0x71: {  	_ =	shalt  }
0x72: {  	_ =	shalt  }
0x73: {  	_ =	shalt  }
0x74: {  	_ =	shalt  }
0x75: {  	_ =	shalt  }
0x76: {  	_ =	shalt  }
0x77: {  	_ =	shalt  }
0x78: {  	_ =	shalt  }
0x79: {  	_ =	shalt  }
0x7a: {  	_ =	shalt  }
0x7b: {  	_ =	shalt  }
0x7c: {  	_ =	shalt  }
0x7d: {  	_ =	shalt  }
0x7e: {  	_ =	shalt  }
0x7f: {  	_ =	shalt  }
0x80: {  	_ =	shalt  }
0x81: {  	_ =	shalt  }
0x82: {  	_ =	shalt  }
0x83: {  	_ =	shalt  }
0x84: {  	_ =	shalt  }
0x85: {  	_ =	shalt  }
0x86: {  	_ =	shalt  }
0x87: {  	_ =	shalt  }
.Lfunc_end0:
.L_simem_size_0:
called_computation.2_lowered:
.L_overlay_start_0:
0x88: {  	s2 =	sld [smem:$0x3FD9]  }
0x89: {  	s3 =	sld [smem:$0x3FFE];
	_ =	sdelay $0x1  }
0x8a: {  	s1 =	srdreg.scid  }
0x8b: {  	s0 =	sand.u32 $0x1, s1  }
0x8c: {  	s16 =	sshll.u32 s0, $0xA;
	s2 =	sadd.s32 s3, s2  }
0x8d: {  	s2 =	sadd.s32 s2, s16  }
0x8e: {  	[smem:$0x3FBF] =	sst s2  }
0x8f: {  	_ = 	snop  }
0x90: {  	(tm) =	ssettm $0x1  }
0x91: {  	s17 =	sld [smem:$0x3FFB];
	_ =	sdelay $0x3  }
0x92: {  	_ =	strace s17  }
0x93: {  	s2 =	sld [smem:$0x3FFC];
	_ =	sdelay $0x3  }
0x94: {  	_ =	strace s2  }
0x95: {  	s2 =	sld [smem:$0x3FFD];
	_ =	sdelay $0x3  }
0x96: {  	_ =	strace s2  }
0x97: {  	_ =	strace $0x8FFFFFFF  }
0x98: {  	s18 =	sld [smem:$0x3FDB];
	_ =	sdelay $0x1  }
0x99: {  	s19 =	simm.s32 $_scs_section_size  }
0x9a: {  	s4 =	simm.s32 $_size__tile_overlayer_lowered;
	s5 =	simm.s32 $_tile_overlayer_lowered  }
0x9b: {  	s22 =	simm.s32 $0x1BFF;
	s21 =	sshll.u32 s5, $0x1;
	s2 =	sadd.s32 s19, s18  }
0x9c: {  	s6 =	simm.s32 $0x0;
	s20 =	sshll.u32 s4, $0x1;
	s4 =	sadd.s32 s21, s2  }
0x9d: {  	[timem:s6], [sflag:s22] =	dma.local [hbm:s4], s20  }
0x9e: {  	_ =	swait.ge [sflag:s22], s20  }
0x9f: {  	s3 =	ssub.s32 $0x0, s20;
	[sflag:s22] =	ssyncset.done $0x0  }
0xa0: {  	[sflag:s22] =	ssyncadd.s32 s3;
	_ =	sdelay $0x1  }
0xa1: {  	s23 =	simm.s32 $0x1B8B  }
0xa2: {  	_ =	swait.ge [sflag:s23], $0x1  }
0xa3: {  	[sflag:s23] =	ssyncset.done $0x0  }
0xa4: {  	s25 =	simm.s32 $0x1B8E;
	s24 =	sld [smem:$0x3FFE];
	[sflag:s23] =	ssyncadd.s32 $0xFFFFFFFF  }
0xa5: {  	s26 =	simm.s32 $execute0_lowered;
	[smem:$0x3FD2] =	sst s25  }
0xa6: {  	s4 =	sshll.u32 s26, $0x1;
	_ =	strace $0x8000004C;
	[dreg:$0x1] =	wrdreg $0xFFFFFFFF  }
0xa7: {  	s28 =	simm.s32 $_size_execute0_lowered;
	s2 =	sadd.s32 s2, s4;
	[dreg:$0x0] =	wrdreg $0x0  }
0xa8: {  	s4 =	sshll.u32 s28, $0x1;
	[dreg:$0x2] =	wrdreg s2  }
0xa9: {  	[dreg:$0x3] =	wrdreg s4  }
0xaa: {  	[dreg:$0x4] =	wrdreg $0xC0  }
0xab: {  	_ =	task [dreg:s6], $0x5FFFF  }
0xac: {  	[dreg:$0x1] =	wrdreg $0xFFFFFFFF  }
0xad: {  	[dreg:$0x0] =	wrdreg $0x60  }
0xae: {  	[dreg:$0x2] =	wrdreg s24  }
0xaf: {  	[dreg:$0x3] =	wrdreg $0x14A000  }
0xb0: {  	[dreg:$0x4] =	wrdreg $0x9  }
0xb1: {  	_ =	task.clear_ibuf [dreg:s6], $0x5FFFF;
	_ =	strace $0x9000004C  }
0xb2: {  	s29 =	simm.s32 $0x9;
	_ =	strace $0x8000004E  }
0xb3: {  	_ =	swait.ge [sflag:s29], $0x1  }
0xb4: {  	[sflag:s29] =	ssyncadd.s32 $0xFFFFFFFF  }
0xb5: {  	_ =	strace $0x9000004E  }
0xb6: {  	_ =	sfence  }
0xb7: {  	s30 =	sld [smem:$0x0];
	_ =	sdelay $0x2  }
0xb8: {  	s31 =	sshll.u32 s1, $0xD;
	s1 =	sshrl.u32 s1, $0x2  }
0xb9: {  	s3 =	sand.u32 $0x4000, s31;
	s1 =	sadd.s32 s1, s30  }
0xba: {  	s0 =	sor.u32 s3, s0;
	s1 =	sshll.u32 s1, $0x11  }
0xbb: {  	s0 =	sor.u32 s1, s0  }
0xbc: {  	s0 =	sadd.s32 $0x8F2B, s0  }
0xbd: {  	[sflag:s0] =	ssyncadd.remote.s32 $0x1  }
0xbe: {  	_ =	sfence.sel $0xFFFF  }
0xbf: {  	[dreg:$0x0] =	wrdreg $0xFFFFFFFF;
	(pc) =	sbr.abs _section_cstart, $3  }
0xc0: {  	[dreg:$0x1] =	wrdreg $0xFFFFFFFF  }
0xc1: {  	_ =	task.clear_ibuf [dreg:s6], $0x2FFFF;
	_ =	strace $0x9FFFFFFF  }
0xc2: {  	(tm) =	ssettm $0x7FFFFFFF  }
0xc3: {  	_ =	shalt  }
tec
execute0_lowered:
.L_overlay_start_1:
0x0: {  	(tag) =	ssettag $0x1  }
0x1: {  	s0 =	srdreg.scid;
	s3 =	rddreg [dreg:$0x0]  }
0x2: {  	s8 =	stileid.u32;
	s2 =	rddreg [dreg:$0x1]  }
0x3: {  	s4 =	simm.s32 $0x0;
	s12 =	simm.s32 $0x11;
	s14 =	simm.s32 $0x7D  }
0x4: {  	s15 =	simm.s32 $0x5000;
	s17 =	simm.s32 $0x6F40;
	s19 =	simm.s32 $0x8E80  }
0x5: {  	s21 =	simm.s32 $0xADC0;
	s22 =	simm.s32 $0x1;
	s28 =	simm.s32 $0x10B80  }
0x6: {  	s29 =	simm.s32 $0x4;
	s30 =	simm.s32 $0x12AC0;
	s31 =	simm.s32 $0x5  }
0x7: {  	s13 =	simm.s32 $0xB;
	s16 =	simm.s32 $0x8;
	s18 =	simm.s32 $0xC  }
0x8: {  	s9 =	simm.s32 $0x0;
	s0 =	sand.u32 $0x1, s0;
	s5 =	smul.u32 $0xA000, s8  }
0x9: {  	[smem:$0x7FF] =	sst s4;
	s4 =	sadd.s32 $0x16200, s3;
	s7 =	sadd.s32 $0x29C00, s3  }
0xa: {  	s24 =	sshll.u32 s8, $0x6;
	s1 =	sshll.u32 s0, $0x4;
	s6 =	smul.u32 $0xA0000, s0  }
0xb: {  	_ =	strace $0x8000004D;
	s0 =	ssub.s32 $0x2, s0;
	s1 =	sor.u32 s8, s1  }
0xc: {  	[dreg:$0x3] =	wrdreg s7;
	s23 =	sshrl.u32 s0, $0x1;
	s1 =	smul.u32 $0x2800, s1  }
0xd: {  	s6 =	sadd.s32 s5, s6;
	s0 =	ssub.s32 s0, s23;
	s5 =	sadd.s32 s5, s2  }
0xe: {  	s23 =	simm.s32 $0xCD00;
	s6 =	sshrl.u32 s6, $0x3;
	s1 =	sshrl.u32 s1, $0x3  }
0xf: {  	s0 =	smax.u32 s0, $0x1;
	s11 =	sshrl.u32 s5, $0x3;
	s1 =	sadd.s32 s1, s3  }
.Ltmp0:
0x10: {  	[dreg:$0x7] =	wrdreg s0;
	s25 =	sadd.s32 $0x2200, s1;
	(pc) =	sbr.rel .LBB2_1-.Ltmp0, $4  }
0x11: {  	s3 =	sadd.s32 s6, s3;
	s1 =	sadd.s32 $0xC200, s1;
	[dreg:$0x4] =	wrdreg s25  }
0x12: {  	s0 =	simm.s32 $0x7;
	s26 =	sadd.s32 $0x2B000, s3;
	[dreg:$0x5] =	wrdreg s1  }
0x13: {  	s6 =	sor.u32 $0x1C11, s24;
	s24 =	simm.s32 $0x2;
	[dreg:$0x6] =	wrdreg s26  }
0x14: {  	s25 =	simm.s32 $0xEC40;
	s26 =	simm.s32 $0x3;
	s1 =	simm.s32 $0x9  }
.LBB2_4:
0x15: {  	_ =	swait.ge [sflag:s16], $0x1F40  }
0x16: {  	[sflag:s16] =	ssyncset.done $0x0  }
0x17: {  	[sflag:s16] =	ssyncadd.s32 $0xFFFFE0C0  }
0x18: {  	[spmem:s2] =	stream.indirect.scatter.add.f32 [tilespmem:s30], [sflag:$0x10], $0x40, s20, s14, $0xb8;
	[tilespmem:$0x1EA00] =	vst v63  }
0x19: {  	_ =	swait.ge [sflag:s18], $0x1F40  }
0x1a: {  	[sflag:s18] =	ssyncset.done $0x0  }
0x1b: {  	s3 =	simm.s32 $0xD;
	[sflag:s18] =	ssyncadd.s32 $0xFFFFE0C0  }
0x1c: {  	_ =	swait.ge [sflag:s3], $0x1F40  }
0x1d: {  	[sflag:s3] =	ssyncset.done $0x0  }
0x1e: {  	s5 =	simm.s32 $0xE;
	[sflag:s3] =	ssyncadd.s32 $0xFFFFE0C0  }
0x1f: {  	_ =	swait.ge [sflag:s5], $0x1F40  }
0x20: {  	[sflag:s5] =	ssyncset.done $0x0  }
0x21: {  	s7 =	simm.s32 $0xF;
	[sflag:s5] =	ssyncadd.s32 $0xFFFFE0C0  }
0x22: {  	_ =	swait.ge [sflag:s7], $0x1F40  }
0x23: {  	[sflag:s7] =	ssyncset.done $0x0  }
0x24: {  	s8 =	simm.s32 $0x10;
	[sflag:s7] =	ssyncadd.s32 $0xFFFFE0C0  }
0x25: {  	_ =	swait.ge [sflag:s8], $0x1F40  }
0x26: {  	[sflag:s8] =	ssyncset.done $0x0  }
0x27: {  	[sflag:s8] =	ssyncadd.s32 $0xFFFFE0C0  }
0x28: {  	[bflag:$0x0] =	sbarrier.arrive $0xFFFF  }
0x29: {  	s10 =	rddreg [dreg:$0x6]  }
0x2a: {  	[hbm:s10], [sflag:s6] =	dma.local [spmem:s11], $0x1400  }
0x2b: {  	_ =	swait.ge [sflag:s12], $0x1400  }
0x2c: {  	s9 =	sadd.s32 $0x1, s9;
	s20 =	rddreg [dreg:$0x7]  }
0x2d: {  	p0 =	sne.s32 s9, s20  }
.Ltmp1:
0x2e: {  	_ = 	snop;
	(pc) =	sbr.rel @!p0 .LBB2_5-.Ltmp1, $3  }
0x2f: {  	_ =	sdelay $0x1  }
0x30: {  	[sflag:s12] =	ssyncset.done $0x0  }
0x31: {  	[sflag:s12] =	ssyncadd.s32 $0xFFFFEC00  }
.LBB2_1:
0x32: {  	s3 =	rddreg [dreg:$0x3]  }
0x33: {  	[spmem:s11], [sflag:s6] =	dma.local [hbm:s3], $0x1400  }
0x34: {  	_ =	swait.ge [sflag:s12], $0x1400  }
0x35: {  	[sflag:s12] =	ssyncset.done $0x0  }
0x36: {  	s10 =	simm.s32 $0x0;
	s5 =	rddreg [dreg:$0x4];
	[sflag:s12] =	ssyncadd.s32 $0xFFFFEC00  }
0x37: {  	[tilespmem:s10], [sflag:$0x11] =	stream.linear.gather [hbm4b:s5+s10], $0x2800, $0x38;
	[tilespmem:$0x1EA00] =	vst v63  }
0x38: {  	_ =	swait.ge [sflag:s12], $0x2800  }
0x39: {  	[sflag:s12] =	ssyncset.done $0x0  }
0x3a: {  	s7 =	simm.s32 $0x2800;
	s20 =	rddreg [dreg:$0x5];
	[sflag:s12] =	ssyncadd.s32 $0xFFFFD800  }
0x3b: {  	[tilespmem:s7], [sflag:$0x11] =	stream.linear.gather [hbm4b:s20+s10], $0x2800, $0x38;
	[tilespmem:$0x1EA00] =	vst v63  }
0x3c: {  	_ =	swait.ge [sflag:s12], $0x2800  }
0x3d: {  	[sflag:s12] =	ssyncset.done $0x0  }
0x3e: {  	[sflag:s12] =	ssyncadd.s32 $0xFFFFD800  }
0x3f: {  	[bflag:$0x0] =	sbarrier.arrive $0xFFFF  }
0x40: {  	[tilespmem:s15], [sflag:$0x1] =	stream.indirect.gather [hbm4b:s4+s14], $0x40, s10, s14, $0xb8;
	[tilespmem:$0x1EA00] =	vst v63  }
0x41: {  	s8 =	simm.s32 $0x80  }
0x42: {  	[tilespmem:s17], [sflag:$0x2] =	stream.indirect.gather [hbm4b:s4+s14], $0x40, s8, s14, $0xb8;
	[tilespmem:$0x1EA00] =	vst v63  }
0x43: {  	s10 =	simm.s32 $0x100  }
0x44: {  	[tilespmem:s19], [sflag:$0x3] =	stream.indirect.gather [hbm4b:s4+s14], $0x40, s10, s14, $0xb8;
	[tilespmem:$0x1EA00] =	vst v63  }
0x45: {  	s20 =	simm.s32 $0x180;
	s10 =	simm.s32 $0x0  }
0x46: {  	[tilespmem:s21], [sflag:$0x4] =	stream.indirect.gather [hbm4b:s4+s14], $0x40, s20, s14, $0xb8;
	[tilespmem:$0x1EA00] =	vst v63  }
.LBB2_2:
0x47: {  	_ =	swait.ge [sflag:s22], $0x1F40  }
0x48: {  	s3 =	sshra.s32 s10, $0x2;
	[sflag:s22] =	ssyncset.done $0x0  }
0x49: {  	p0 =	seq.s32 s10, $0x0;
	s20 =	sadd.s32 $0x2800, s3;
	[sflag:s22] =	ssyncadd.s32 $0xFFFFE0C0  }
0x4a: {  	[spmem:s2] =	stream.indirect.scatter.add.f32 [tilespmem:s15], [sflag:$0x9], $0x40, s20, s14, $0xb8;
	[tilespmem:$0x1EA00] =	vst v63  }
0x4b: {  	s20 =	simm.s32 @!p0 $0xD  }
0x4c: {  	_ =	swait.ge @!p0 [sflag:s20], $0x1F40  }
0x4d: {  	[sflag:s20] =	ssyncset.done @!p0 $0x0  }
0x4e: {  	s7 =	sadd.s32 $0x200, s3;
	[sflag:s20] =	ssyncadd.s32 @!p0 $0xFFFFE0C0  }
0x4f: {  	[tilespmem:s23], [sflag:$0x5] =	stream.indirect.gather [hbm4b:s4+s14], $0x40, s7, s14, $0xb8;
	[tilespmem:$0x1EA00] =	vst v63  }
0x50: {  	_ =	swait.ge [sflag:s24], $0x1F40  }
0x51: {  	[sflag:s24] =	ssyncset.done $0x0  }
0x52: {  	s8 =	sadd.s32 $0x2880, s3;
	s20 =	simm.s32 @!p0 $0xE;
	[sflag:s24] =	ssyncadd.s32 $0xFFFFE0C0  }
0x53: {  	[spmem:s2] =	stream.indirect.scatter.add.f32 [tilespmem:s17], [sflag:$0xA], $0x40, s8, s14, $0xb8;
	[tilespmem:$0x1EA00] =	vst v63  }
0x54: {  	_ =	swait.ge @!p0 [sflag:s20], $0x1F40  }
0x55: {  	[sflag:s20] =	ssyncset.done @!p0 $0x0  }
0x56: {  	s5 =	sadd.s32 $0x280, s3;
	[sflag:s20] =	ssyncadd.s32 @!p0 $0xFFFFE0C0  }
0x57: {  	[tilespmem:s25], [sflag:$0x6] =	stream.indirect.gather [hbm4b:s4+s14], $0x40, s5, s14, $0xb8;
	[tilespmem:$0x1EA00] =	vst v63  }
0x58: {  	_ =	swait.ge [sflag:s26], $0x1F40  }
0x59: {  	[sflag:s26] =	ssyncset.done $0x0  }
0x5a: {  	s7 =	sadd.s32 $0x2900, s3;
	s20 =	simm.s32 @!p0 $0xF;
	[sflag:s26] =	ssyncadd.s32 $0xFFFFE0C0  }
0x5b: {  	[spmem:s2] =	stream.indirect.scatter.add.f32 [tilespmem:s19], [sflag:$0xB], $0x40, s7, s14, $0xb8;
	[tilespmem:$0x1EA00] =	vst v63  }
0x5c: {  	_ =	swait.ge @!p0 [sflag:s20], $0x1F40  }
0x5d: {  	[sflag:s20] =	ssyncset.done @!p0 $0x0  }
0x5e: {  	s8 =	sadd.s32 $0x300, s3;
	[sflag:s20] =	ssyncadd.s32 @!p0 $0xFFFFE0C0  }
0x5f: {  	[tilespmem:s28], [sflag:$0x7] =	stream.indirect.gather [hbm4b:s4+s14], $0x40, s8, s14, $0xb8;
	[tilespmem:$0x1EA00] =	vst v63  }
0x60: {  	_ =	swait.ge [sflag:s29], $0x1F40  }
0x61: {  	[sflag:s29] =	ssyncset.done $0x0  }
0x62: {  	s5 =	sadd.s32 $0x2980, s3;
	s20 =	simm.s32 @!p0 $0x10;
	[sflag:s29] =	ssyncadd.s32 $0xFFFFE0C0  }
0x63: {  	[spmem:s2] =	stream.indirect.scatter.add.f32 [tilespmem:s21], [sflag:$0xC], $0x40, s5, s14, $0xb8;
	[tilespmem:$0x1EA00] =	vst v63  }
0x64: {  	_ =	swait.ge @!p0 [sflag:s20], $0x1F40  }
0x65: {  	[sflag:s20] =	ssyncset.done @!p0 $0x0  }
0x66: {  	s7 =	sadd.s32 $0x380, s3;
	[sflag:s20] =	ssyncadd.s32 @!p0 $0xFFFFE0C0  }
0x67: {  	[tilespmem:s30], [sflag:$0x8] =	stream.indirect.gather [hbm4b:s4+s14], $0x40, s7, s14, $0xb8;
	[tilespmem:$0x1EA00] =	vst v63  }
0x68: {  	_ =	swait.ge [sflag:s31], $0x1F40  }
0x69: {  	[sflag:s31] =	ssyncset.done $0x0  }
0x6a: {  	s8 =	sadd.s32 $0x2A00, s3;
	[sflag:s31] =	ssyncadd.s32 $0xFFFFE0C0  }
0x6b: {  	[spmem:s2] =	stream.indirect.scatter.add.f32 [tilespmem:s23], [sflag:$0xD], $0x40, s8, s14, $0xb8;
	[tilespmem:$0x1EA00] =	vst v63  }
0x6c: {  	_ =	swait.ge [sflag:s1], $0x1F40  }
0x6d: {  	p0 =	seq.s32 s10, $0x9000;
	[sflag:s1] =	ssyncset.done $0x0  }
0x6e: {  	s20 =	simm.s32 @p0 $0x6;
	[sflag:s1] =	ssyncadd.s32 $0xFFFFE0C0  }
0x6f: {  	_ =	swait.ge @p0 [sflag:s20], $0x1F40  }
0x70: {  	[sflag:s20] =	ssyncset.done @p0 $0x0  }
0x71: {  	[sflag:s20] =	ssyncadd.s32 @p0 $0xFFFFE0C0;
	s20 =	sshra.s32 @p0 s10, $0x2  }
0x72: {  	s5 =	simm.s32 @p0 $0x7D;
	s7 =	simm.s32 @p0 $0xEC40;
	s20 =	sadd.s32 @p0 $0x2A80, s20  }
0x73: {  	[spmem:s2] =	stream.indirect.scatter.add.f32 @p0 [tilespmem:s7], [sflag:$0xE], $0x40, s20, s5, $0xb8;
	[tilespmem:$0x1EA00] =	vst v63  }
0x74: {  	s5 =	simm.s32 @p0 $0xA  }
0x75: {  	_ =	swait.ge @p0 [sflag:s5], $0x1F40  }
0x76: {  	[sflag:s5] =	ssyncset.done @p0 $0x0  }
0x77: {  	[sflag:s5] =	ssyncadd.s32 @p0 $0xFFFFE0C0;
	s5 =	sshra.s32 @!p0 s10, $0x2  }
0x78: {  	s8 =	simm.s32 @!p0 $0x5000;
	s20 =	simm.s32 @!p0 $0x7D;
	s7 =	sadd.s32 @!p0 $0x400, s5  }
0x79: {  	[tilespmem:s8], [sflag:$0x1] =	stream.indirect.gather @!p0 [hbm4b:s4+s20], $0x40, s7, s20, $0xb8;
	[tilespmem:$0x1EA00] =	vst v63  }
0x7a: {  	s7 =	simm.s32 @!p0 $0x6  }
0x7b: {  	_ =	swait.ge @!p0 [sflag:s7], $0x1F40  }
0x7c: {  	[sflag:s7] =	ssyncset.done @!p0 $0x0  }
0x7d: {  	s8 =	simm.s32 @!p0 $0xEC40;
	[sflag:s7] =	ssyncadd.s32 @!p0 $0xFFFFE0C0;
	s7 =	sadd.s32 @!p0 $0x2A80, s5  }
0x7e: {  	[spmem:s2] =	stream.indirect.scatter.add.f32 @!p0 [tilespmem:s8], [sflag:$0xE], $0x40, s7, s20, $0xb8;
	[tilespmem:$0x1EA00] =	vst v63  }
0x7f: {  	s7 =	simm.s32 @!p0 $0xA  }
0x80: {  	_ =	swait.ge @!p0 [sflag:s7], $0x1F40  }
0x81: {  	[sflag:s7] =	ssyncset.done @!p0 $0x0  }
0x82: {  	s5 =	sadd.s32 @!p0 $0x480, s5;
	[sflag:s7] =	ssyncadd.s32 @!p0 $0xFFFFE0C0;
	s7 =	simm.s32 @!p0 $0x6F40  }
0x83: {  	[tilespmem:s7], [sflag:$0x2] =	stream.indirect.gather @!p0 [hbm4b:s4+s20], $0x40, s5, s20, $0xb8;
	[tilespmem:$0x1EA00] =	vst v63  }
0x84: {  	_ =	swait.ge [sflag:s0], $0x1F40  }
0x85: {  	[sflag:s0] =	ssyncset.done $0x0  }
.Ltmp2:
0x86: {  	s20 =	sadd.s32 $0x2B00, s3;
	[sflag:s0] =	ssyncadd.s32 $0xFFFFE0C0;
	(pc) =	sbr.rel @p0 .LBB2_4-.Ltmp2, $4  }
0x87: {  	[spmem:s2] =	stream.indirect.scatter.add.f32 [tilespmem:s28], [sflag:$0xF], $0x40, s20, s14, $0xb8;
	[tilespmem:$0x1EA00] =	vst v63  }
0x88: {  	_ =	swait.ge [sflag:s13], $0x1F40  }
0x89: {  	[sflag:s13] =	ssyncset.done $0x0  }
0x8a: {  	s20 =	sadd.s32 $0x2B80, s3;
	[sflag:s13] =	ssyncadd.s32 $0xFFFFE0C0  }
0x8b: {  	s5 =	sadd.s32 $0x500, s3  }
0x8c: {  	[tilespmem:s19], [sflag:$0x3] =	stream.indirect.gather [hbm4b:s4+s14], $0x40, s5, s14, $0xb8;
	[tilespmem:$0x1EA00] =	vst v63  }
0x8d: {  	_ =	swait.ge [sflag:s16], $0x1F40  }
0x8e: {  	[sflag:s16] =	ssyncset.done $0x0  }
0x8f: {  	[sflag:s16] =	ssyncadd.s32 $0xFFFFE0C0  }
0x90: {  	[spmem:s2] =	stream.indirect.scatter.add.f32 [tilespmem:s30], [sflag:$0x10], $0x40, s20, s14, $0xb8;
	[tilespmem:$0x1EA00] =	vst v63  }
.Ltmp3:
0x91: {  	_ = 	snop;
	(pc) =	sbr.rel .LBB2_2-.Ltmp3, $4  }
0x92: {  	_ =	swait.ge [sflag:s18], $0x1F40  }
0x93: {  	[sflag:s18] =	ssyncset.done $0x0  }
0x94: {  	s10 =	sadd.s32 $0x1000, s10;
	s20 =	sadd.s32 $0x580, s3;
	[sflag:s18] =	ssyncadd.s32 $0xFFFFE0C0  }
0x95: {  	[tilespmem:s21], [sflag:$0x4] =	stream.indirect.gather [hbm4b:s4+s14], $0x40, s20, s14, $0xb8;
	[tilespmem:$0x1EA00] =	vst v63  }
.LBB2_5:
0x96: {  	_ =	sfence.sel $0x180000  }
0x97: {  	[bflag:$0x0] =	sbarrier.arrive $0xFFFF  }
0x98: {  	_ =	strace $0x9000004D  }
0x99: {  	s0 =	stileid.u32;
	[bflag:$0x2] =	sbarrier.arrive $0xFFFF  }
0x9a: {  	p0 =	sne.s32 s0, $0x0;
	s0 =	rddreg [dreg:$0x2]  }
0x9b: {  	s0 =	sadd.s32 @!p0 $0x100000, s0  }
0x9c: {  	[sflag:s0] =	ssyncadd.tile.s32 @!p0 $0x1;
	_ =	shalt  }
.Lfunc_end2:
_tile_overlayer_lowered:
.L_overlay_start_2:
0x9d: {  	(tag) =	ssettag $0x2  }
0x9e: {  	s0 =	rddreg [dreg:$0x0];
	s2 =	stileid.u32  }
0x9f: {  	s1 =	rddreg [dreg:$0x1];
	p0 =	sne.s32 s2, $0x0  }
0xa0: {  	s3 =	rddreg [dreg:$0x2];
	[bflag:$0x3] =	sbarrier.arrive $0xFFFF;
	s2 =	simm.s32 @!p0 $0x1C11  }
0xa1: {  	[timem:s3], [sflag:s2] =	dma.local @!p0 [hbm:s0], s1  }
0xa2: {  	s0 =	simm.s32 @!p0 $0x11  }
0xa3: {  	_ =	swait.ge @!p0 [sflag:s0], s1  }
0xa4: {  	s1 =	ssub.s32 @!p0 $0x0, s1;
	[sflag:s0] =	ssyncset.done @!p0 $0x0  }
0xa5: {  	[sflag:s0] =	ssyncadd.s32 @!p0 s1  }
0xa6: {  	[bflag:$0x3] =	sbarrier.arrive $0xFFFF  }
0xa7: {  	_ =	shalt  }

// kernel: kernel.8.cloned.1.call-start
scs
__scs_entry_jumppad:
0x0: {  	(pc) =	sbr.rel $0x88, $3  }
0x1: {  	(tag) =	ssettag $0x0;
	lr =	simm.s32 $0x1  }
0x2: {  	[smem:$0x3F98] =	sst lr;
	_ =	strace $0xD0000000  }
0x3: {  	_ = 	snop  }
0x4: {  	_ = 	snop  }
0x5: {  	_ = 	snop  }
0x6: {  	_ = 	snop  }
0x7: {  	_ = 	snop  }
__scs_overlays_trampoline_lowered:
0x8: {  	[smem:$0x3FA7] =	sst s0  }
0x9: {  	[smem:$0x3FA8] =	sst s1  }
0xa: {  	[smem:$0x3FA9] =	sst s2  }
0xb: {  	[smem:$0x3FAA] =	sst s3  }
0xc: {  	[smem:$0x3FAB] =	sst s4  }
0xd: {  	[smem:$0x3FAC] =	sst s5  }
0xe: {  	[smem:$0x3FAD] =	sst s6  }
0xf: {  	[smem:$0x3FAE] =	sst s7  }
0x10: {  	[smem:$0x3FAF] =	sst s8  }
0x11: {  	[smem:$0x3FB0] =	sst s9;
	s0 =	simm.s32 @!p0 $0x0  }
0x12: {  	s1 =	sld [smem:$0x3F96];
	s0 =	simm.s32 @p0 $0x1  }
0x13: {  	[smem:$0x3FB1] =	sst s0;
	s0 =	simm.s32 @!p1 $0x0  }
0x14: {  	s2 =	sld [smem:$0x3F95];
	s0 =	simm.s32 @p1 $0x1  }
0x15: {  	[smem:$0x3FB2] =	sst s0;
	s0 =	simm.s32 @!p2 $0x0  }
0x16: {  	s3 =	sld [smem:$0x3FDB];
	s0 =	simm.s32 @p2 $0x1  }
0x17: {  	s4 =	simm.s32 $0x1BF5;
	[smem:$0x3FB4] =	sst s0  }
0x18: {  	s0 =	sld [smem:$0x3F97];
	_ =	swait.ge [sflag:s4], $0x0  }
0x19: {  	s7 =	sld [smem:$0x3F98]  }
0x1a: {  	s8 =	sadd.s32 $0xFFFFE003, lr  }
0x1b: {  	s9 =	sadd.s32 $0xFFFFFEF7, lr;
	s5 =	simm.s32 $0xFFFFFFFF;
	p2 =	slt.u32 s8, $0xFFFFF086  }
0x1c: {  	p1 =	slt.u32 s9, $0xF7A;
	s5 =	simm.s32 @!p2 $0x0  }
0x1d: {  	s5 =	simm.s32 @p1 $0x1;
	p0 =	seq.s32 s7, s2  }
0x1e: {  	s7 =	smul.u32 @!p0 $0xF7A, s2;
	p2 =	seq.s32 @!p0 s5, $0x0  }
0x1f: {  	s9 =	smul.u32 $0xF7A, s1;
	s8 =	simm.s32 @!p0 $0x1BF5;
	p2 =	por !p2, p0  }
0x20: {  	[sflag:s8] =	ssyncset.s32 @!p0 $0xFFFFF086;
	s6 =	sadd.s32 @!p0 s3, s7;
	s7 =	simm.s32 @!p0 $0x108  }
0x21: {  	s3 =	sadd.s32 s3, s9;
	s6 =	sadd.s32 @!p0 $0x88, s6;
	s7 =	simm.s32 @p2 $0x1082  }
0x22: {  	[simem:s7], [sflag:s8] =	dma.local @!p0 [hbm:s6], $0xF7A  }
0x23: {  	s9 =	sor.u32 $0xD0000000, s2;
	s6 =	simm.s32 $0x108;
	_ =	swait.ge @!p0 [sflag:s8], $0x0  }
0x24: {  	s3 =	sadd.s32 $0x88, s3;
	s6 =	simm.s32 @!p1 $0x1082;
	[sflag:s4] =	ssyncset.s32 $0xFFFFF086  }
0x25: {  	[simem:s6], [sflag:s4] =	dma.local [hbm:s3], $0xF7A  }
0x26: {  	[smem:$0x3F98] =	sst s1;
	(tag) =	ssettag s2;
	_ =	strace s9  }
0x27: {  	s1 =	sld [smem:$0x3FA8]  }
0x28: {  	s2 =	sld [smem:$0x3FA9]  }
0x29: {  	s4 =	sld [smem:$0x3FAB]  }
0x2a: {  	p0 =	seq.s32 s5, $0x0;
	s5 =	sld [smem:$0x3FAC]  }
0x2b: {  	s6 =	sld [smem:$0x3FAD]  }
0x2c: {  	s7 =	sld [smem:$0x3FAE]  }
0x2d: {  	s3 =	simm.s32 $0x108;
	s8 =	sld [smem:$0x3FAF]  }
0x2e: {  	s3 =	simm.s32 @!p0 $0x1082;
	s9 =	sld [smem:$0x3FB0]  }
0x2f: {  	lr =	sadd.s32 s0, s3;
	s0 =	sld [smem:$0x3FA7]  }
0x30: {  	s3 =	sld [smem:$0x3FAA]  }
0x31: {  	[smem:$0x3FB3] =	sst s10  }
0x32: {  	s10 =	sld [smem:$0x3FB1];
	_ =	sdelay $0x3  }
0x33: {  	p0 =	seq.s32 s10, $0x1;
	s10 =	sld [smem:$0x3FB3];
	_ =	sdelay $0x3  }
0x34: {  	[smem:$0x3FB3] =	sst s10  }
0x35: {  	s10 =	sld [smem:$0x3FB2];
	_ =	sdelay $0x3  }
0x36: {  	p1 =	seq.s32 s10, $0x1;
	s10 =	sld [smem:$0x3FB3];
	_ =	sdelay $0x3  }
0x37: {  	[smem:$0x3FB3] =	sst s10  }
0x38: {  	s10 =	sld [smem:$0x3FB4]  }
0x39: {  	_ = 	snop;
	(pc) =	sbr.ind lr, $3  }
0x3a: {  	_ = 	snop  }
0x3b: {  	_ = 	snop  }
0x3c: {  	p2 =	seq.s32 s10, $0x1;
	s10 =	sld [smem:$0x3FB3]  }
0x3d: {  	_ =	shalt  }
0x3e: {  	_ =	shalt  }
0x3f: {  	_ =	shalt  }
0x40: {  	_ =	shalt  }
0x41: {  	_ =	shalt  }
0x42: {  	_ =	shalt  }
0x43: {  	_ =	shalt  }
0x44: {  	_ =	shalt  }
0x45: {  	_ =	shalt  }
0x46: {  	_ =	shalt  }
0x47: {  	_ =	shalt  }
0x48: {  	_ =	shalt  }
0x49: {  	_ =	shalt  }
0x4a: {  	_ =	shalt  }
0x4b: {  	_ =	shalt  }
0x4c: {  	_ =	shalt  }
0x4d: {  	_ =	shalt  }
0x4e: {  	_ =	shalt  }
0x4f: {  	_ =	shalt  }
0x50: {  	_ =	shalt  }
0x51: {  	_ =	shalt  }
0x52: {  	_ =	shalt  }
0x53: {  	_ =	shalt  }
0x54: {  	_ =	shalt  }
0x55: {  	_ =	shalt  }
0x56: {  	_ =	shalt  }
0x57: {  	_ =	shalt  }
0x58: {  	_ =	shalt  }
0x59: {  	_ =	shalt  }
0x5a: {  	_ =	shalt  }
0x5b: {  	_ =	shalt  }
0x5c: {  	_ =	shalt  }
0x5d: {  	_ =	shalt  }
0x5e: {  	_ =	shalt  }
0x5f: {  	_ =	shalt  }
0x60: {  	_ =	shalt  }
0x61: {  	_ =	shalt  }
0x62: {  	_ =	shalt  }
0x63: {  	_ =	shalt  }
0x64: {  	_ =	shalt  }
0x65: {  	_ =	shalt  }
0x66: {  	_ =	shalt  }
0x67: {  	_ =	shalt  }
0x68: {  	_ =	shalt  }
0x69: {  	_ =	shalt  }
0x6a: {  	_ =	shalt  }
0x6b: {  	_ =	shalt  }
0x6c: {  	_ =	shalt  }
0x6d: {  	_ =	shalt  }
0x6e: {  	_ =	shalt  }
0x6f: {  	_ =	shalt  }
0x70: {  	_ =	shalt  }
0x71: {  	_ =	shalt  }
0x72: {  	_ =	shalt  }
0x73: {  	_ =	shalt  }
0x74: {  	_ =	shalt  }
0x75: {  	_ =	shalt  }
0x76: {  	_ =	shalt  }
0x77: {  	_ =	shalt  }
0x78: {  	_ =	shalt  }
0x79: {  	_ =	shalt  }
0x7a: {  	_ =	shalt  }
0x7b: {  	_ =	shalt  }
0x7c: {  	_ =	shalt  }
0x7d: {  	_ =	shalt  }
0x7e: {  	_ =	shalt  }
0x7f: {  	_ =	shalt  }
0x80: {  	_ =	shalt  }
0x81: {  	_ =	shalt  }
0x82: {  	_ =	shalt  }
0x83: {  	_ =	shalt  }
0x84: {  	_ =	shalt  }
0x85: {  	_ =	shalt  }
0x86: {  	_ =	shalt  }
0x87: {  	_ =	shalt  }
.Lfunc_end0:
.L_simem_size_0:
called_computation_lowered:
.L_overlay_start_0:
0x88: {  	s2 =	sld [smem:$0x3FD9]  }
0x89: {  	s3 =	sld [smem:$0x3FFE];
	_ =	sdelay $0x1  }
0x8a: {  	s1 =	srdreg.scid  }
0x8b: {  	s0 =	sand.u32 $0x1, s1  }
0x8c: {  	s16 =	sshll.u32 s0, $0xA;
	s2 =	sadd.s32 s3, s2  }
0x8d: {  	s2 =	sadd.s32 s2, s16  }
0x8e: {  	[smem:$0x3FBF] =	sst s2  }
0x8f: {  	_ = 	snop  }
0x90: {  	(tm) =	ssettm $0x1  }
0x91: {  	s17 =	sld [smem:$0x3FFB];
	_ =	sdelay $0x3  }
0x92: {  	_ =	strace s17  }
0x93: {  	s2 =	sld [smem:$0x3FFC];
	_ =	sdelay $0x3  }
0x94: {  	_ =	strace s2  }
0x95: {  	s2 =	sld [smem:$0x3FFD];
	_ =	sdelay $0x3  }
0x96: {  	_ =	strace s2  }
0x97: {  	_ =	strace $0x8FFFFFFF  }
0x98: {  	s18 =	sld [smem:$0x3FDB];
	_ =	sdelay $0x1  }
0x99: {  	s19 =	simm.s32 $_scs_section_size  }
0x9a: {  	s4 =	simm.s32 $_size__tile_overlayer_lowered;
	s5 =	simm.s32 $_tile_overlayer_lowered  }
0x9b: {  	s22 =	simm.s32 $0x1BFF;
	s21 =	sshll.u32 s5, $0x1;
	s2 =	sadd.s32 s19, s18  }
0x9c: {  	s6 =	simm.s32 $0x0;
	s20 =	sshll.u32 s4, $0x1;
	s4 =	sadd.s32 s21, s2  }
0x9d: {  	[timem:s6], [sflag:s22] =	dma.local [hbm:s4], s20  }
0x9e: {  	_ =	swait.ge [sflag:s22], s20  }
0x9f: {  	s3 =	ssub.s32 $0x0, s20;
	[sflag:s22] =	ssyncset.done $0x0  }
0xa0: {  	[sflag:s22] =	ssyncadd.s32 s3;
	_ =	sdelay $0x1  }
0xa1: {  	s23 =	simm.s32 $0x1B8B  }
0xa2: {  	_ =	swait.ge [sflag:s23], $0x1  }
0xa3: {  	[sflag:s23] =	ssyncset.done $0x0  }
0xa4: {  	s25 =	simm.s32 $0x1B8E;
	s24 =	sld [smem:$0x3FFE];
	[sflag:s23] =	ssyncadd.s32 $0xFFFFFFFF  }
0xa5: {  	s26 =	simm.s32 $execute0_lowered;
	[smem:$0x3FD2] =	sst s25  }
0xa6: {  	s4 =	sshll.u32 s26, $0x1;
	_ =	strace $0x80000046;
	[dreg:$0x1] =	wrdreg $0xFFFFFFFF  }
0xa7: {  	s28 =	simm.s32 $_size_execute0_lowered;
	s2 =	sadd.s32 s2, s4;
	[dreg:$0x0] =	wrdreg $0x0  }
0xa8: {  	s4 =	sshll.u32 s28, $0x1;
	[dreg:$0x2] =	wrdreg s2  }
0xa9: {  	[dreg:$0x3] =	wrdreg s4  }
0xaa: {  	[dreg:$0x4] =	wrdreg $0xC0  }
0xab: {  	_ =	task [dreg:s6], $0x5FFFF  }
0xac: {  	[dreg:$0x1] =	wrdreg $0xFFFFFFFF  }
0xad: {  	[dreg:$0x0] =	wrdreg $0x60  }
0xae: {  	[dreg:$0x2] =	wrdreg s24  }
0xaf: {  	[dreg:$0x3] =	wrdreg $0x28800  }
0xb0: {  	[dreg:$0x4] =	wrdreg $0x9  }
0xb1: {  	_ =	task.clear_ibuf [dreg:s6], $0x5FFFF;
	_ =	strace $0x90000046  }
0xb2: {  	s29 =	simm.s32 $0x9;
	_ =	strace $0x80000048  }
0xb3: {  	_ =	swait.ge [sflag:s29], $0x1  }
0xb4: {  	[sflag:s29] =	ssyncadd.s32 $0xFFFFFFFF  }
0xb5: {  	_ =	strace $0x90000048  }
0xb6: {  	_ =	sfence  }
0xb7: {  	s30 =	sld [smem:$0x0];
	_ =	sdelay $0x2  }
0xb8: {  	s31 =	sshll.u32 s1, $0xD;
	s1 =	sshrl.u32 s1, $0x2  }
0xb9: {  	s3 =	sand.u32 $0x4000, s31;
	s1 =	sadd.s32 s1, s30  }
0xba: {  	s0 =	sor.u32 s3, s0;
	s1 =	sshll.u32 s1, $0x11  }
0xbb: {  	s0 =	sor.u32 s1, s0  }
0xbc: {  	s0 =	sadd.s32 $0x8F2B, s0  }
0xbd: {  	[sflag:s0] =	ssyncadd.remote.s32 $0x1  }
0xbe: {  	_ =	sfence.sel $0xFFFF  }
0xbf: {  	[dreg:$0x0] =	wrdreg $0xFFFFFFFF;
	(pc) =	sbr.abs _section_cstart, $3  }
0xc0: {  	[dreg:$0x1] =	wrdreg $0xFFFFFFFF  }
0xc1: {  	_ =	task.clear_ibuf [dreg:s6], $0x2FFFF;
	_ =	strace $0x9FFFFFFF  }
0xc2: {  	(tm) =	ssettm $0x7FFFFFFF  }
0xc3: {  	_ =	shalt  }
tec
execute0_lowered:
.L_overlay_start_1:
0x0: {  	(tag) =	ssettag $0x1  }
0x1: {  	s6 =	rddreg [dreg:$0x0];
	s1 =	srdreg.scid  }
0x2: {  	s0 =	stileid.u32;
	s2 =	rddreg [dreg:$0x1];
	s3 =	simm.s32 $0x0  }
0x3: {  	s12 =	simm.s32 $0x2800;
	s13 =	simm.s32 $0x1;
	s14 =	simm.s32 $0x0  }
0x4: {  	s4 =	sand.u32 $0x1, s1;
	s5 =	smul.u32 $0x280, s0;
	s1 =	rddreg [dreg:$0x2]  }
0x5: {  	[smem:$0x7FF] =	sst s3;
	s31 =	sshll.u32 s0, $0x6;
	s7 =	smul.u32 $0x2800, s4  }
0x6: {  	s8 =	sshll.u32 s4, $0x4;
	_ =	strace $0x80000047;
	s9 =	ssub.s32 $0x2, s4  }
0x7: {  	s4 =	sadd.s32 $0x16200, s6;
	s8 =	sor.u32 s0, s8;
	s10 =	sshrl.u32 s9, $0x1  }
0x8: {  	s11 =	sadd.s32 s5, s2;
	s7 =	sadd.s32 s5, s7;
	s8 =	smul.u32 $0x2800, s8  }
0x9: {  	s9 =	ssub.s32 s9, s10;
	s5 =	sor.u32 $0x1C02, s31;
	s7 =	sshrl.u32 s7, $0x3  }
0xa: {  	s10 =	simm.s32 $0x2;
	s7 =	sadd.s32 s7, s6;
	s8 =	sshrl.u32 s8, $0x3  }
0xb: {  	s6 =	sadd.s32 s6, s8;
	s7 =	sadd.s32 $0x16400, s7;
	s8 =	smax.u32 s9, $0x1  }
0xc: {  	v0 =	vimm.f32 $1.000000000e+00;
	s9 =	sshrl.u32 s11, $0x3;
	s11 =	simm.s32 $0x7D;
	s6 =	sadd.s32 $0xC200, s6  }
.LBB2_1:
0xd: {  	[spmem:s9], [sflag:s5] =	dma.local [hbm:s4], $0x50  }
0xe: {  	_ =	swait.ge [sflag:s10], $0x50  }
0xf: {  	[sflag:s10] =	ssyncset.done $0x0  }
0x10: {  	[sflag:s10] =	ssyncadd.s32 $0xFFFFFFB0  }
0x11: {  	[tilespmem:s3], [sflag:$0x2] =	stream.linear.gather [hbm4b:s6+s3], $0x2800, $0x38;
	[tilespmem:$0x2B00] =	vst v63  }
0x12: {  	_ =	swait.ge [sflag:s10], $0x2800  }
0x13: {  	[sflag:s10] =	ssyncset.done $0x0  }
0x14: {  	[sflag:s10] =	ssyncadd.s32 $0xFFFFD800  }
0x15: {  	[tilespmem:$0x2800] =	vst v0  }
0x16: {  	[tilespmem:$0x2810] =	vst v0  }
0x17: {  	[tilespmem:$0x2820] =	vst v0  }
0x18: {  	[tilespmem:$0x2830] =	vst v0  }
0x19: {  	[tilespmem:$0x2840] =	vst v0  }
0x1a: {  	[tilespmem:$0x2850] =	vst v0  }
0x1b: {  	[tilespmem:$0x2860] =	vst v0  }
0x1c: {  	[tilespmem:$0x286D] =	vst v0  }
0x1d: {  	s15 =	simm.s32 $0x0;
	[bflag:$0x0] =	sbarrier.arrive $0xFFFF  }
.LBB2_2:
0x1e: {  	p0 =	sne.s32 s15, $0x9E00  }
.Ltmp0:
0x1f: {  	_ = 	snop;
	(pc) =	sbr.rel @p0 .LBB2_2-.Ltmp0, $3  }
0x20: {  	_ =	sdelay $0x1  }
0x21: {  	s16 =	sshra.s32 s15, $0x2;
	s15 =	sadd.s32 $0x200, s15  }
0x22: {  	[spmem:s2] =	stream.indirect.scatter.add.f32 [tilespmem:s12], [sflag:$0x1], $0x1, s16, s11, $0xb8;
	[tilespmem:$0x2B00] =	vst v63  }
0x23: {  	_ =	swait.ge [sflag:s13], $0x7D  }
0x24: {  	s15 =	simm.s32 $0x4F;
	[sflag:s13] =	ssyncset.done $0x0  }
.LBB2_4:
0x25: {  	p0 =	sne.s32 s15, $0x1;
	s15 =	sadd.s32 $0xFFFFFFFF, s15;
	[sflag:s13] =	ssyncadd.s32 $0xFFFFFF83  }
.Ltmp1:
0x26: {  	(pc) =	sbr.rel @p0 .LBB2_4-.Ltmp1, $3  }
0x27: {  	_ =	sdelay $0x1  }
0x28: {  	_ =	swait.ge [sflag:s13], $0x7D  }
0x29: {  	[sflag:s13] =	ssyncset.done $0x0  }
0x2a: {  	s14 =	sadd.s32 $0x1, s14  }
0x2b: {  	[sflag:s13] =	ssyncadd.s32 $0xFFFFFF83;
	p0 =	sne.s32 s14, s8  }
.Ltmp2:
0x2c: {  	[bflag:$0x0] =	sbarrier.arrive $0xFFFF;
	(pc) =	sbr.rel @p0 .LBB2_1-.Ltmp2, $4  }
0x2d: {  	[hbm:s7], [sflag:s5] =	dma.local [spmem:s9], $0x50  }
0x2e: {  	_ =	swait.ge [sflag:s10], $0x50  }
0x2f: {  	[sflag:s10] =	ssyncset.done $0x0  }
0x30: {  	[sflag:s10] =	ssyncadd.s32 $0xFFFFFFB0  }
0x31: {  	_ =	sfence.sel $0x180000  }
0x32: {  	[bflag:$0x0] =	sbarrier.arrive $0xFFFF  }
0x33: {  	p0 =	sne.s32 s0, $0x0;
	_ =	strace $0x90000047  }
0x34: {  	s0 =	sadd.s32 @!p0 $0x100000, s1;
	[bflag:$0x2] =	sbarrier.arrive $0xFFFF  }
0x35: {  	[sflag:s0] =	ssyncadd.tile.s32 @!p0 $0x1;
	_ =	shalt  }
.Lfunc_end2:
_tile_overlayer_lowered:
.L_overlay_start_2:
0x36: {  	(tag) =	ssettag $0x2  }
0x37: {  	s0 =	rddreg [dreg:$0x0];
	s2 =	stileid.u32  }
0x38: {  	s1 =	rddreg [dreg:$0x1];
	p0 =	sne.s32 s2, $0x0  }
0x39: {  	s3 =	rddreg [dreg:$0x2];
	[bflag:$0x3] =	sbarrier.arrive $0xFFFF;
	s2 =	simm.s32 @!p0 $0x1C02  }
0x3a: {  	[timem:s3], [sflag:s2] =	dma.local @!p0 [hbm:s0], s1  }
0x3b: {  	s0 =	simm.s32 @!p0 $0x2  }
0x3c: {  	_ =	swait.ge @!p0 [sflag:s0], s1  }
0x3d: {  	s1 =	ssub.s32 @!p0 $0x0, s1;
	[sflag:s0] =	ssyncset.done @!p0 $0x0  }
0x3e: {  	[sflag:s0] =	ssyncadd.s32 @!p0 s1  }
0x3f: {  	[bflag:$0x3] =	sbarrier.arrive $0xFFFF  }
0x40: {  	_ =	shalt  }

</sc_bundles>
